<compile_context>
chip_gen: v7x
topology: tpu7x:2x2x1
jax: 0.10.2.dev20260603
libtpu: 0.0.44.dev20260713+nightly
codegen_flags: <defaults>
</compile_context>

<pallas_src>
import functools

import jax
import jax.numpy as jnp
from jax import lax
from jax.experimental import pallas as pl
from jax.experimental.pallas import tpu as pltpu
from jax.experimental.pallas import tpu_sc as plsc


def kernel(x, token_table, pos_table):
    B, M = x.shape
    V, D = token_table.shape
    NC, NS = 2, 16
    NW = NC * NS
    R = B * M
    per_w = R // NW
    CH = 4 * M
    NCHUNK = per_w // CH
    G = 100
    NG = CH // G
    NBUF = 4
    NSTEP = NCHUNK // NBUF

    assert per_w * NW == R and NCHUNK * CH == per_w and NG * G == CH
    assert NSTEP * NBUF == NCHUNK

    x_flat = x.astype(jnp.int32).reshape(NW * NCHUNK, NG, G)

    mesh = plsc.VectorSubcoreMesh(core_axis_name="c", subcore_axis_name="s")

    @functools.partial(
        pl.kernel,
        mesh=mesh,
        compiler_params=pltpu.CompilerParams(use_tc_tiling_on_sc=False),
        out_type=jax.ShapeDtypeStruct((R, D), jnp.float32),
        scratch_types=[
            pltpu.VMEM((NBUF, NG, G), jnp.int32),
            pltpu.VMEM((NBUF, CH, D), jnp.float32),
            pltpu.VMEM((M, D), jnp.float32),
            pltpu.SemaphoreType.DMA,
            pltpu.SemaphoreType.DMA,
            pltpu.SemaphoreType.DMA,
            pltpu.SemaphoreType.DMA,
            pltpu.SemaphoreType.DMA,
            pltpu.SemaphoreType.DMA,
            pltpu.SemaphoreType.DMA,
            pltpu.SemaphoreType.DMA,
            pltpu.SemaphoreType.DMA,
            pltpu.SemaphoreType.DMA,
            pltpu.SemaphoreType.DMA,
            pltpu.SemaphoreType.DMA,
        ],
    )
    def sc_kernel(x_hbm, tok_hbm, pos_hbm, out_hbm, idx_v, rows_v, pos_v,
                  g0, g1, g2, g3, w0, w1, w2, w3, i0, i1, i2, i3):
        wid = lax.axis_index("s") * NC + lax.axis_index("c")
        gsem = [g0, g1, g2, g3]
        wsem = [w0, w1, w2, w3]
        isem = [i0, i1, i2, i3]
        pltpu.sync_copy(pos_hbm, pos_v)

        def fire_idx(c, nb):
            pltpu.async_copy(x_hbm.at[wid * NCHUNK + c], idx_v.at[nb], isem[nb])

        def wait_idx(c, nb):
            pltpu.make_async_copy(
                x_hbm.at[wid * NCHUNK + c], idx_v.at[nb], isem[nb]
            ).wait()

        def fire_gathers(nb):
            for g in range(NG):
                pltpu.async_copy(
                    tok_hbm.at[idx_v.at[nb, g]],
                    rows_v.at[nb].at[pl.ds(g * G, G)],
                    gsem[nb],
                )

        def wait_gathers(nb):
            for g in range(NG):
                pltpu.make_async_copy(
                    tok_hbm.at[idx_v.at[nb, g]],
                    rows_v.at[nb].at[pl.ds(g * G, G)],
                    gsem[nb],
                ).wait()

        def add_pos(nb):
            rb = rows_v.at[nb]

            def add_body(m, carry):
                p0 = pos_v[m, pl.ds(0, 16)]
                p1 = pos_v[m, pl.ds(16, 16)]
                for rep in range(CH // M):
                    r = rep * M + m
                    rb[r, pl.ds(0, 16)] = rb[r, pl.ds(0, 16)] + p0
                    rb[r, pl.ds(16, 16)] = rb[r, pl.ds(16, 16)] + p1
                return carry

            lax.fori_loop(0, M, add_body, 0)

        def fire_writeout(c, nb):
            pltpu.async_copy(
                rows_v.at[nb],
                out_hbm.at[pl.ds((wid * NCHUNK + c) * CH, CH)],
                wsem[nb],
            )

        def wait_writeout(c, nb):
            pltpu.make_async_copy(
                rows_v.at[nb],
                out_hbm.at[pl.ds((wid * NCHUNK + c) * CH, CH)],
                wsem[nb],
            ).wait()

        fire_idx(0, 0)
        fire_idx(1, 1)
        wait_idx(0, 0)
        fire_gathers(0)

        def outer(i, carry):
            for j in range(NBUF):
                c = NBUF * i + j

                jb2 = (j + 2) % NBUF
                if j < 2:
                    fire_idx(c + 2, jb2)
                else:
                    @pl.when(i < NSTEP - 1)
                    def _():
                        fire_idx(c + 2, jb2)

                jb1 = (j + 1) % NBUF
                if j == NBUF - 1:
                    wait_writeout(c - 3, jb1)
                else:
                    @pl.when(i > 0)
                    def _():
                        wait_writeout(c - 3, jb1)

                if j == NBUF - 1:
                    @pl.when(i < NSTEP - 1)
                    def _():
                        wait_idx(c + 1, jb1)
                        fire_gathers(jb1)
                else:
                    wait_idx(c + 1, jb1)
                    fire_gathers(jb1)

                wait_gathers(j)
                add_pos(j)
                fire_writeout(c, j)
            return carry

        lax.fori_loop(0, NSTEP, outer, 0)
        wait_writeout(NCHUNK - 3, 1)
        wait_writeout(NCHUNK - 2, 2)
        wait_writeout(NCHUNK - 1, 3)

    out = sc_kernel(x_flat, token_table, pos_table)
    return out.reshape(B, M, D)

# --- scband reference (transcript-rebuilt; emitter-appended) ---
"""Pipeline reference for scband-token-and-position-embedding-39290360823985 (READ-ONLY COPY).

The authoritative reference and input builder live on the scoring server;
editing this copy changes nothing except your own understanding.
"""

import jax, jax.numpy as jnp
import numpy as np

MAXLEN = 200
VOCAB = 1000000
EMBED_DIM = 32
BATCH = 4096

def setup_inputs(seed: int = 0) -> dict:
    key = jax.random.key(seed)
    k1, k2, k3 = jax.random.split(key, 3)
    x = jax.random.randint(k1, (BATCH, MAXLEN), 0, VOCAB, dtype=jnp.int64 if jax.config.jax_enable_x64 else jnp.int32)
    token_table = jax.random.normal(k2, (VOCAB, EMBED_DIM), dtype=jnp.float32) * 0.05
    pos_table = jax.random.normal(k3, (MAXLEN, EMBED_DIM), dtype=jnp.float32) * 0.05
    return {"x": x, "token_table": token_table, "pos_table": pos_table}

def reference(x, token_table, pos_table):
    # maxlen = tf.shape(x)[-1]; positions = range(maxlen)
    maxlen = x.shape[-1]
    positions = jnp.arange(0, maxlen)
    pos_embed = jnp.take(pos_table, positions, axis=0)  # [maxlen, d]
    tok_embed = jnp.take(token_table, x, axis=0)        # [B, maxlen, d]
    return tok_embed + pos_embed[None, :, :]

if __name__ == "__main__":
    import jax
    _d = setup_inputs()
    print(jax.jit(kernel)(*tuple(_d.values())))

</pallas_src>

<mosaic_0001>
#map = affine_map<(d0, d1) -> (0, 0, 0)>
#map1 = affine_map<(d0, d1) -> (0, 0)>
module attributes {stable_mosaic.version = 14 : i64} {
  func.func @sc_kernel(%arg0: i32, %arg1: i32, %arg2: memref<1024x8x100xi32, #tpu.memory_space<hbm>>, %arg3: memref<1000000x32xf32, #tpu.memory_space<hbm>>, %arg4: memref<200x32xf32, #tpu.memory_space<hbm>>, %arg5: memref<819200x32xf32, #tpu.memory_space<hbm>>, %arg6: memref<4x8x100xi32, #tpu.memory_space<vmem>>, %arg7: memref<4x800x32xf32, #tpu.memory_space<vmem>>, %arg8: memref<200x32xf32, #tpu.memory_space<vmem>>, %arg9: memref<!tpu.dma_semaphore, #tpu.memory_space<semaphore_mem>>, %arg10: memref<!tpu.dma_semaphore, #tpu.memory_space<semaphore_mem>>, %arg11: memref<!tpu.dma_semaphore, #tpu.memory_space<semaphore_mem>>, %arg12: memref<!tpu.dma_semaphore, #tpu.memory_space<semaphore_mem>>, %arg13: memref<!tpu.dma_semaphore, #tpu.memory_space<semaphore_mem>>, %arg14: memref<!tpu.dma_semaphore, #tpu.memory_space<semaphore_mem>>, %arg15: memref<!tpu.dma_semaphore, #tpu.memory_space<semaphore_mem>>, %arg16: memref<!tpu.dma_semaphore, #tpu.memory_space<semaphore_mem>>, %arg17: memref<!tpu.dma_semaphore, #tpu.memory_space<semaphore_mem>>, %arg18: memref<!tpu.dma_semaphore, #tpu.memory_space<semaphore_mem>>, %arg19: memref<!tpu.dma_semaphore, #tpu.memory_space<semaphore_mem>>, %arg20: memref<!tpu.dma_semaphore, #tpu.memory_space<semaphore_mem>>) attributes {dimension_semantics = [#tpu.dimension_semantics<core_parallel>, #tpu.dimension_semantics<subcore_parallel>], iteration_bounds = array<i64: 2, 16>, scalar_prefetch = 0 : i64, scratch_operands = 15 : i64, tpu.core_type = #tpu.core_type<sc_vector_subcore>, window_params = [{transform_indices = #map}, {transform_indices = #map1}, {transform_indices = #map1}, {transform_indices = #map1}]} {
    %mul3A = arith.constant 2 : i32
    %mul3A_0 = arith.muli %arg1, %mul3A : i32
    %add3A = arith.addi %mul3A_0, %arg0 : i32
    "tpu.region"() ({
      %run_scoped3A = tpu.sem_alloc : memref<!tpu.dma_semaphore, #tpu.memory_space<semaphore_mem>>
      tpu.enqueue_dma source(%arg4 : memref<200x32xf32, #tpu.memory_space<hbm>>) target(%arg8 : memref<200x32xf32, #tpu.memory_space<vmem>>) target_semaphore(%run_scoped3A : memref<!tpu.dma_semaphore, #tpu.memory_space<semaphore_mem>>)
      tpu.wait_dma2 semaphore(%run_scoped3A : memref<!tpu.dma_semaphore, #tpu.memory_space<semaphore_mem>>) src(%arg4 : memref<200x32xf32, #tpu.memory_space<hbm>>) dst(%arg8 : memref<200x32xf32, #tpu.memory_space<vmem>>)
      tpu.yield
    }) : () -> ()
    %mul3A_1 = arith.constant 32 : i32
    %mul3A_2 = arith.muli %add3A, %mul3A_1 : i32
    %add3A_3 = arith.constant 0 : i32
    %add3A_4 = arith.addi %mul3A_2, %add3A_3 : i32
    %dma_start3A = arith.constant 0 : i32
    %dma_start3A_5 = arith.constant 0 : i32
    %dma_start3A_6 = arith.constant 0 : i32
    %dma_start3A_7 = tpu.memref_slice %arg6[%dma_start3A, %dma_start3A_5, %dma_start3A_6] : memref<4x8x100xi32, #tpu.memory_space<vmem>> -> memref<1x8x100xi32, #tpu.memory_space<vmem>>
    %dma_start3A_8 = tpu.memref_squeeze %dma_start3A_7 : memref<1x8x100xi32, #tpu.memory_space<vmem>> -> memref<8x100xi32, #tpu.memory_space<vmem>>
    %dma_start3A_9 = arith.constant 0 : i32
    %dma_start3A_10 = arith.constant 0 : i32
    %dma_start3A_11 = tpu.memref_slice %arg2[%add3A_4, %dma_start3A_9, %dma_start3A_10] : memref<1024x8x100xi32, #tpu.memory_space<hbm>> -> memref<1x8x100xi32, #tpu.memory_space<hbm>>
    %dma_start3A_12 = tpu.memref_squeeze %dma_start3A_11 : memref<1x8x100xi32, #tpu.memory_space<hbm>> -> memref<8x100xi32, #tpu.memory_space<hbm>>
    %dma_start3A_13 = arith.constant 0 : i32
    %dma_start3A_14 = arith.constant 0 : i32
    %dma_start3A_15 = tpu.memref_slice %arg6[%dma_start3A, %dma_start3A_13, %dma_start3A_14] : memref<4x8x100xi32, #tpu.memory_space<vmem>> -> memref<1x8x100xi32, #tpu.memory_space<vmem>>
    %dma_start3A_16 = tpu.memref_squeeze %dma_start3A_15 : memref<1x8x100xi32, #tpu.memory_space<vmem>> -> memref<8x100xi32, #tpu.memory_space<vmem>>
    %dma_start3A_17 = arith.constant 0 : i32
    %dma_start3A_18 = arith.constant 0 : i32
    %dma_start3A_19 = tpu.memref_slice %arg2[%add3A_4, %dma_start3A_17, %dma_start3A_18] : memref<1024x8x100xi32, #tpu.memory_space<hbm>> -> memref<1x8x100xi32, #tpu.memory_space<hbm>>
    %dma_start3A_20 = tpu.memref_squeeze %dma_start3A_19 : memref<1x8x100xi32, #tpu.memory_space<hbm>> -> memref<8x100xi32, #tpu.memory_space<hbm>>
    tpu.enqueue_dma source(%dma_start3A_20 : memref<8x100xi32, #tpu.memory_space<hbm>>) target(%dma_start3A_16 : memref<8x100xi32, #tpu.memory_space<vmem>>) target_semaphore(%arg17 : memref<!tpu.dma_semaphore, #tpu.memory_space<semaphore_mem>>)
    %mul3A_21 = arith.constant 32 : i32
    %mul3A_22 = arith.muli %add3A, %mul3A_21 : i32
    %add3A_23 = arith.constant 1 : i32
    %add3A_24 = arith.addi %mul3A_22, %add3A_23 : i32
    %dma_start3A_25 = arith.constant 1 : i32
    %dma_start3A_26 = arith.constant 0 : i32
    %dma_start3A_27 = arith.constant 0 : i32
    %dma_start3A_28 = tpu.memref_slice %arg6[%dma_start3A_25, %dma_start3A_26, %dma_start3A_27] : memref<4x8x100xi32, #tpu.memory_space<vmem>> -> memref<1x8x100xi32, #tpu.memory_space<vmem>>
    %dma_start3A_29 = tpu.memref_squeeze %dma_start3A_28 : memref<1x8x100xi32, #tpu.memory_space<vmem>> -> memref<8x100xi32, #tpu.memory_space<vmem>>
    %dma_start3A_30 = arith.constant 0 : i32
    %dma_start3A_31 = arith.constant 0 : i32
    %dma_start3A_32 = tpu.memref_slice %arg2[%add3A_24, %dma_start3A_30, %dma_start3A_31] : memref<1024x8x100xi32, #tpu.memory_space<hbm>> -> memref<1x8x100xi32, #tpu.memory_space<hbm>>
    %dma_start3A_33 = tpu.memref_squeeze %dma_start3A_32 : memref<1x8x100xi32, #tpu.memory_space<hbm>> -> memref<8x100xi32, #tpu.memory_space<hbm>>
    %dma_start3A_34 = arith.constant 0 : i32
    %dma_start3A_35 = arith.constant 0 : i32
    %dma_start3A_36 = tpu.memref_slice %arg6[%dma_start3A_25, %dma_start3A_34, %dma_start3A_35] : memref<4x8x100xi32, #tpu.memory_space<vmem>> -> memref<1x8x100xi32, #tpu.memory_space<vmem>>
    %dma_start3A_37 = tpu.memref_squeeze %dma_start3A_36 : memref<1x8x100xi32, #tpu.memory_space<vmem>> -> memref<8x100xi32, #tpu.memory_space<vmem>>
    %dma_start3A_38 = arith.constant 0 : i32
    %dma_start3A_39 = arith.constant 0 : i32
    %dma_start3A_40 = tpu.memref_slice %arg2[%add3A_24, %dma_start3A_38, %dma_start3A_39] : memref<1024x8x100xi32, #tpu.memory_space<hbm>> -> memref<1x8x100xi32, #tpu.memory_space<hbm>>
    %dma_start3A_41 = tpu.memref_squeeze %dma_start3A_40 : memref<1x8x100xi32, #tpu.memory_space<hbm>> -> memref<8x100xi32, #tpu.memory_space<hbm>>
    tpu.enqueue_dma source(%dma_start3A_41 : memref<8x100xi32, #tpu.memory_space<hbm>>) target(%dma_start3A_37 : memref<8x100xi32, #tpu.memory_space<vmem>>) target_semaphore(%arg18 : memref<!tpu.dma_semaphore, #tpu.memory_space<semaphore_mem>>)
    %mul3A_42 = arith.constant 32 : i32
    %mul3A_43 = arith.muli %add3A, %mul3A_42 : i32
    %add3A_44 = arith.constant 0 : i32
    %add3A_45 = arith.addi %mul3A_43, %add3A_44 : i32
    %dma_wait3A = arith.constant 0 : i32
    %dma_wait3A_46 = arith.constant 0 : i32
    %dma_wait3A_47 = arith.constant 0 : i32
    %dma_wait3A_48 = tpu.memref_slice %arg6[%dma_wait3A, %dma_wait3A_46, %dma_wait3A_47] : memref<4x8x100xi32, #tpu.memory_space<vmem>> -> memref<1x8x100xi32, #tpu.memory_space<vmem>>
    %dma_wait3A_49 = tpu.memref_squeeze %dma_wait3A_48 : memref<1x8x100xi32, #tpu.memory_space<vmem>> -> memref<8x100xi32, #tpu.memory_space<vmem>>
    %dma_wait3A_50 = arith.constant 0 : i32
    %dma_wait3A_51 = arith.constant 0 : i32
    %dma_wait3A_52 = tpu.memref_slice %arg2[%add3A_45, %dma_wait3A_50, %dma_wait3A_51] : memref<1024x8x100xi32, #tpu.memory_space<hbm>> -> memref<1x8x100xi32, #tpu.memory_space<hbm>>
    %dma_wait3A_53 = tpu.memref_squeeze %dma_wait3A_52 : memref<1x8x100xi32, #tpu.memory_space<hbm>> -> memref<8x100xi32, #tpu.memory_space<hbm>>
    %dma_wait3A_54 = arith.constant 0 : i32
    %dma_wait3A_55 = arith.constant 0 : i32
    %dma_wait3A_56 = tpu.memref_slice %arg6[%dma_wait3A, %dma_wait3A_54, %dma_wait3A_55] : memref<4x8x100xi32, #tpu.memory_space<vmem>> -> memref<1x8x100xi32, #tpu.memory_space<vmem>>
    %dma_wait3A_57 = tpu.memref_squeeze %dma_wait3A_56 : memref<1x8x100xi32, #tpu.memory_space<vmem>> -> memref<8x100xi32, #tpu.memory_space<vmem>>
    %dma_wait3A_58 = arith.constant 0 : i32
    %dma_wait3A_59 = arith.constant 0 : i32
    %dma_wait3A_60 = tpu.memref_slice %arg2[%add3A_45, %dma_wait3A_58, %dma_wait3A_59] : memref<1024x8x100xi32, #tpu.memory_space<hbm>> -> memref<1x8x100xi32, #tpu.memory_space<hbm>>
    %dma_wait3A_61 = tpu.memref_squeeze %dma_wait3A_60 : memref<1x8x100xi32, #tpu.memory_space<hbm>> -> memref<8x100xi32, #tpu.memory_space<hbm>>
    tpu.wait_dma2 semaphore(%arg17 : memref<!tpu.dma_semaphore, #tpu.memory_space<semaphore_mem>>) src(%dma_wait3A_61 : memref<8x100xi32, #tpu.memory_space<hbm>>) dst(%dma_wait3A_57 : memref<8x100xi32, #tpu.memory_space<vmem>>)
    %dma_start3A_62 = arith.constant 0 : i32
    %dma_start3A_63 = arith.constant 0 : i32
    %dma_start3A_64 = arith.constant 0 : i32
    %dma_start3A_65 = arith.constant 0 : i32
    %dma_start3A_66 = arith.constant 0 : i32
    %dma_start3A_67 = tpu.memref_slice %arg7[%dma_start3A_64, %dma_start3A_65, %dma_start3A_66] : memref<4x800x32xf32, #tpu.memory_space<vmem>> -> memref<1x800x32xf32, #tpu.memory_space<vmem>>
    %dma_start3A_68 = tpu.memref_squeeze %dma_start3A_67 : memref<1x800x32xf32, #tpu.memory_space<vmem>> -> memref<800x32xf32, #tpu.memory_space<vmem>>
    %dma_start3A_69 = arith.constant 0 : i32
    %dma_start3A_70 = arith.constant 0 : i32
    %dma_start3A_71 = tpu.memref_slice %dma_start3A_68[%dma_start3A_69, %dma_start3A_70] : memref<800x32xf32, #tpu.memory_space<vmem>> -> memref<100x32xf32, #tpu.memory_space<vmem>>
    %dma_start3A_72 = arith.constant 0 : i32
    %dma_start3A_73 = tpu.memref_slice %arg6[%dma_start3A_62, %dma_start3A_63, %dma_start3A_72] : memref<4x8x100xi32, #tpu.memory_space<vmem>> -> memref<1x1x100xi32, #tpu.memory_space<vmem>>
    %dma_start3A_74 = tpu.memref_squeeze %dma_start3A_73 : memref<1x1x100xi32, #tpu.memory_space<vmem>> -> memref<100xi32, #tpu.memory_space<vmem>>
    %dma_start3A_75 = arith.constant 0 : i32
    %dma_start3A_76 = arith.constant 0 : i32
    %dma_start3A_77 = tpu.memref_slice %arg3[%dma_start3A_75, %dma_start3A_76] : memref<1000000x32xf32, #tpu.memory_space<hbm>> -> memref<1000000x32xf32, #tpu.memory_space<hbm>>
    tpu.enqueue_indirect_dma source(%dma_start3A_77 : memref<1000000x32xf32, #tpu.memory_space<hbm>>) target(%dma_start3A_71 : memref<100x32xf32, #tpu.memory_space<vmem>>) offsets(%dma_start3A_74 : memref<100xi32, #tpu.memory_space<vmem>>) semaphore(%arg9 : memref<!tpu.dma_semaphore, #tpu.memory_space<semaphore_mem>>)
    %dma_start3A_78 = arith.constant 0 : i32
    %dma_start3A_79 = arith.constant 1 : i32
    %dma_start3A_80 = arith.constant 0 : i32
    %dma_start3A_81 = arith.constant 0 : i32
    %dma_start3A_82 = arith.constant 0 : i32
    %dma_start3A_83 = tpu.memref_slice %arg7[%dma_start3A_80, %dma_start3A_81, %dma_start3A_82] : memref<4x800x32xf32, #tpu.memory_space<vmem>> -> memref<1x800x32xf32, #tpu.memory_space<vmem>>
    %dma_start3A_84 = tpu.memref_squeeze %dma_start3A_83 : memref<1x800x32xf32, #tpu.memory_space<vmem>> -> memref<800x32xf32, #tpu.memory_space<vmem>>
    %dma_start3A_85 = arith.constant 100 : i32
    %dma_start3A_86 = arith.constant 0 : i32
    %dma_start3A_87 = tpu.memref_slice %dma_start3A_84[%dma_start3A_85, %dma_start3A_86] : memref<800x32xf32, #tpu.memory_space<vmem>> -> memref<100x32xf32, #tpu.memory_space<vmem>>
    %dma_start3A_88 = arith.constant 0 : i32
    %dma_start3A_89 = tpu.memref_slice %arg6[%dma_start3A_78, %dma_start3A_79, %dma_start3A_88] : memref<4x8x100xi32, #tpu.memory_space<vmem>> -> memref<1x1x100xi32, #tpu.memory_space<vmem>>
    %dma_start3A_90 = tpu.memref_squeeze %dma_start3A_89 : memref<1x1x100xi32, #tpu.memory_space<vmem>> -> memref<100xi32, #tpu.memory_space<vmem>>
    %dma_start3A_91 = arith.constant 0 : i32
    %dma_start3A_92 = arith.constant 0 : i32
    %dma_start3A_93 = tpu.memref_slice %arg3[%dma_start3A_91, %dma_start3A_92] : memref<1000000x32xf32, #tpu.memory_space<hbm>> -> memref<1000000x32xf32, #tpu.memory_space<hbm>>
    tpu.enqueue_indirect_dma source(%dma_start3A_93 : memref<1000000x32xf32, #tpu.memory_space<hbm>>) target(%dma_start3A_87 : memref<100x32xf32, #tpu.memory_space<vmem>>) offsets(%dma_start3A_90 : memref<100xi32, #tpu.memory_space<vmem>>) semaphore(%arg9 : memref<!tpu.dma_semaphore, #tpu.memory_space<semaphore_mem>>)
    %dma_start3A_94 = arith.constant 0 : i32
    %dma_start3A_95 = arith.constant 2 : i32
    %dma_start3A_96 = arith.constant 0 : i32
    %dma_start3A_97 = arith.constant 0 : i32
    %dma_start3A_98 = arith.constant 0 : i32
    %dma_start3A_99 = tpu.memref_slice %arg7[%dma_start3A_96, %dma_start3A_97, %dma_start3A_98] : memref<4x800x32xf32, #tpu.memory_space<vmem>> -> memref<1x800x32xf32, #tpu.memory_space<vmem>>
    %dma_start3A_100 = tpu.memref_squeeze %dma_start3A_99 : memref<1x800x32xf32, #tpu.memory_space<vmem>> -> memref<800x32xf32, #tpu.memory_space<vmem>>
    %dma_start3A_101 = arith.constant 200 : i32
    %dma_start3A_102 = arith.constant 0 : i32
    %dma_start3A_103 = tpu.memref_slice %dma_start3A_100[%dma_start3A_101, %dma_start3A_102] : memref<800x32xf32, #tpu.memory_space<vmem>> -> memref<100x32xf32, #tpu.memory_space<vmem>>
    %dma_start3A_104 = arith.constant 0 : i32
    %dma_start3A_105 = tpu.memref_slice %arg6[%dma_start3A_94, %dma_start3A_95, %dma_start3A_104] : memref<4x8x100xi32, #tpu.memory_space<vmem>> -> memref<1x1x100xi32, #tpu.memory_space<vmem>>
    %dma_start3A_106 = tpu.memref_squeeze %dma_start3A_105 : memref<1x1x100xi32, #tpu.memory_space<vmem>> -> memref<100xi32, #tpu.memory_space<vmem>>
    %dma_start3A_107 = arith.constant 0 : i32
    %dma_start3A_108 = arith.constant 0 : i32
    %dma_start3A_109 = tpu.memref_slice %arg3[%dma_start3A_107, %dma_start3A_108] : memref<1000000x32xf32, #tpu.memory_space<hbm>> -> memref<1000000x32xf32, #tpu.memory_space<hbm>>
    tpu.enqueue_indirect_dma source(%dma_start3A_109 : memref<1000000x32xf32, #tpu.memory_space<hbm>>) target(%dma_start3A_103 : memref<100x32xf32, #tpu.memory_space<vmem>>) offsets(%dma_start3A_106 : memref<100xi32, #tpu.memory_space<vmem>>) semaphore(%arg9 : memref<!tpu.dma_semaphore, #tpu.memory_space<semaphore_mem>>)
    %dma_start3A_110 = arith.constant 0 : i32
    %dma_start3A_111 = arith.constant 3 : i32
    %dma_start3A_112 = arith.constant 0 : i32
    %dma_start3A_113 = arith.constant 0 : i32
    %dma_start3A_114 = arith.constant 0 : i32
    %dma_start3A_115 = tpu.memref_slice %arg7[%dma_start3A_112, %dma_start3A_113, %dma_start3A_114] : memref<4x800x32xf32, #tpu.memory_space<vmem>> -> memref<1x800x32xf32, #tpu.memory_space<vmem>>
    %dma_start3A_116 = tpu.memref_squeeze %dma_start3A_115 : memref<1x800x32xf32, #tpu.memory_space<vmem>> -> memref<800x32xf32, #tpu.memory_space<vmem>>
    %dma_start3A_117 = arith.constant 300 : i32
    %dma_start3A_118 = arith.constant 0 : i32
    %dma_start3A_119 = tpu.memref_slice %dma_start3A_116[%dma_start3A_117, %dma_start3A_118] : memref<800x32xf32, #tpu.memory_space<vmem>> -> memref<100x32xf32, #tpu.memory_space<vmem>>
    %dma_start3A_120 = arith.constant 0 : i32
    %dma_start3A_121 = tpu.memref_slice %arg6[%dma_start3A_110, %dma_start3A_111, %dma_start3A_120] : memref<4x8x100xi32, #tpu.memory_space<vmem>> -> memref<1x1x100xi32, #tpu.memory_space<vmem>>
    %dma_start3A_122 = tpu.memref_squeeze %dma_start3A_121 : memref<1x1x100xi32, #tpu.memory_space<vmem>> -> memref<100xi32, #tpu.memory_space<vmem>>
    %dma_start3A_123 = arith.constant 0 : i32
    %dma_start3A_124 = arith.constant 0 : i32
    %dma_start3A_125 = tpu.memref_slice %arg3[%dma_start3A_123, %dma_start3A_124] : memref<1000000x32xf32, #tpu.memory_space<hbm>> -> memref<1000000x32xf32, #tpu.memory_space<hbm>>
    tpu.enqueue_indirect_dma source(%dma_start3A_125 : memref<1000000x32xf32, #tpu.memory_space<hbm>>) target(%dma_start3A_119 : memref<100x32xf32, #tpu.memory_space<vmem>>) offsets(%dma_start3A_122 : memref<100xi32, #tpu.memory_space<vmem>>) semaphore(%arg9 : memref<!tpu.dma_semaphore, #tpu.memory_space<semaphore_mem>>)
    %dma_start3A_126 = arith.constant 0 : i32
    %dma_start3A_127 = arith.constant 4 : i32
    %dma_start3A_128 = arith.constant 0 : i32
    %dma_start3A_129 = arith.constant 0 : i32
    %dma_start3A_130 = arith.constant 0 : i32
    %dma_start3A_131 = tpu.memref_slice %arg7[%dma_start3A_128, %dma_start3A_129, %dma_start3A_130] : memref<4x800x32xf32, #tpu.memory_space<vmem>> -> memref<1x800x32xf32, #tpu.memory_space<vmem>>
    %dma_start3A_132 = tpu.memref_squeeze %dma_start3A_131 : memref<1x800x32xf32, #tpu.memory_space<vmem>> -> memref<800x32xf32, #tpu.memory_space<vmem>>
    %dma_start3A_133 = arith.constant 400 : i32
    %dma_start3A_134 = arith.constant 0 : i32
    %dma_start3A_135 = tpu.memref_slice %dma_start3A_132[%dma_start3A_133, %dma_start3A_134] : memref<800x32xf32, #tpu.memory_space<vmem>> -> memref<100x32xf32, #tpu.memory_space<vmem>>
    %dma_start3A_136 = arith.constant 0 : i32
    %dma_start3A_137 = tpu.memref_slice %arg6[%dma_start3A_126, %dma_start3A_127, %dma_start3A_136] : memref<4x8x100xi32, #tpu.memory_space<vmem>> -> memref<1x1x100xi32, #tpu.memory_space<vmem>>
    %dma_start3A_138 = tpu.memref_squeeze %dma_start3A_137 : memref<1x1x100xi32, #tpu.memory_space<vmem>> -> memref<100xi32, #tpu.memory_space<vmem>>
    %dma_start3A_139 = arith.constant 0 : i32
    %dma_start3A_140 = arith.constant 0 : i32
    %dma_start3A_141 = tpu.memref_slice %arg3[%dma_start3A_139, %dma_start3A_140] : memref<1000000x32xf32, #tpu.memory_space<hbm>> -> memref<1000000x32xf32, #tpu.memory_space<hbm>>
    tpu.enqueue_indirect_dma source(%dma_start3A_141 : memref<1000000x32xf32, #tpu.memory_space<hbm>>) target(%dma_start3A_135 : memref<100x32xf32, #tpu.memory_space<vmem>>) offsets(%dma_start3A_138 : memref<100xi32, #tpu.memory_space<vmem>>) semaphore(%arg9 : memref<!tpu.dma_semaphore, #tpu.memory_space<semaphore_mem>>)
    %dma_start3A_142 = arith.constant 0 : i32
    %dma_start3A_143 = arith.constant 5 : i32
    %dma_start3A_144 = arith.constant 0 : i32
    %dma_start3A_145 = arith.constant 0 : i32
    %dma_start3A_146 = arith.constant 0 : i32
    %dma_start3A_147 = tpu.memref_slice %arg7[%dma_start3A_144, %dma_start3A_145, %dma_start3A_146] : memref<4x800x32xf32, #tpu.memory_space<vmem>> -> memref<1x800x32xf32, #tpu.memory_space<vmem>>
    %dma_start3A_148 = tpu.memref_squeeze %dma_start3A_147 : memref<1x800x32xf32, #tpu.memory_space<vmem>> -> memref<800x32xf32, #tpu.memory_space<vmem>>
    %dma_start3A_149 = arith.constant 500 : i32
    %dma_start3A_150 = arith.constant 0 : i32
    %dma_start3A_151 = tpu.memref_slice %dma_start3A_148[%dma_start3A_149, %dma_start3A_150] : memref<800x32xf32, #tpu.memory_space<vmem>> -> memref<100x32xf32, #tpu.memory_space<vmem>>
    %dma_start3A_152 = arith.constant 0 : i32
    %dma_start3A_153 = tpu.memref_slice %arg6[%dma_start3A_142, %dma_start3A_143, %dma_start3A_152] : memref<4x8x100xi32, #tpu.memory_space<vmem>> -> memref<1x1x100xi32, #tpu.memory_space<vmem>>
    %dma_start3A_154 = tpu.memref_squeeze %dma_start3A_153 : memref<1x1x100xi32, #tpu.memory_space<vmem>> -> memref<100xi32, #tpu.memory_space<vmem>>
    %dma_start3A_155 = arith.constant 0 : i32
    %dma_start3A_156 = arith.constant 0 : i32
    %dma_start3A_157 = tpu.memref_slice %arg3[%dma_start3A_155, %dma_start3A_156] : memref<1000000x32xf32, #tpu.memory_space<hbm>> -> memref<1000000x32xf32, #tpu.memory_space<hbm>>
    tpu.enqueue_indirect_dma source(%dma_start3A_157 : memref<1000000x32xf32, #tpu.memory_space<hbm>>) target(%dma_start3A_151 : memref<100x32xf32, #tpu.memory_space<vmem>>) offsets(%dma_start3A_154 : memref<100xi32, #tpu.memory_space<vmem>>) semaphore(%arg9 : memref<!tpu.dma_semaphore, #tpu.memory_space<semaphore_mem>>)
    %dma_start3A_158 = arith.constant 0 : i32
    %dma_start3A_159 = arith.constant 6 : i32
    %dma_start3A_160 = arith.constant 0 : i32
    %dma_start3A_161 = arith.constant 0 : i32
    %dma_start3A_162 = arith.constant 0 : i32
    %dma_start3A_163 = tpu.memref_slice %arg7[%dma_start3A_160, %dma_start3A_161, %dma_start3A_162] : memref<4x800x32xf32, #tpu.memory_space<vmem>> -> memref<1x800x32xf32, #tpu.memory_space<vmem>>
    %dma_start3A_164 = tpu.memref_squeeze %dma_start3A_163 : memref<1x800x32xf32, #tpu.memory_space<vmem>> -> memref<800x32xf32, #tpu.memory_space<vmem>>
    %dma_start3A_165 = arith.constant 600 : i32
    %dma_start3A_166 = arith.constant 0 : i32
    %dma_start3A_167 = tpu.memref_slice %dma_start3A_164[%dma_start3A_165, %dma_start3A_166] : memref<800x32xf32, #tpu.memory_space<vmem>> -> memref<100x32xf32, #tpu.memory_space<vmem>>
    %dma_start3A_168 = arith.constant 0 : i32
    %dma_start3A_169 = tpu.memref_slice %arg6[%dma_start3A_158, %dma_start3A_159, %dma_start3A_168] : memref<4x8x100xi32, #tpu.memory_space<vmem>> -> memref<1x1x100xi32, #tpu.memory_space<vmem>>
    %dma_start3A_170 = tpu.memref_squeeze %dma_start3A_169 : memref<1x1x100xi32, #tpu.memory_space<vmem>> -> memref<100xi32, #tpu.memory_space<vmem>>
    %dma_start3A_171 = arith.constant 0 : i32
    %dma_start3A_172 = arith.constant 0 : i32
    %dma_start3A_173 = tpu.memref_slice %arg3[%dma_start3A_171, %dma_start3A_172] : memref<1000000x32xf32, #tpu.memory_space<hbm>> -> memref<1000000x32xf32, #tpu.memory_space<hbm>>
    tpu.enqueue_indirect_dma source(%dma_start3A_173 : memref<1000000x32xf32, #tpu.memory_space<hbm>>) target(%dma_start3A_167 : memref<100x32xf32, #tpu.memory_space<vmem>>) offsets(%dma_start3A_170 : memref<100xi32, #tpu.memory_space<vmem>>) semaphore(%arg9 : memref<!tpu.dma_semaphore, #tpu.memory_space<semaphore_mem>>)
    %dma_start3A_174 = arith.constant 0 : i32
    %dma_start3A_175 = arith.constant 7 : i32
    %dma_start3A_176 = arith.constant 0 : i32
    %dma_start3A_177 = arith.constant 0 : i32
    %dma_start3A_178 = arith.constant 0 : i32
    %dma_start3A_179 = tpu.memref_slice %arg7[%dma_start3A_176, %dma_start3A_177, %dma_start3A_178] : memref<4x800x32xf32, #tpu.memory_space<vmem>> -> memref<1x800x32xf32, #tpu.memory_space<vmem>>
    %dma_start3A_180 = tpu.memref_squeeze %dma_start3A_179 : memref<1x800x32xf32, #tpu.memory_space<vmem>> -> memref<800x32xf32, #tpu.memory_space<vmem>>
    %dma_start3A_181 = arith.constant 700 : i32
    %dma_start3A_182 = arith.constant 0 : i32
    %dma_start3A_183 = tpu.memref_slice %dma_start3A_180[%dma_start3A_181, %dma_start3A_182] : memref<800x32xf32, #tpu.memory_space<vmem>> -> memref<100x32xf32, #tpu.memory_space<vmem>>
    %dma_start3A_184 = arith.constant 0 : i32
    %dma_start3A_185 = tpu.memref_slice %arg6[%dma_start3A_174, %dma_start3A_175, %dma_start3A_184] : memref<4x8x100xi32, #tpu.memory_space<vmem>> -> memref<1x1x100xi32, #tpu.memory_space<vmem>>
    %dma_start3A_186 = tpu.memref_squeeze %dma_start3A_185 : memref<1x1x100xi32, #tpu.memory_space<vmem>> -> memref<100xi32, #tpu.memory_space<vmem>>
    %dma_start3A_187 = arith.constant 0 : i32
    %dma_start3A_188 = arith.constant 0 : i32
    %dma_start3A_189 = tpu.memref_slice %arg3[%dma_start3A_187, %dma_start3A_188] : memref<1000000x32xf32, #tpu.memory_space<hbm>> -> memref<1000000x32xf32, #tpu.memory_space<hbm>>
    tpu.enqueue_indirect_dma source(%dma_start3A_189 : memref<1000000x32xf32, #tpu.memory_space<hbm>>) target(%dma_start3A_183 : memref<100x32xf32, #tpu.memory_space<vmem>>) offsets(%dma_start3A_186 : memref<100xi32, #tpu.memory_space<vmem>>) semaphore(%arg9 : memref<!tpu.dma_semaphore, #tpu.memory_space<semaphore_mem>>)
    %scan3A = arith.constant 0 : i32
    %scan3A_190 = arith.constant 0 : i32
    %scan3A_191 = arith.constant 8 : i32
    %scan3A_192 = arith.addi %scan3A_190, %scan3A_191 : i32
    %scan3A_193 = arith.constant 1 : i32
    scf.for %scan3A_252 = %scan3A_190 to %scan3A_192 step %scan3A_193  : i32 {
      %mul3A_253 = arith.constant 4 : i32
      %mul3A_254 = arith.muli %mul3A_253, %scan3A_252 : i32
      %add3A_255 = arith.constant 0 : i32
      %add3A_256 = arith.addi %mul3A_254, %add3A_255 : i32
      %add3A_257 = arith.constant 2 : i32
      %add3A_258 = arith.addi %add3A_256, %add3A_257 : i32
      %mul3A_259 = arith.constant 32 : i32
      %mul3A_260 = arith.muli %add3A, %mul3A_259 : i32
      %add3A_261 = arith.addi %mul3A_260, %add3A_258 : i32
      %dma_start3A_262 = arith.constant 2 : i32
      %dma_start3A_263 = arith.constant 0 : i32
      %dma_start3A_264 = arith.constant 0 : i32
      %dma_start3A_265 = tpu.memref_slice %arg6[%dma_start3A_262, %dma_start3A_263, %dma_start3A_264] : memref<4x8x100xi32, #tpu.memory_space<vmem>> -> memref<1x8x100xi32, #tpu.memory_space<vmem>>
      %dma_start3A_266 = tpu.memref_squeeze %dma_start3A_265 : memref<1x8x100xi32, #tpu.memory_space<vmem>> -> memref<8x100xi32, #tpu.memory_space<vmem>>
      %dma_start3A_267 = arith.constant 0 : i32
      %dma_start3A_268 = arith.constant 0 : i32
      %dma_start3A_269 = tpu.memref_slice %arg2[%add3A_261, %dma_start3A_267, %dma_start3A_268] : memref<1024x8x100xi32, #tpu.memory_space<hbm>> -> memref<1x8x100xi32, #tpu.memory_space<hbm>>
      %dma_start3A_270 = tpu.memref_squeeze %dma_start3A_269 : memref<1x8x100xi32, #tpu.memory_space<hbm>> -> memref<8x100xi32, #tpu.memory_space<hbm>>
      %dma_start3A_271 = arith.constant 0 : i32
      %dma_start3A_272 = arith.constant 0 : i32
      %dma_start3A_273 = tpu.memref_slice %arg6[%dma_start3A_262, %dma_start3A_271, %dma_start3A_272] : memref<4x8x100xi32, #tpu.memory_space<vmem>> -> memref<1x8x100xi32, #tpu.memory_space<vmem>>
      %dma_start3A_274 = tpu.memref_squeeze %dma_start3A_273 : memref<1x8x100xi32, #tpu.memory_space<vmem>> -> memref<8x100xi32, #tpu.memory_space<vmem>>
      %dma_start3A_275 = arith.constant 0 : i32
      %dma_start3A_276 = arith.constant 0 : i32
      %dma_start3A_277 = tpu.memref_slice %arg2[%add3A_261, %dma_start3A_275, %dma_start3A_276] : memref<1024x8x100xi32, #tpu.memory_space<hbm>> -> memref<1x8x100xi32, #tpu.memory_space<hbm>>
      %dma_start3A_278 = tpu.memref_squeeze %dma_start3A_277 : memref<1x8x100xi32, #tpu.memory_space<hbm>> -> memref<8x100xi32, #tpu.memory_space<hbm>>
      tpu.enqueue_dma source(%dma_start3A_278 : memref<8x100xi32, #tpu.memory_space<hbm>>) target(%dma_start3A_274 : memref<8x100xi32, #tpu.memory_space<vmem>>) target_semaphore(%arg19 : memref<!tpu.dma_semaphore, #tpu.memory_space<semaphore_mem>>)
      %gt3A = arith.constant 0 : i32
      %gt3A_279 = arith.cmpi sgt, %scan3A_252, %gt3A : i32
      %convert_element_type3A = arith.extui %gt3A_279 : i1 to i32
      %cond3A = arith.constant 0 : i32
      %cond3A_280 = arith.cmpi ne, %convert_element_type3A, %cond3A : i32
      scf.if %cond3A_280 {
        %sub3A_1420 = arith.constant 3 : i32
        %sub3A_1421 = arith.subi %add3A_256, %sub3A_1420 : i32
        %mul3A_1422 = arith.constant 32 : i32
        %mul3A_1423 = arith.muli %add3A, %mul3A_1422 : i32
        %add3A_1424 = arith.addi %mul3A_1423, %sub3A_1421 : i32
        %mul3A_1425 = arith.constant 800 : i32
        %mul3A_1426 = arith.muli %add3A_1424, %mul3A_1425 : i32
        %dma_wait3A_1427 = arith.constant 1 : i32
        %dma_wait3A_1428 = arith.constant 0 : i32
        %dma_wait3A_1429 = arith.constant 0 : i32
        %dma_wait3A_1430 = tpu.memref_slice %arg7[%dma_wait3A_1427, %dma_wait3A_1428, %dma_wait3A_1429] : memref<4x800x32xf32, #tpu.memory_space<vmem>> -> memref<1x800x32xf32, #tpu.memory_space<vmem>>
        %dma_wait3A_1431 = tpu.memref_squeeze %dma_wait3A_1430 : memref<1x800x32xf32, #tpu.memory_space<vmem>> -> memref<800x32xf32, #tpu.memory_space<vmem>>
        %dma_wait3A_1432 = arith.constant 0 : i32
        %dma_wait3A_1433 = tpu.memref_slice %arg5[%mul3A_1426, %dma_wait3A_1432] : memref<819200x32xf32, #tpu.memory_space<hbm>> -> memref<800x32xf32, #tpu.memory_space<hbm>>
        %dma_wait3A_1434 = arith.constant 0 : i32
        %dma_wait3A_1435 = tpu.memref_slice %arg5[%mul3A_1426, %dma_wait3A_1434] : memref<819200x32xf32, #tpu.memory_space<hbm>> -> memref<800x32xf32, #tpu.memory_space<hbm>>
        %dma_wait3A_1436 = arith.constant 0 : i32
        %dma_wait3A_1437 = arith.constant 0 : i32
        %dma_wait3A_1438 = tpu.memref_slice %arg7[%dma_wait3A_1427, %dma_wait3A_1436, %dma_wait3A_1437] : memref<4x800x32xf32, #tpu.memory_space<vmem>> -> memref<1x800x32xf32, #tpu.memory_space<vmem>>
        %dma_wait3A_1439 = tpu.memref_squeeze %dma_wait3A_1438 : memref<1x800x32xf32, #tpu.memory_space<vmem>> -> memref<800x32xf32, #tpu.memory_space<vmem>>
        tpu.wait_dma2 semaphore(%arg14 : memref<!tpu.dma_semaphore, #tpu.memory_space<semaphore_mem>>) src(%dma_wait3A_1439 : memref<800x32xf32, #tpu.memory_space<vmem>>) dst(%dma_wait3A_1435 : memref<800x32xf32, #tpu.memory_space<hbm>>)
      } else {
      }
      %add3A_281 = arith.constant 1 : i32
      %add3A_282 = arith.addi %add3A_256, %add3A_281 : i32
      %mul3A_283 = arith.constant 32 : i32
      %mul3A_284 = arith.muli %add3A, %mul3A_283 : i32
      %add3A_285 = arith.addi %mul3A_284, %add3A_282 : i32
      %dma_wait3A_286 = arith.constant 1 : i32
      %dma_wait3A_287 = arith.constant 0 : i32
      %dma_wait3A_288 = arith.constant 0 : i32
      %dma_wait3A_289 = tpu.memref_slice %arg6[%dma_wait3A_286, %dma_wait3A_287, %dma_wait3A_288] : memref<4x8x100xi32, #tpu.memory_space<vmem>> -> memref<1x8x100xi32, #tpu.memory_space<vmem>>
      %dma_wait3A_290 = tpu.memref_squeeze %dma_wait3A_289 : memref<1x8x100xi32, #tpu.memory_space<vmem>> -> memref<8x100xi32, #tpu.memory_space<vmem>>
      %dma_wait3A_291 = arith.constant 0 : i32
      %dma_wait3A_292 = arith.constant 0 : i32
      %dma_wait3A_293 = tpu.memref_slice %arg2[%add3A_285, %dma_wait3A_291, %dma_wait3A_292] : memref<1024x8x100xi32, #tpu.memory_space<hbm>> -> memref<1x8x100xi32, #tpu.memory_space<hbm>>
      %dma_wait3A_294 = tpu.memref_squeeze %dma_wait3A_293 : memref<1x8x100xi32, #tpu.memory_space<hbm>> -> memref<8x100xi32, #tpu.memory_space<hbm>>
      %dma_wait3A_295 = arith.constant 0 : i32
      %dma_wait3A_296 = arith.constant 0 : i32
      %dma_wait3A_297 = tpu.memref_slice %arg6[%dma_wait3A_286, %dma_wait3A_295, %dma_wait3A_296] : memref<4x8x100xi32, #tpu.memory_space<vmem>> -> memref<1x8x100xi32, #tpu.memory_space<vmem>>
      %dma_wait3A_298 = tpu.memref_squeeze %dma_wait3A_297 : memref<1x8x100xi32, #tpu.memory_space<vmem>> -> memref<8x100xi32, #tpu.memory_space<vmem>>
      %dma_wait3A_299 = arith.constant 0 : i32
      %dma_wait3A_300 = arith.constant 0 : i32
      %dma_wait3A_301 = tpu.memref_slice %arg2[%add3A_285, %dma_wait3A_299, %dma_wait3A_300] : memref<1024x8x100xi32, #tpu.memory_space<hbm>> -> memref<1x8x100xi32, #tpu.memory_space<hbm>>
      %dma_wait3A_302 = tpu.memref_squeeze %dma_wait3A_301 : memref<1x8x100xi32, #tpu.memory_space<hbm>> -> memref<8x100xi32, #tpu.memory_space<hbm>>
      tpu.wait_dma2 semaphore(%arg18 : memref<!tpu.dma_semaphore, #tpu.memory_space<semaphore_mem>>) src(%dma_wait3A_302 : memref<8x100xi32, #tpu.memory_space<hbm>>) dst(%dma_wait3A_298 : memref<8x100xi32, #tpu.memory_space<vmem>>)
      %dma_start3A_303 = arith.constant 1 : i32
      %dma_start3A_304 = arith.constant 0 : i32
      %dma_start3A_305 = arith.constant 1 : i32
      %dma_start3A_306 = arith.constant 0 : i32
      %dma_start3A_307 = arith.constant 0 : i32
      %dma_start3A_308 = tpu.memref_slice %arg7[%dma_start3A_305, %dma_start3A_306, %dma_start3A_307] : memref<4x800x32xf32, #tpu.memory_space<vmem>> -> memref<1x800x32xf32, #tpu.memory_space<vmem>>
      %dma_start3A_309 = tpu.memref_squeeze %dma_start3A_308 : memref<1x800x32xf32, #tpu.memory_space<vmem>> -> memref<800x32xf32, #tpu.memory_space<vmem>>
      %dma_start3A_310 = arith.constant 0 : i32
      %dma_start3A_311 = arith.constant 0 : i32
      %dma_start3A_312 = tpu.memref_slice %dma_start3A_309[%dma_start3A_310, %dma_start3A_311] : memref<800x32xf32, #tpu.memory_space<vmem>> -> memref<100x32xf32, #tpu.memory_space<vmem>>
      %dma_start3A_313 = arith.constant 0 : i32
      %dma_start3A_314 = tpu.memref_slice %arg6[%dma_start3A_303, %dma_start3A_304, %dma_start3A_313] : memref<4x8x100xi32, #tpu.memory_space<vmem>> -> memref<1x1x100xi32, #tpu.memory_space<vmem>>
      %dma_start3A_315 = tpu.memref_squeeze %dma_start3A_314 : memref<1x1x100xi32, #tpu.memory_space<vmem>> -> memref<100xi32, #tpu.memory_space<vmem>>
      %dma_start3A_316 = arith.constant 0 : i32
      %dma_start3A_317 = arith.constant 0 : i32
      %dma_start3A_318 = tpu.memref_slice %arg3[%dma_start3A_316, %dma_start3A_317] : memref<1000000x32xf32, #tpu.memory_space<hbm>> -> memref<1000000x32xf32, #tpu.memory_space<hbm>>
      tpu.enqueue_indirect_dma source(%dma_start3A_318 : memref<1000000x32xf32, #tpu.memory_space<hbm>>) target(%dma_start3A_312 : memref<100x32xf32, #tpu.memory_space<vmem>>) offsets(%dma_start3A_315 : memref<100xi32, #tpu.memory_space<vmem>>) semaphore(%arg10 : memref<!tpu.dma_semaphore, #tpu.memory_space<semaphore_mem>>)
      %dma_start3A_319 = arith.constant 1 : i32
      %dma_start3A_320 = arith.constant 1 : i32
      %dma_start3A_321 = arith.constant 1 : i32
      %dma_start3A_322 = arith.constant 0 : i32
      %dma_start3A_323 = arith.constant 0 : i32
      %dma_start3A_324 = tpu.memref_slice %arg7[%dma_start3A_321, %dma_start3A_322, %dma_start3A_323] : memref<4x800x32xf32, #tpu.memory_space<vmem>> -> memref<1x800x32xf32, #tpu.memory_space<vmem>>
      %dma_start3A_325 = tpu.memref_squeeze %dma_start3A_324 : memref<1x800x32xf32, #tpu.memory_space<vmem>> -> memref<800x32xf32, #tpu.memory_space<vmem>>
      %dma_start3A_326 = arith.constant 100 : i32
      %dma_start3A_327 = arith.constant 0 : i32
      %dma_start3A_328 = tpu.memref_slice %dma_start3A_325[%dma_start3A_326, %dma_start3A_327] : memref<800x32xf32, #tpu.memory_space<vmem>> -> memref<100x32xf32, #tpu.memory_space<vmem>>
      %dma_start3A_329 = arith.constant 0 : i32
      %dma_start3A_330 = tpu.memref_slice %arg6[%dma_start3A_319, %dma_start3A_320, %dma_start3A_329] : memref<4x8x100xi32, #tpu.memory_space<vmem>> -> memref<1x1x100xi32, #tpu.memory_space<vmem>>
      %dma_start3A_331 = tpu.memref_squeeze %dma_start3A_330 : memref<1x1x100xi32, #tpu.memory_space<vmem>> -> memref<100xi32, #tpu.memory_space<vmem>>
      %dma_start3A_332 = arith.constant 0 : i32
      %dma_start3A_333 = arith.constant 0 : i32
      %dma_start3A_334 = tpu.memref_slice %arg3[%dma_start3A_332, %dma_start3A_333] : memref<1000000x32xf32, #tpu.memory_space<hbm>> -> memref<1000000x32xf32, #tpu.memory_space<hbm>>
      tpu.enqueue_indirect_dma source(%dma_start3A_334 : memref<1000000x32xf32, #tpu.memory_space<hbm>>) target(%dma_start3A_328 : memref<100x32xf32, #tpu.memory_space<vmem>>) offsets(%dma_start3A_331 : memref<100xi32, #tpu.memory_space<vmem>>) semaphore(%arg10 : memref<!tpu.dma_semaphore, #tpu.memory_space<semaphore_mem>>)
      %dma_start3A_335 = arith.constant 1 : i32
      %dma_start3A_336 = arith.constant 2 : i32
      %dma_start3A_337 = arith.constant 1 : i32
      %dma_start3A_338 = arith.constant 0 : i32
      %dma_start3A_339 = arith.constant 0 : i32
      %dma_start3A_340 = tpu.memref_slice %arg7[%dma_start3A_337, %dma_start3A_338, %dma_start3A_339] : memref<4x800x32xf32, #tpu.memory_space<vmem>> -> memref<1x800x32xf32, #tpu.memory_space<vmem>>
      %dma_start3A_341 = tpu.memref_squeeze %dma_start3A_340 : memref<1x800x32xf32, #tpu.memory_space<vmem>> -> memref<800x32xf32, #tpu.memory_space<vmem>>
      %dma_start3A_342 = arith.constant 200 : i32
      %dma_start3A_343 = arith.constant 0 : i32
      %dma_start3A_344 = tpu.memref_slice %dma_start3A_341[%dma_start3A_342, %dma_start3A_343] : memref<800x32xf32, #tpu.memory_space<vmem>> -> memref<100x32xf32, #tpu.memory_space<vmem>>
      %dma_start3A_345 = arith.constant 0 : i32
      %dma_start3A_346 = tpu.memref_slice %arg6[%dma_start3A_335, %dma_start3A_336, %dma_start3A_345] : memref<4x8x100xi32, #tpu.memory_space<vmem>> -> memref<1x1x100xi32, #tpu.memory_space<vmem>>
      %dma_start3A_347 = tpu.memref_squeeze %dma_start3A_346 : memref<1x1x100xi32, #tpu.memory_space<vmem>> -> memref<100xi32, #tpu.memory_space<vmem>>
      %dma_start3A_348 = arith.constant 0 : i32
      %dma_start3A_349 = arith.constant 0 : i32
      %dma_start3A_350 = tpu.memref_slice %arg3[%dma_start3A_348, %dma_start3A_349] : memref<1000000x32xf32, #tpu.memory_space<hbm>> -> memref<1000000x32xf32, #tpu.memory_space<hbm>>
      tpu.enqueue_indirect_dma source(%dma_start3A_350 : memref<1000000x32xf32, #tpu.memory_space<hbm>>) target(%dma_start3A_344 : memref<100x32xf32, #tpu.memory_space<vmem>>) offsets(%dma_start3A_347 : memref<100xi32, #tpu.memory_space<vmem>>) semaphore(%arg10 : memref<!tpu.dma_semaphore, #tpu.memory_space<semaphore_mem>>)
      %dma_start3A_351 = arith.constant 1 : i32
      %dma_start3A_352 = arith.constant 3 : i32
      %dma_start3A_353 = arith.constant 1 : i32
      %dma_start3A_354 = arith.constant 0 : i32
      %dma_start3A_355 = arith.constant 0 : i32
      %dma_start3A_356 = tpu.memref_slice %arg7[%dma_start3A_353, %dma_start3A_354, %dma_start3A_355] : memref<4x800x32xf32, #tpu.memory_space<vmem>> -> memref<1x800x32xf32, #tpu.memory_space<vmem>>
      %dma_start3A_357 = tpu.memref_squeeze %dma_start3A_356 : memref<1x800x32xf32, #tpu.memory_space<vmem>> -> memref<800x32xf32, #tpu.memory_space<vmem>>
      %dma_start3A_358 = arith.constant 300 : i32
      %dma_start3A_359 = arith.constant 0 : i32
      %dma_start3A_360 = tpu.memref_slice %dma_start3A_357[%dma_start3A_358, %dma_start3A_359] : memref<800x32xf32, #tpu.memory_space<vmem>> -> memref<100x32xf32, #tpu.memory_space<vmem>>
      %dma_start3A_361 = arith.constant 0 : i32
      %dma_start3A_362 = tpu.memref_slice %arg6[%dma_start3A_351, %dma_start3A_352, %dma_start3A_361] : memref<4x8x100xi32, #tpu.memory_space<vmem>> -> memref<1x1x100xi32, #tpu.memory_space<vmem>>
      %dma_start3A_363 = tpu.memref_squeeze %dma_start3A_362 : memref<1x1x100xi32, #tpu.memory_space<vmem>> -> memref<100xi32, #tpu.memory_space<vmem>>
      %dma_start3A_364 = arith.constant 0 : i32
      %dma_start3A_365 = arith.constant 0 : i32
      %dma_start3A_366 = tpu.memref_slice %arg3[%dma_start3A_364, %dma_start3A_365] : memref<1000000x32xf32, #tpu.memory_space<hbm>> -> memref<1000000x32xf32, #tpu.memory_space<hbm>>
      tpu.enqueue_indirect_dma source(%dma_start3A_366 : memref<1000000x32xf32, #tpu.memory_space<hbm>>) target(%dma_start3A_360 : memref<100x32xf32, #tpu.memory_space<vmem>>) offsets(%dma_start3A_363 : memref<100xi32, #tpu.memory_space<vmem>>) semaphore(%arg10 : memref<!tpu.dma_semaphore, #tpu.memory_space<semaphore_mem>>)
      %dma_start3A_367 = arith.constant 1 : i32
      %dma_start3A_368 = arith.constant 4 : i32
      %dma_start3A_369 = arith.constant 1 : i32
      %dma_start3A_370 = arith.constant 0 : i32
      %dma_start3A_371 = arith.constant 0 : i32
      %dma_start3A_372 = tpu.memref_slice %arg7[%dma_start3A_369, %dma_start3A_370, %dma_start3A_371] : memref<4x800x32xf32, #tpu.memory_space<vmem>> -> memref<1x800x32xf32, #tpu.memory_space<vmem>>
      %dma_start3A_373 = tpu.memref_squeeze %dma_start3A_372 : memref<1x800x32xf32, #tpu.memory_space<vmem>> -> memref<800x32xf32, #tpu.memory_space<vmem>>
      %dma_start3A_374 = arith.constant 400 : i32
      %dma_start3A_375 = arith.constant 0 : i32
      %dma_start3A_376 = tpu.memref_slice %dma_start3A_373[%dma_start3A_374, %dma_start3A_375] : memref<800x32xf32, #tpu.memory_space<vmem>> -> memref<100x32xf32, #tpu.memory_space<vmem>>
      %dma_start3A_377 = arith.constant 0 : i32
      %dma_start3A_378 = tpu.memref_slice %arg6[%dma_start3A_367, %dma_start3A_368, %dma_start3A_377] : memref<4x8x100xi32, #tpu.memory_space<vmem>> -> memref<1x1x100xi32, #tpu.memory_space<vmem>>
      %dma_start3A_379 = tpu.memref_squeeze %dma_start3A_378 : memref<1x1x100xi32, #tpu.memory_space<vmem>> -> memref<100xi32, #tpu.memory_space<vmem>>
      %dma_start3A_380 = arith.constant 0 : i32
      %dma_start3A_381 = arith.constant 0 : i32
      %dma_start3A_382 = tpu.memref_slice %arg3[%dma_start3A_380, %dma_start3A_381] : memref<1000000x32xf32, #tpu.memory_space<hbm>> -> memref<1000000x32xf32, #tpu.memory_space<hbm>>
      tpu.enqueue_indirect_dma source(%dma_start3A_382 : memref<1000000x32xf32, #tpu.memory_space<hbm>>) target(%dma_start3A_376 : memref<100x32xf32, #tpu.memory_space<vmem>>) offsets(%dma_start3A_379 : memref<100xi32, #tpu.memory_space<vmem>>) semaphore(%arg10 : memref<!tpu.dma_semaphore, #tpu.memory_space<semaphore_mem>>)
      %dma_start3A_383 = arith.constant 1 : i32
      %dma_start3A_384 = arith.constant 5 : i32
      %dma_start3A_385 = arith.constant 1 : i32
      %dma_start3A_386 = arith.constant 0 : i32
      %dma_start3A_387 = arith.constant 0 : i32
      %dma_start3A_388 = tpu.memref_slice %arg7[%dma_start3A_385, %dma_start3A_386, %dma_start3A_387] : memref<4x800x32xf32, #tpu.memory_space<vmem>> -> memref<1x800x32xf32, #tpu.memory_space<vmem>>
      %dma_start3A_389 = tpu.memref_squeeze %dma_start3A_388 : memref<1x800x32xf32, #tpu.memory_space<vmem>> -> memref<800x32xf32, #tpu.memory_space<vmem>>
      %dma_start3A_390 = arith.constant 500 : i32
      %dma_start3A_391 = arith.constant 0 : i32
      %dma_start3A_392 = tpu.memref_slice %dma_start3A_389[%dma_start3A_390, %dma_start3A_391] : memref<800x32xf32, #tpu.memory_space<vmem>> -> memref<100x32xf32, #tpu.memory_space<vmem>>
      %dma_start3A_393 = arith.constant 0 : i32
      %dma_start3A_394 = tpu.memref_slice %arg6[%dma_start3A_383, %dma_start3A_384, %dma_start3A_393] : memref<4x8x100xi32, #tpu.memory_space<vmem>> -> memref<1x1x100xi32, #tpu.memory_space<vmem>>
      %dma_start3A_395 = tpu.memref_squeeze %dma_start3A_394 : memref<1x1x100xi32, #tpu.memory_space<vmem>> -> memref<100xi32, #tpu.memory_space<vmem>>
      %dma_start3A_396 = arith.constant 0 : i32
      %dma_start3A_397 = arith.constant 0 : i32
      %dma_start3A_398 = tpu.memref_slice %arg3[%dma_start3A_396, %dma_start3A_397] : memref<1000000x32xf32, #tpu.memory_space<hbm>> -> memref<1000000x32xf32, #tpu.memory_space<hbm>>
      tpu.enqueue_indirect_dma source(%dma_start3A_398 : memref<1000000x32xf32, #tpu.memory_space<hbm>>) target(%dma_start3A_392 : memref<100x32xf32, #tpu.memory_space<vmem>>) offsets(%dma_start3A_395 : memref<100xi32, #tpu.memory_space<vmem>>) semaphore(%arg10 : memref<!tpu.dma_semaphore, #tpu.memory_space<semaphore_mem>>)
      %dma_start3A_399 = arith.constant 1 : i32
      %dma_start3A_400 = arith.constant 6 : i32
      %dma_start3A_401 = arith.constant 1 : i32
      %dma_start3A_402 = arith.constant 0 : i32
      %dma_start3A_403 = arith.constant 0 : i32
      %dma_start3A_404 = tpu.memref_slice %arg7[%dma_start3A_401, %dma_start3A_402, %dma_start3A_403] : memref<4x800x32xf32, #tpu.memory_space<vmem>> -> memref<1x800x32xf32, #tpu.memory_space<vmem>>
      %dma_start3A_405 = tpu.memref_squeeze %dma_start3A_404 : memref<1x800x32xf32, #tpu.memory_space<vmem>> -> memref<800x32xf32, #tpu.memory_space<vmem>>
      %dma_start3A_406 = arith.constant 600 : i32
      %dma_start3A_407 = arith.constant 0 : i32
      %dma_start3A_408 = tpu.memref_slice %dma_start3A_405[%dma_start3A_406, %dma_start3A_407] : memref<800x32xf32, #tpu.memory_space<vmem>> -> memref<100x32xf32, #tpu.memory_space<vmem>>
      %dma_start3A_409 = arith.constant 0 : i32
      %dma_start3A_410 = tpu.memref_slice %arg6[%dma_start3A_399, %dma_start3A_400, %dma_start3A_409] : memref<4x8x100xi32, #tpu.memory_space<vmem>> -> memref<1x1x100xi32, #tpu.memory_space<vmem>>
      %dma_start3A_411 = tpu.memref_squeeze %dma_start3A_410 : memref<1x1x100xi32, #tpu.memory_space<vmem>> -> memref<100xi32, #tpu.memory_space<vmem>>
      %dma_start3A_412 = arith.constant 0 : i32
      %dma_start3A_413 = arith.constant 0 : i32
      %dma_start3A_414 = tpu.memref_slice %arg3[%dma_start3A_412, %dma_start3A_413] : memref<1000000x32xf32, #tpu.memory_space<hbm>> -> memref<1000000x32xf32, #tpu.memory_space<hbm>>
      tpu.enqueue_indirect_dma source(%dma_start3A_414 : memref<1000000x32xf32, #tpu.memory_space<hbm>>) target(%dma_start3A_408 : memref<100x32xf32, #tpu.memory_space<vmem>>) offsets(%dma_start3A_411 : memref<100xi32, #tpu.memory_space<vmem>>) semaphore(%arg10 : memref<!tpu.dma_semaphore, #tpu.memory_space<semaphore_mem>>)
      %dma_start3A_415 = arith.constant 1 : i32
      %dma_start3A_416 = arith.constant 7 : i32
      %dma_start3A_417 = arith.constant 1 : i32
      %dma_start3A_418 = arith.constant 0 : i32
      %dma_start3A_419 = arith.constant 0 : i32
      %dma_start3A_420 = tpu.memref_slice %arg7[%dma_start3A_417, %dma_start3A_418, %dma_start3A_419] : memref<4x800x32xf32, #tpu.memory_space<vmem>> -> memref<1x800x32xf32, #tpu.memory_space<vmem>>
      %dma_start3A_421 = tpu.memref_squeeze %dma_start3A_420 : memref<1x800x32xf32, #tpu.memory_space<vmem>> -> memref<800x32xf32, #tpu.memory_space<vmem>>
      %dma_start3A_422 = arith.constant 700 : i32
      %dma_start3A_423 = arith.constant 0 : i32
      %dma_start3A_424 = tpu.memref_slice %dma_start3A_421[%dma_start3A_422, %dma_start3A_423] : memref<800x32xf32, #tpu.memory_space<vmem>> -> memref<100x32xf32, #tpu.memory_space<vmem>>
      %dma_start3A_425 = arith.constant 0 : i32
      %dma_start3A_426 = tpu.memref_slice %arg6[%dma_start3A_415, %dma_start3A_416, %dma_start3A_425] : memref<4x8x100xi32, #tpu.memory_space<vmem>> -> memref<1x1x100xi32, #tpu.memory_space<vmem>>
      %dma_start3A_427 = tpu.memref_squeeze %dma_start3A_426 : memref<1x1x100xi32, #tpu.memory_space<vmem>> -> memref<100xi32, #tpu.memory_space<vmem>>
      %dma_start3A_428 = arith.constant 0 : i32
      %dma_start3A_429 = arith.constant 0 : i32
      %dma_start3A_430 = tpu.memref_slice %arg3[%dma_start3A_428, %dma_start3A_429] : memref<1000000x32xf32, #tpu.memory_space<hbm>> -> memref<1000000x32xf32, #tpu.memory_space<hbm>>
      tpu.enqueue_indirect_dma source(%dma_start3A_430 : memref<1000000x32xf32, #tpu.memory_space<hbm>>) target(%dma_start3A_424 : memref<100x32xf32, #tpu.memory_space<vmem>>) offsets(%dma_start3A_427 : memref<100xi32, #tpu.memory_space<vmem>>) semaphore(%arg10 : memref<!tpu.dma_semaphore, #tpu.memory_space<semaphore_mem>>)
      %dma_wait3A_431 = arith.constant 0 : i32
      %dma_wait3A_432 = arith.constant 0 : i32
      %dma_wait3A_433 = arith.constant 0 : i32
      %dma_wait3A_434 = arith.constant 0 : i32
      %dma_wait3A_435 = arith.constant 0 : i32
      %dma_wait3A_436 = tpu.memref_slice %arg7[%dma_wait3A_433, %dma_wait3A_434, %dma_wait3A_435] : memref<4x800x32xf32, #tpu.memory_space<vmem>> -> memref<1x800x32xf32, #tpu.memory_space<vmem>>
      %dma_wait3A_437 = tpu.memref_squeeze %dma_wait3A_436 : memref<1x800x32xf32, #tpu.memory_space<vmem>> -> memref<800x32xf32, #tpu.memory_space<vmem>>
      %dma_wait3A_438 = arith.constant 0 : i32
      %dma_wait3A_439 = arith.constant 0 : i32
      %dma_wait3A_440 = tpu.memref_slice %dma_wait3A_437[%dma_wait3A_438, %dma_wait3A_439] : memref<800x32xf32, #tpu.memory_space<vmem>> -> memref<100x32xf32, #tpu.memory_space<vmem>>
      %dma_wait3A_441 = arith.constant 0 : i32
      %dma_wait3A_442 = tpu.memref_slice %arg6[%dma_wait3A_431, %dma_wait3A_432, %dma_wait3A_441] : memref<4x8x100xi32, #tpu.memory_space<vmem>> -> memref<1x1x100xi32, #tpu.memory_space<vmem>>
      %dma_wait3A_443 = tpu.memref_squeeze %dma_wait3A_442 : memref<1x1x100xi32, #tpu.memory_space<vmem>> -> memref<100xi32, #tpu.memory_space<vmem>>
      %dma_wait3A_444 = arith.constant 0 : i32
      %dma_wait3A_445 = arith.constant 0 : i32
      %dma_wait3A_446 = tpu.memref_slice %arg3[%dma_wait3A_444, %dma_wait3A_445] : memref<1000000x32xf32, #tpu.memory_space<hbm>> -> memref<1000000x32xf32, #tpu.memory_space<hbm>>
      tpu.wait_indirect_dma semaphore(%arg9 : memref<!tpu.dma_semaphore, #tpu.memory_space<semaphore_mem>>) src(%dma_wait3A_446 : memref<1000000x32xf32, #tpu.memory_space<hbm>>) dst(%dma_wait3A_440 : memref<100x32xf32, #tpu.memory_space<vmem>>)
      %dma_wait3A_447 = arith.constant 0 : i32
      %dma_wait3A_448 = arith.constant 1 : i32
      %dma_wait3A_449 = arith.constant 0 : i32
      %dma_wait3A_450 = arith.constant 0 : i32
      %dma_wait3A_451 = arith.constant 0 : i32
      %dma_wait3A_452 = tpu.memref_slice %arg7[%dma_wait3A_449, %dma_wait3A_450, %dma_wait3A_451] : memref<4x800x32xf32, #tpu.memory_space<vmem>> -> memref<1x800x32xf32, #tpu.memory_space<vmem>>
      %dma_wait3A_453 = tpu.memref_squeeze %dma_wait3A_452 : memref<1x800x32xf32, #tpu.memory_space<vmem>> -> memref<800x32xf32, #tpu.memory_space<vmem>>
      %dma_wait3A_454 = arith.constant 100 : i32
      %dma_wait3A_455 = arith.constant 0 : i32
      %dma_wait3A_456 = tpu.memref_slice %dma_wait3A_453[%dma_wait3A_454, %dma_wait3A_455] : memref<800x32xf32, #tpu.memory_space<vmem>> -> memref<100x32xf32, #tpu.memory_space<vmem>>
      %dma_wait3A_457 = arith.constant 0 : i32
      %dma_wait3A_458 = tpu.memref_slice %arg6[%dma_wait3A_447, %dma_wait3A_448, %dma_wait3A_457] : memref<4x8x100xi32, #tpu.memory_space<vmem>> -> memref<1x1x100xi32, #tpu.memory_space<vmem>>
      %dma_wait3A_459 = tpu.memref_squeeze %dma_wait3A_458 : memref<1x1x100xi32, #tpu.memory_space<vmem>> -> memref<100xi32, #tpu.memory_space<vmem>>
      %dma_wait3A_460 = arith.constant 0 : i32
      %dma_wait3A_461 = arith.constant 0 : i32
      %dma_wait3A_462 = tpu.memref_slice %arg3[%dma_wait3A_460, %dma_wait3A_461] : memref<1000000x32xf32, #tpu.memory_space<hbm>> -> memref<1000000x32xf32, #tpu.memory_space<hbm>>
      tpu.wait_indirect_dma semaphore(%arg9 : memref<!tpu.dma_semaphore, #tpu.memory_space<semaphore_mem>>) src(%dma_wait3A_462 : memref<1000000x32xf32, #tpu.memory_space<hbm>>) dst(%dma_wait3A_456 : memref<100x32xf32, #tpu.memory_space<vmem>>)
      %dma_wait3A_463 = arith.constant 0 : i32
      %dma_wait3A_464 = arith.constant 2 : i32
      %dma_wait3A_465 = arith.constant 0 : i32
      %dma_wait3A_466 = arith.constant 0 : i32
      %dma_wait3A_467 = arith.constant 0 : i32
      %dma_wait3A_468 = tpu.memref_slice %arg7[%dma_wait3A_465, %dma_wait3A_466, %dma_wait3A_467] : memref<4x800x32xf32, #tpu.memory_space<vmem>> -> memref<1x800x32xf32, #tpu.memory_space<vmem>>
      %dma_wait3A_469 = tpu.memref_squeeze %dma_wait3A_468 : memref<1x800x32xf32, #tpu.memory_space<vmem>> -> memref<800x32xf32, #tpu.memory_space<vmem>>
      %dma_wait3A_470 = arith.constant 200 : i32
      %dma_wait3A_471 = arith.constant 0 : i32
      %dma_wait3A_472 = tpu.memref_slice %dma_wait3A_469[%dma_wait3A_470, %dma_wait3A_471] : memref<800x32xf32, #tpu.memory_space<vmem>> -> memref<100x32xf32, #tpu.memory_space<vmem>>
      %dma_wait3A_473 = arith.constant 0 : i32
      %dma_wait3A_474 = tpu.memref_slice %arg6[%dma_wait3A_463, %dma_wait3A_464, %dma_wait3A_473] : memref<4x8x100xi32, #tpu.memory_space<vmem>> -> memref<1x1x100xi32, #tpu.memory_space<vmem>>
      %dma_wait3A_475 = tpu.memref_squeeze %dma_wait3A_474 : memref<1x1x100xi32, #tpu.memory_space<vmem>> -> memref<100xi32, #tpu.memory_space<vmem>>
      %dma_wait3A_476 = arith.constant 0 : i32
      %dma_wait3A_477 = arith.constant 0 : i32
      %dma_wait3A_478 = tpu.memref_slice %arg3[%dma_wait3A_476, %dma_wait3A_477] : memref<1000000x32xf32, #tpu.memory_space<hbm>> -> memref<1000000x32xf32, #tpu.memory_space<hbm>>
      tpu.wait_indirect_dma semaphore(%arg9 : memref<!tpu.dma_semaphore, #tpu.memory_space<semaphore_mem>>) src(%dma_wait3A_478 : memref<1000000x32xf32, #tpu.memory_space<hbm>>) dst(%dma_wait3A_472 : memref<100x32xf32, #tpu.memory_space<vmem>>)
      %dma_wait3A_479 = arith.constant 0 : i32
      %dma_wait3A_480 = arith.constant 3 : i32
      %dma_wait3A_481 = arith.constant 0 : i32
      %dma_wait3A_482 = arith.constant 0 : i32
      %dma_wait3A_483 = arith.constant 0 : i32
      %dma_wait3A_484 = tpu.memref_slice %arg7[%dma_wait3A_481, %dma_wait3A_482, %dma_wait3A_483] : memref<4x800x32xf32, #tpu.memory_space<vmem>> -> memref<1x800x32xf32, #tpu.memory_space<vmem>>
      %dma_wait3A_485 = tpu.memref_squeeze %dma_wait3A_484 : memref<1x800x32xf32, #tpu.memory_space<vmem>> -> memref<800x32xf32, #tpu.memory_space<vmem>>
      %dma_wait3A_486 = arith.constant 300 : i32
      %dma_wait3A_487 = arith.constant 0 : i32
      %dma_wait3A_488 = tpu.memref_slice %dma_wait3A_485[%dma_wait3A_486, %dma_wait3A_487] : memref<800x32xf32, #tpu.memory_space<vmem>> -> memref<100x32xf32, #tpu.memory_space<vmem>>
      %dma_wait3A_489 = arith.constant 0 : i32
      %dma_wait3A_490 = tpu.memref_slice %arg6[%dma_wait3A_479, %dma_wait3A_480, %dma_wait3A_489] : memref<4x8x100xi32, #tpu.memory_space<vmem>> -> memref<1x1x100xi32, #tpu.memory_space<vmem>>
      %dma_wait3A_491 = tpu.memref_squeeze %dma_wait3A_490 : memref<1x1x100xi32, #tpu.memory_space<vmem>> -> memref<100xi32, #tpu.memory_space<vmem>>
      %dma_wait3A_492 = arith.constant 0 : i32
      %dma_wait3A_493 = arith.constant 0 : i32
      %dma_wait3A_494 = tpu.memref_slice %arg3[%dma_wait3A_492, %dma_wait3A_493] : memref<1000000x32xf32, #tpu.memory_space<hbm>> -> memref<1000000x32xf32, #tpu.memory_space<hbm>>
      tpu.wait_indirect_dma semaphore(%arg9 : memref<!tpu.dma_semaphore, #tpu.memory_space<semaphore_mem>>) src(%dma_wait3A_494 : memref<1000000x32xf32, #tpu.memory_space<hbm>>) dst(%dma_wait3A_488 : memref<100x32xf32, #tpu.memory_space<vmem>>)
      %dma_wait3A_495 = arith.constant 0 : i32
      %dma_wait3A_496 = arith.constant 4 : i32
      %dma_wait3A_497 = arith.constant 0 : i32
      %dma_wait3A_498 = arith.constant 0 : i32
      %dma_wait3A_499 = arith.constant 0 : i32
      %dma_wait3A_500 = tpu.memref_slice %arg7[%dma_wait3A_497, %dma_wait3A_498, %dma_wait3A_499] : memref<4x800x32xf32, #tpu.memory_space<vmem>> -> memref<1x800x32xf32, #tpu.memory_space<vmem>>
      %dma_wait3A_501 = tpu.memref_squeeze %dma_wait3A_500 : memref<1x800x32xf32, #tpu.memory_space<vmem>> -> memref<800x32xf32, #tpu.memory_space<vmem>>
      %dma_wait3A_502 = arith.constant 400 : i32
      %dma_wait3A_503 = arith.constant 0 : i32
      %dma_wait3A_504 = tpu.memref_slice %dma_wait3A_501[%dma_wait3A_502, %dma_wait3A_503] : memref<800x32xf32, #tpu.memory_space<vmem>> -> memref<100x32xf32, #tpu.memory_space<vmem>>
      %dma_wait3A_505 = arith.constant 0 : i32
      %dma_wait3A_506 = tpu.memref_slice %arg6[%dma_wait3A_495, %dma_wait3A_496, %dma_wait3A_505] : memref<4x8x100xi32, #tpu.memory_space<vmem>> -> memref<1x1x100xi32, #tpu.memory_space<vmem>>
      %dma_wait3A_507 = tpu.memref_squeeze %dma_wait3A_506 : memref<1x1x100xi32, #tpu.memory_space<vmem>> -> memref<100xi32, #tpu.memory_space<vmem>>
      %dma_wait3A_508 = arith.constant 0 : i32
      %dma_wait3A_509 = arith.constant 0 : i32
      %dma_wait3A_510 = tpu.memref_slice %arg3[%dma_wait3A_508, %dma_wait3A_509] : memref<1000000x32xf32, #tpu.memory_space<hbm>> -> memref<1000000x32xf32, #tpu.memory_space<hbm>>
      tpu.wait_indirect_dma semaphore(%arg9 : memref<!tpu.dma_semaphore, #tpu.memory_space<semaphore_mem>>) src(%dma_wait3A_510 : memref<1000000x32xf32, #tpu.memory_space<hbm>>) dst(%dma_wait3A_504 : memref<100x32xf32, #tpu.memory_space<vmem>>)
      %dma_wait3A_511 = arith.constant 0 : i32
      %dma_wait3A_512 = arith.constant 5 : i32
      %dma_wait3A_513 = arith.constant 0 : i32
      %dma_wait3A_514 = arith.constant 0 : i32
      %dma_wait3A_515 = arith.constant 0 : i32
      %dma_wait3A_516 = tpu.memref_slice %arg7[%dma_wait3A_513, %dma_wait3A_514, %dma_wait3A_515] : memref<4x800x32xf32, #tpu.memory_space<vmem>> -> memref<1x800x32xf32, #tpu.memory_space<vmem>>
      %dma_wait3A_517 = tpu.memref_squeeze %dma_wait3A_516 : memref<1x800x32xf32, #tpu.memory_space<vmem>> -> memref<800x32xf32, #tpu.memory_space<vmem>>
      %dma_wait3A_518 = arith.constant 500 : i32
      %dma_wait3A_519 = arith.constant 0 : i32
      %dma_wait3A_520 = tpu.memref_slice %dma_wait3A_517[%dma_wait3A_518, %dma_wait3A_519] : memref<800x32xf32, #tpu.memory_space<vmem>> -> memref<100x32xf32, #tpu.memory_space<vmem>>
      %dma_wait3A_521 = arith.constant 0 : i32
      %dma_wait3A_522 = tpu.memref_slice %arg6[%dma_wait3A_511, %dma_wait3A_512, %dma_wait3A_521] : memref<4x8x100xi32, #tpu.memory_space<vmem>> -> memref<1x1x100xi32, #tpu.memory_space<vmem>>
      %dma_wait3A_523 = tpu.memref_squeeze %dma_wait3A_522 : memref<1x1x100xi32, #tpu.memory_space<vmem>> -> memref<100xi32, #tpu.memory_space<vmem>>
      %dma_wait3A_524 = arith.constant 0 : i32
      %dma_wait3A_525 = arith.constant 0 : i32
      %dma_wait3A_526 = tpu.memref_slice %arg3[%dma_wait3A_524, %dma_wait3A_525] : memref<1000000x32xf32, #tpu.memory_space<hbm>> -> memref<1000000x32xf32, #tpu.memory_space<hbm>>
      tpu.wait_indirect_dma semaphore(%arg9 : memref<!tpu.dma_semaphore, #tpu.memory_space<semaphore_mem>>) src(%dma_wait3A_526 : memref<1000000x32xf32, #tpu.memory_space<hbm>>) dst(%dma_wait3A_520 : memref<100x32xf32, #tpu.memory_space<vmem>>)
      %dma_wait3A_527 = arith.constant 0 : i32
      %dma_wait3A_528 = arith.constant 6 : i32
      %dma_wait3A_529 = arith.constant 0 : i32
      %dma_wait3A_530 = arith.constant 0 : i32
      %dma_wait3A_531 = arith.constant 0 : i32
      %dma_wait3A_532 = tpu.memref_slice %arg7[%dma_wait3A_529, %dma_wait3A_530, %dma_wait3A_531] : memref<4x800x32xf32, #tpu.memory_space<vmem>> -> memref<1x800x32xf32, #tpu.memory_space<vmem>>
      %dma_wait3A_533 = tpu.memref_squeeze %dma_wait3A_532 : memref<1x800x32xf32, #tpu.memory_space<vmem>> -> memref<800x32xf32, #tpu.memory_space<vmem>>
      %dma_wait3A_534 = arith.constant 600 : i32
      %dma_wait3A_535 = arith.constant 0 : i32
      %dma_wait3A_536 = tpu.memref_slice %dma_wait3A_533[%dma_wait3A_534, %dma_wait3A_535] : memref<800x32xf32, #tpu.memory_space<vmem>> -> memref<100x32xf32, #tpu.memory_space<vmem>>
      %dma_wait3A_537 = arith.constant 0 : i32
      %dma_wait3A_538 = tpu.memref_slice %arg6[%dma_wait3A_527, %dma_wait3A_528, %dma_wait3A_537] : memref<4x8x100xi32, #tpu.memory_space<vmem>> -> memref<1x1x100xi32, #tpu.memory_space<vmem>>
      %dma_wait3A_539 = tpu.memref_squeeze %dma_wait3A_538 : memref<1x1x100xi32, #tpu.memory_space<vmem>> -> memref<100xi32, #tpu.memory_space<vmem>>
      %dma_wait3A_540 = arith.constant 0 : i32
      %dma_wait3A_541 = arith.constant 0 : i32
      %dma_wait3A_542 = tpu.memref_slice %arg3[%dma_wait3A_540, %dma_wait3A_541] : memref<1000000x32xf32, #tpu.memory_space<hbm>> -> memref<1000000x32xf32, #tpu.memory_space<hbm>>
      tpu.wait_indirect_dma semaphore(%arg9 : memref<!tpu.dma_semaphore, #tpu.memory_space<semaphore_mem>>) src(%dma_wait3A_542 : memref<1000000x32xf32, #tpu.memory_space<hbm>>) dst(%dma_wait3A_536 : memref<100x32xf32, #tpu.memory_space<vmem>>)
      %dma_wait3A_543 = arith.constant 0 : i32
      %dma_wait3A_544 = arith.constant 7 : i32
      %dma_wait3A_545 = arith.constant 0 : i32
      %dma_wait3A_546 = arith.constant 0 : i32
      %dma_wait3A_547 = arith.constant 0 : i32
      %dma_wait3A_548 = tpu.memref_slice %arg7[%dma_wait3A_545, %dma_wait3A_546, %dma_wait3A_547] : memref<4x800x32xf32, #tpu.memory_space<vmem>> -> memref<1x800x32xf32, #tpu.memory_space<vmem>>
      %dma_wait3A_549 = tpu.memref_squeeze %dma_wait3A_548 : memref<1x800x32xf32, #tpu.memory_space<vmem>> -> memref<800x32xf32, #tpu.memory_space<vmem>>
      %dma_wait3A_550 = arith.constant 700 : i32
      %dma_wait3A_551 = arith.constant 0 : i32
      %dma_wait3A_552 = tpu.memref_slice %dma_wait3A_549[%dma_wait3A_550, %dma_wait3A_551] : memref<800x32xf32, #tpu.memory_space<vmem>> -> memref<100x32xf32, #tpu.memory_space<vmem>>
      %dma_wait3A_553 = arith.constant 0 : i32
      %dma_wait3A_554 = tpu.memref_slice %arg6[%dma_wait3A_543, %dma_wait3A_544, %dma_wait3A_553] : memref<4x8x100xi32, #tpu.memory_space<vmem>> -> memref<1x1x100xi32, #tpu.memory_space<vmem>>
      %dma_wait3A_555 = tpu.memref_squeeze %dma_wait3A_554 : memref<1x1x100xi32, #tpu.memory_space<vmem>> -> memref<100xi32, #tpu.memory_space<vmem>>
      %dma_wait3A_556 = arith.constant 0 : i32
      %dma_wait3A_557 = arith.constant 0 : i32
      %dma_wait3A_558 = tpu.memref_slice %arg3[%dma_wait3A_556, %dma_wait3A_557] : memref<1000000x32xf32, #tpu.memory_space<hbm>> -> memref<1000000x32xf32, #tpu.memory_space<hbm>>
      tpu.wait_indirect_dma semaphore(%arg9 : memref<!tpu.dma_semaphore, #tpu.memory_space<semaphore_mem>>) src(%dma_wait3A_558 : memref<1000000x32xf32, #tpu.memory_space<hbm>>) dst(%dma_wait3A_552 : memref<100x32xf32, #tpu.memory_space<vmem>>)
      %scan3A_559 = arith.constant 0 : i32
      %scan3A_560 = arith.constant 0 : i32
      %scan3A_561 = arith.constant 0 : i32
      %scan3A_562 = arith.constant 200 : i32
      %scan3A_563 = arith.addi %scan3A_561, %scan3A_562 : i32
      %scan3A_564 = arith.constant 1 : i32
      scf.for %scan3A_1420 = %scan3A_561 to %scan3A_563 step %scan3A_564  : i32 {
        %get3A = arith.index_cast %scan3A_1420 : i32 to index
        %get3A_1421 = arith.constant 0 : index
        %get3A_1422 = tpu.vector_load %arg8[%get3A, %get3A_1421] {strides = array<i32>} : memref<200x32xf32, #tpu.memory_space<vmem>>, vector<1x16xf32>,
        %get3A_1423 = vector.shape_cast %get3A_1422 : vector<1x16xf32> to vector<16xf32>
        %get3A_1424 = arith.index_cast %scan3A_1420 : i32 to index
        %get3A_1425 = arith.constant 16 : index
        %get3A_1426 = tpu.vector_load %arg8[%get3A_1424, %get3A_1425] {strides = array<i32>} : memref<200x32xf32, #tpu.memory_space<vmem>>, vector<1x16xf32>,
        %get3A_1427 = vector.shape_cast %get3A_1426 : vector<1x16xf32> to vector<16xf32>
        %add3A_1428 = arith.constant 0 : i32
        %add3A_1429 = arith.addi %add3A_1428, %scan3A_1420 : i32
        %get3A_1430 = arith.constant 0 : i32
        %get3A_1431 = arith.constant 0 : i32
        %get3A_1432 = tpu.memref_slice %arg7[%scan3A_560, %get3A_1430, %get3A_1431] : memref<4x800x32xf32, #tpu.memory_space<vmem>> -> memref<1x800x32xf32, #tpu.memory_space<vmem>>
        %get3A_1433 = tpu.memref_squeeze %get3A_1432 : memref<1x800x32xf32, #tpu.memory_space<vmem>> -> memref<800x32xf32, #tpu.memory_space<vmem>>
        %get3A_1434 = arith.index_cast %add3A_1429 : i32 to index
        %get3A_1435 = arith.constant 0 : index
        %get3A_1436 = tpu.vector_load %get3A_1433[%get3A_1434, %get3A_1435] {strides = array<i32>} : memref<800x32xf32, #tpu.memory_space<vmem>>, vector<1x16xf32>,
        %get3A_1437 = vector.shape_cast %get3A_1436 : vector<1x16xf32> to vector<16xf32>
        %add3A_1438 = arith.addf %get3A_1437, %get3A_1423 : vector<16xf32>
        %swap3A = arith.constant 0 : i32
        %swap3A_1439 = arith.constant 0 : i32
        %swap3A_1440 = tpu.memref_slice %arg7[%scan3A_560, %swap3A, %swap3A_1439] : memref<4x800x32xf32, #tpu.memory_space<vmem>> -> memref<1x800x32xf32, #tpu.memory_space<vmem>>
        %swap3A_1441 = tpu.memref_squeeze %swap3A_1440 : memref<1x800x32xf32, #tpu.memory_space<vmem>> -> memref<800x32xf32, #tpu.memory_space<vmem>>
        %swap3A_1442 = arith.index_cast %add3A_1429 : i32 to index
        %swap3A_1443 = arith.constant 0 : index
        %swap3A_1444 = tpu.vector_load %swap3A_1441[%swap3A_1442, %swap3A_1443] {strides = array<i32>} : memref<800x32xf32, #tpu.memory_space<vmem>>, vector<1x16xf32>,
        %swap3A_1445 = vector.shape_cast %swap3A_1444 : vector<1x16xf32> to vector<16xf32>
        %swap3A_1446 = vector.shape_cast %add3A_1438 : vector<16xf32> to vector<1x16xf32>
        tpu.vector_store %swap3A_1441[%swap3A_1442, %swap3A_1443], %swap3A_1446 {strides = array<i32>} : memref<800x32xf32, #tpu.memory_space<vmem>>, vector<1x16xf32>,
        %get3A_1447 = arith.constant 0 : i32
        %get3A_1448 = arith.constant 0 : i32
        %get3A_1449 = tpu.memref_slice %arg7[%scan3A_560, %get3A_1447, %get3A_1448] : memref<4x800x32xf32, #tpu.memory_space<vmem>> -> memref<1x800x32xf32, #tpu.memory_space<vmem>>
        %get3A_1450 = tpu.memref_squeeze %get3A_1449 : memref<1x800x32xf32, #tpu.memory_space<vmem>> -> memref<800x32xf32, #tpu.memory_space<vmem>>
        %get3A_1451 = arith.index_cast %add3A_1429 : i32 to index
        %get3A_1452 = arith.constant 16 : index
        %get3A_1453 = tpu.vector_load %get3A_1450[%get3A_1451, %get3A_1452] {strides = array<i32>} : memref<800x32xf32, #tpu.memory_space<vmem>>, vector<1x16xf32>,
        %get3A_1454 = vector.shape_cast %get3A_1453 : vector<1x16xf32> to vector<16xf32>
        %add3A_1455 = arith.addf %get3A_1454, %get3A_1427 : vector<16xf32>
        %swap3A_1456 = arith.constant 0 : i32
        %swap3A_1457 = arith.constant 0 : i32
        %swap3A_1458 = tpu.memref_slice %arg7[%scan3A_560, %swap3A_1456, %swap3A_1457] : memref<4x800x32xf32, #tpu.memory_space<vmem>> -> memref<1x800x32xf32, #tpu.memory_space<vmem>>
        %swap3A_1459 = tpu.memref_squeeze %swap3A_1458 : memref<1x800x32xf32, #tpu.memory_space<vmem>> -> memref<800x32xf32, #tpu.memory_space<vmem>>
        %swap3A_1460 = arith.index_cast %add3A_1429 : i32 to index
        %swap3A_1461 = arith.constant 16 : index
        %swap3A_1462 = tpu.vector_load %swap3A_1459[%swap3A_1460, %swap3A_1461] {strides = array<i32>} : memref<800x32xf32, #tpu.memory_space<vmem>>, vector<1x16xf32>,
        %swap3A_1463 = vector.shape_cast %swap3A_1462 : vector<1x16xf32> to vector<16xf32>
        %swap3A_1464 = vector.shape_cast %add3A_1455 : vector<16xf32> to vector<1x16xf32>
        tpu.vector_store %swap3A_1459[%swap3A_1460, %swap3A_1461], %swap3A_1464 {strides = array<i32>} : memref<800x32xf32, #tpu.memory_space<vmem>>, vector<1x16xf32>,
        %add3A_1465 = arith.constant 200 : i32
        %add3A_1466 = arith.addi %add3A_1465, %scan3A_1420 : i32
        %get3A_1467 = arith.constant 0 : i32
        %get3A_1468 = arith.constant 0 : i32
        %get3A_1469 = tpu.memref_slice %arg7[%scan3A_560, %get3A_1467, %get3A_1468] : memref<4x800x32xf32, #tpu.memory_space<vmem>> -> memref<1x800x32xf32, #tpu.memory_space<vmem>>
        %get3A_1470 = tpu.memref_squeeze %get3A_1469 : memref<1x800x32xf32, #tpu.memory_space<vmem>> -> memref<800x32xf32, #tpu.memory_space<vmem>>
        %get3A_1471 = arith.index_cast %add3A_1466 : i32 to index
        %get3A_1472 = arith.constant 0 : index
        %get3A_1473 = tpu.vector_load %get3A_1470[%get3A_1471, %get3A_1472] {strides = array<i32>} : memref<800x32xf32, #tpu.memory_space<vmem>>, vector<1x16xf32>,
        %get3A_1474 = vector.shape_cast %get3A_1473 : vector<1x16xf32> to vector<16xf32>
        %add3A_1475 = arith.addf %get3A_1474, %get3A_1423 : vector<16xf32>
        %swap3A_1476 = arith.constant 0 : i32
        %swap3A_1477 = arith.constant 0 : i32
        %swap3A_1478 = tpu.memref_slice %arg7[%scan3A_560, %swap3A_1476, %swap3A_1477] : memref<4x800x32xf32, #tpu.memory_space<vmem>> -> memref<1x800x32xf32, #tpu.memory_space<vmem>>
        %swap3A_1479 = tpu.memref_squeeze %swap3A_1478 : memref<1x800x32xf32, #tpu.memory_space<vmem>> -> memref<800x32xf32, #tpu.memory_space<vmem>>
        %swap3A_1480 = arith.index_cast %add3A_1466 : i32 to index
        %swap3A_1481 = arith.constant 0 : index
        %swap3A_1482 = tpu.vector_load %swap3A_1479[%swap3A_1480, %swap3A_1481] {strides = array<i32>} : memref<800x32xf32, #tpu.memory_space<vmem>>, vector<1x16xf32>,
        %swap3A_1483 = vector.shape_cast %swap3A_1482 : vector<1x16xf32> to vector<16xf32>
        %swap3A_1484 = vector.shape_cast %add3A_1475 : vector<16xf32> to vector<1x16xf32>
        tpu.vector_store %swap3A_1479[%swap3A_1480, %swap3A_1481], %swap3A_1484 {strides = array<i32>} : memref<800x32xf32, #tpu.memory_space<vmem>>, vector<1x16xf32>,
        %get3A_1485 = arith.constant 0 : i32
        %get3A_1486 = arith.constant 0 : i32
        %get3A_1487 = tpu.memref_slice %arg7[%scan3A_560, %get3A_1485, %get3A_1486] : memref<4x800x32xf32, #tpu.memory_space<vmem>> -> memref<1x800x32xf32, #tpu.memory_space<vmem>>
        %get3A_1488 = tpu.memref_squeeze %get3A_1487 : memref<1x800x32xf32, #tpu.memory_space<vmem>> -> memref<800x32xf32, #tpu.memory_space<vmem>>
        %get3A_1489 = arith.index_cast %add3A_1466 : i32 to index
        %get3A_1490 = arith.constant 16 : index
        %get3A_1491 = tpu.vector_load %get3A_1488[%get3A_1489, %get3A_1490] {strides = array<i32>} : memref<800x32xf32, #tpu.memory_space<vmem>>, vector<1x16xf32>,
        %get3A_1492 = vector.shape_cast %get3A_1491 : vector<1x16xf32> to vector<16xf32>
        %add3A_1493 = arith.addf %get3A_1492, %get3A_1427 : vector<16xf32>
        %swap3A_1494 = arith.constant 0 : i32
        %swap3A_1495 = arith.constant 0 : i32
        %swap3A_1496 = tpu.memref_slice %arg7[%scan3A_560, %swap3A_1494, %swap3A_1495] : memref<4x800x32xf32, #tpu.memory_space<vmem>> -> memref<1x800x32xf32, #tpu.memory_space<vmem>>
        %swap3A_1497 = tpu.memref_squeeze %swap3A_1496 : memref<1x800x32xf32, #tpu.memory_space<vmem>> -> memref<800x32xf32, #tpu.memory_space<vmem>>
        %swap3A_1498 = arith.index_cast %add3A_1466 : i32 to index
        %swap3A_1499 = arith.constant 16 : index
        %swap3A_1500 = tpu.vector_load %swap3A_1497[%swap3A_1498, %swap3A_1499] {strides = array<i32>} : memref<800x32xf32, #tpu.memory_space<vmem>>, vector<1x16xf32>,
        %swap3A_1501 = vector.shape_cast %swap3A_1500 : vector<1x16xf32> to vector<16xf32>
        %swap3A_1502 = vector.shape_cast %add3A_1493 : vector<16xf32> to vector<1x16xf32>
        tpu.vector_store %swap3A_1497[%swap3A_1498, %swap3A_1499], %swap3A_1502 {strides = array<i32>} : memref<800x32xf32, #tpu.memory_space<vmem>>, vector<1x16xf32>,
        %add3A_1503 = arith.constant 400 : i32
        %add3A_1504 = arith.addi %add3A_1503, %scan3A_1420 : i32
        %get3A_1505 = arith.constant 0 : i32
        %get3A_1506 = arith.constant 0 : i32
        %get3A_1507 = tpu.memref_slice %arg7[%scan3A_560, %get3A_1505, %get3A_1506] : memref<4x800x32xf32, #tpu.memory_space<vmem>> -> memref<1x800x32xf32, #tpu.memory_space<vmem>>
        %get3A_1508 = tpu.memref_squeeze %get3A_1507 : memref<1x800x32xf32, #tpu.memory_space<vmem>> -> memref<800x32xf32, #tpu.memory_space<vmem>>
        %get3A_1509 = arith.index_cast %add3A_1504 : i32 to index
        %get3A_1510 = arith.constant 0 : index
        %get3A_1511 = tpu.vector_load %get3A_1508[%get3A_1509, %get3A_1510] {strides = array<i32>} : memref<800x32xf32, #tpu.memory_space<vmem>>, vector<1x16xf32>,
        %get3A_1512 = vector.shape_cast %get3A_1511 : vector<1x16xf32> to vector<16xf32>
        %add3A_1513 = arith.addf %get3A_1512, %get3A_1423 : vector<16xf32>
        %swap3A_1514 = arith.constant 0 : i32
        %swap3A_1515 = arith.constant 0 : i32
        %swap3A_1516 = tpu.memref_slice %arg7[%scan3A_560, %swap3A_1514, %swap3A_1515] : memref<4x800x32xf32, #tpu.memory_space<vmem>> -> memref<1x800x32xf32, #tpu.memory_space<vmem>>
        %swap3A_1517 = tpu.memref_squeeze %swap3A_1516 : memref<1x800x32xf32, #tpu.memory_space<vmem>> -> memref<800x32xf32, #tpu.memory_space<vmem>>
        %swap3A_1518 = arith.index_cast %add3A_1504 : i32 to index
        %swap3A_1519 = arith.constant 0 : index
        %swap3A_1520 = tpu.vector_load %swap3A_1517[%swap3A_1518, %swap3A_1519] {strides = array<i32>} : memref<800x32xf32, #tpu.memory_space<vmem>>, vector<1x16xf32>,
        %swap3A_1521 = vector.shape_cast %swap3A_1520 : vector<1x16xf32> to vector<16xf32>
        %swap3A_1522 = vector.shape_cast %add3A_1513 : vector<16xf32> to vector<1x16xf32>
        tpu.vector_store %swap3A_1517[%swap3A_1518, %swap3A_1519], %swap3A_1522 {strides = array<i32>} : memref<800x32xf32, #tpu.memory_space<vmem>>, vector<1x16xf32>,
        %get3A_1523 = arith.constant 0 : i32
        %get3A_1524 = arith.constant 0 : i32
        %get3A_1525 = tpu.memref_slice %arg7[%scan3A_560, %get3A_1523, %get3A_1524] : memref<4x800x32xf32, #tpu.memory_space<vmem>> -> memref<1x800x32xf32, #tpu.memory_space<vmem>>
        %get3A_1526 = tpu.memref_squeeze %get3A_1525 : memref<1x800x32xf32, #tpu.memory_space<vmem>> -> memref<800x32xf32, #tpu.memory_space<vmem>>
        %get3A_1527 = arith.index_cast %add3A_1504 : i32 to index
        %get3A_1528 = arith.constant 16 : index
        %get3A_1529 = tpu.vector_load %get3A_1526[%get3A_1527, %get3A_1528] {strides = array<i32>} : memref<800x32xf32, #tpu.memory_space<vmem>>, vector<1x16xf32>,
        %get3A_1530 = vector.shape_cast %get3A_1529 : vector<1x16xf32> to vector<16xf32>
        %add3A_1531 = arith.addf %get3A_1530, %get3A_1427 : vector<16xf32>
        %swap3A_1532 = arith.constant 0 : i32
        %swap3A_1533 = arith.constant 0 : i32
        %swap3A_1534 = tpu.memref_slice %arg7[%scan3A_560, %swap3A_1532, %swap3A_1533] : memref<4x800x32xf32, #tpu.memory_space<vmem>> -> memref<1x800x32xf32, #tpu.memory_space<vmem>>
        %swap3A_1535 = tpu.memref_squeeze %swap3A_1534 : memref<1x800x32xf32, #tpu.memory_space<vmem>> -> memref<800x32xf32, #tpu.memory_space<vmem>>
        %swap3A_1536 = arith.index_cast %add3A_1504 : i32 to index
        %swap3A_1537 = arith.constant 16 : index
        %swap3A_1538 = tpu.vector_load %swap3A_1535[%swap3A_1536, %swap3A_1537] {strides = array<i32>} : memref<800x32xf32, #tpu.memory_space<vmem>>, vector<1x16xf32>,
        %swap3A_1539 = vector.shape_cast %swap3A_1538 : vector<1x16xf32> to vector<16xf32>
        %swap3A_1540 = vector.shape_cast %add3A_1531 : vector<16xf32> to vector<1x16xf32>
        tpu.vector_store %swap3A_1535[%swap3A_1536, %swap3A_1537], %swap3A_1540 {strides = array<i32>} : memref<800x32xf32, #tpu.memory_space<vmem>>, vector<1x16xf32>,
        %add3A_1541 = arith.constant 600 : i32
        %add3A_1542 = arith.addi %add3A_1541, %scan3A_1420 : i32
        %get3A_1543 = arith.constant 0 : i32
        %get3A_1544 = arith.constant 0 : i32
        %get3A_1545 = tpu.memref_slice %arg7[%scan3A_560, %get3A_1543, %get3A_1544] : memref<4x800x32xf32, #tpu.memory_space<vmem>> -> memref<1x800x32xf32, #tpu.memory_space<vmem>>
        %get3A_1546 = tpu.memref_squeeze %get3A_1545 : memref<1x800x32xf32, #tpu.memory_space<vmem>> -> memref<800x32xf32, #tpu.memory_space<vmem>>
        %get3A_1547 = arith.index_cast %add3A_1542 : i32 to index
        %get3A_1548 = arith.constant 0 : index
        %get3A_1549 = tpu.vector_load %get3A_1546[%get3A_1547, %get3A_1548] {strides = array<i32>} : memref<800x32xf32, #tpu.memory_space<vmem>>, vector<1x16xf32>,
        %get3A_1550 = vector.shape_cast %get3A_1549 : vector<1x16xf32> to vector<16xf32>
        %add3A_1551 = arith.addf %get3A_1550, %get3A_1423 : vector<16xf32>
        %swap3A_1552 = arith.constant 0 : i32
        %swap3A_1553 = arith.constant 0 : i32
        %swap3A_1554 = tpu.memref_slice %arg7[%scan3A_560, %swap3A_1552, %swap3A_1553] : memref<4x800x32xf32, #tpu.memory_space<vmem>> -> memref<1x800x32xf32, #tpu.memory_space<vmem>>
        %swap3A_1555 = tpu.memref_squeeze %swap3A_1554 : memref<1x800x32xf32, #tpu.memory_space<vmem>> -> memref<800x32xf32, #tpu.memory_space<vmem>>
        %swap3A_1556 = arith.index_cast %add3A_1542 : i32 to index
        %swap3A_1557 = arith.constant 0 : index
        %swap3A_1558 = tpu.vector_load %swap3A_1555[%swap3A_1556, %swap3A_1557] {strides = array<i32>} : memref<800x32xf32, #tpu.memory_space<vmem>>, vector<1x16xf32>,
        %swap3A_1559 = vector.shape_cast %swap3A_1558 : vector<1x16xf32> to vector<16xf32>
        %swap3A_1560 = vector.shape_cast %add3A_1551 : vector<16xf32> to vector<1x16xf32>
        tpu.vector_store %swap3A_1555[%swap3A_1556, %swap3A_1557], %swap3A_1560 {strides = array<i32>} : memref<800x32xf32, #tpu.memory_space<vmem>>, vector<1x16xf32>,
        %get3A_1561 = arith.constant 0 : i32
        %get3A_1562 = arith.constant 0 : i32
        %get3A_1563 = tpu.memref_slice %arg7[%scan3A_560, %get3A_1561, %get3A_1562] : memref<4x800x32xf32, #tpu.memory_space<vmem>> -> memref<1x800x32xf32, #tpu.memory_space<vmem>>
        %get3A_1564 = tpu.memref_squeeze %get3A_1563 : memref<1x800x32xf32, #tpu.memory_space<vmem>> -> memref<800x32xf32, #tpu.memory_space<vmem>>
        %get3A_1565 = arith.index_cast %add3A_1542 : i32 to index
        %get3A_1566 = arith.constant 16 : index
        %get3A_1567 = tpu.vector_load %get3A_1564[%get3A_1565, %get3A_1566] {strides = array<i32>} : memref<800x32xf32, #tpu.memory_space<vmem>>, vector<1x16xf32>,
        %get3A_1568 = vector.shape_cast %get3A_1567 : vector<1x16xf32> to vector<16xf32>
        %add3A_1569 = arith.addf %get3A_1568, %get3A_1427 : vector<16xf32>
        %swap3A_1570 = arith.constant 0 : i32
        %swap3A_1571 = arith.constant 0 : i32
        %swap3A_1572 = tpu.memref_slice %arg7[%scan3A_560, %swap3A_1570, %swap3A_1571] : memref<4x800x32xf32, #tpu.memory_space<vmem>> -> memref<1x800x32xf32, #tpu.memory_space<vmem>>
        %swap3A_1573 = tpu.memref_squeeze %swap3A_1572 : memref<1x800x32xf32, #tpu.memory_space<vmem>> -> memref<800x32xf32, #tpu.memory_space<vmem>>
        %swap3A_1574 = arith.index_cast %add3A_1542 : i32 to index
        %swap3A_1575 = arith.constant 16 : index
        %swap3A_1576 = tpu.vector_load %swap3A_1573[%swap3A_1574, %swap3A_1575] {strides = array<i32>} : memref<800x32xf32, #tpu.memory_space<vmem>>, vector<1x16xf32>,
        %swap3A_1577 = vector.shape_cast %swap3A_1576 : vector<1x16xf32> to vector<16xf32>
        %swap3A_1578 = vector.shape_cast %add3A_1569 : vector<16xf32> to vector<1x16xf32>
        tpu.vector_store %swap3A_1573[%swap3A_1574, %swap3A_1575], %swap3A_1578 {strides = array<i32>} : memref<800x32xf32, #tpu.memory_space<vmem>>, vector<1x16xf32>,
      }
      %scan3A_565 = arith.constant 200 : i32
      %mul3A_566 = arith.constant 32 : i32
      %mul3A_567 = arith.muli %add3A, %mul3A_566 : i32
      %add3A_568 = arith.addi %mul3A_567, %add3A_256 : i32
      %mul3A_569 = arith.constant 800 : i32
      %mul3A_570 = arith.muli %add3A_568, %mul3A_569 : i32
      %dma_start3A_571 = arith.constant 0 : i32
      %dma_start3A_572 = arith.constant 0 : i32
      %dma_start3A_573 = arith.constant 0 : i32
      %dma_start3A_574 = tpu.memref_slice %arg7[%dma_start3A_571, %dma_start3A_572, %dma_start3A_573] : memref<4x800x32xf32, #tpu.memory_space<vmem>> -> memref<1x800x32xf32, #tpu.memory_space<vmem>>
      %dma_start3A_575 = tpu.memref_squeeze %dma_start3A_574 : memref<1x800x32xf32, #tpu.memory_space<vmem>> -> memref<800x32xf32, #tpu.memory_space<vmem>>
      %dma_start3A_576 = arith.constant 0 : i32
      %dma_start3A_577 = tpu.memref_slice %arg5[%mul3A_570, %dma_start3A_576] : memref<819200x32xf32, #tpu.memory_space<hbm>> -> memref<800x32xf32, #tpu.memory_space<hbm>>
      %dma_start3A_578 = arith.constant 0 : i32
      %dma_start3A_579 = tpu.memref_slice %arg5[%mul3A_570, %dma_start3A_578] : memref<819200x32xf32, #tpu.memory_space<hbm>> -> memref<800x32xf32, #tpu.memory_space<hbm>>
      %dma_start3A_580 = arith.constant 0 : i32
      %dma_start3A_581 = arith.constant 0 : i32
      %dma_start3A_582 = tpu.memref_slice %arg7[%dma_start3A_571, %dma_start3A_580, %dma_start3A_581] : memref<4x800x32xf32, #tpu.memory_space<vmem>> -> memref<1x800x32xf32, #tpu.memory_space<vmem>>
      %dma_start3A_583 = tpu.memref_squeeze %dma_start3A_582 : memref<1x800x32xf32, #tpu.memory_space<vmem>> -> memref<800x32xf32, #tpu.memory_space<vmem>>
      tpu.enqueue_dma source(%dma_start3A_583 : memref<800x32xf32, #tpu.memory_space<vmem>>) target(%dma_start3A_579 : memref<800x32xf32, #tpu.memory_space<hbm>>) target_semaphore(%arg13 : memref<!tpu.dma_semaphore, #tpu.memory_space<semaphore_mem>>)
      %mul3A_584 = arith.constant 4 : i32
      %mul3A_585 = arith.muli %mul3A_584, %scan3A_252 : i32
      %add3A_586 = arith.constant 1 : i32
      %add3A_587 = arith.addi %mul3A_585, %add3A_586 : i32
      %add3A_588 = arith.constant 2 : i32
      %add3A_589 = arith.addi %add3A_587, %add3A_588 : i32
      %mul3A_590 = arith.constant 32 : i32
      %mul3A_591 = arith.muli %add3A, %mul3A_590 : i32
      %add3A_592 = arith.addi %mul3A_591, %add3A_589 : i32
      %dma_start3A_593 = arith.constant 3 : i32
      %dma_start3A_594 = arith.constant 0 : i32
      %dma_start3A_595 = arith.constant 0 : i32
      %dma_start3A_596 = tpu.memref_slice %arg6[%dma_start3A_593, %dma_start3A_594, %dma_start3A_595] : memref<4x8x100xi32, #tpu.memory_space<vmem>> -> memref<1x8x100xi32, #tpu.memory_space<vmem>>
      %dma_start3A_597 = tpu.memref_squeeze %dma_start3A_596 : memref<1x8x100xi32, #tpu.memory_space<vmem>> -> memref<8x100xi32, #tpu.memory_space<vmem>>
      %dma_start3A_598 = arith.constant 0 : i32
      %dma_start3A_599 = arith.constant 0 : i32
      %dma_start3A_600 = tpu.memref_slice %arg2[%add3A_592, %dma_start3A_598, %dma_start3A_599] : memref<1024x8x100xi32, #tpu.memory_space<hbm>> -> memref<1x8x100xi32, #tpu.memory_space<hbm>>
      %dma_start3A_601 = tpu.memref_squeeze %dma_start3A_600 : memref<1x8x100xi32, #tpu.memory_space<hbm>> -> memref<8x100xi32, #tpu.memory_space<hbm>>
      %dma_start3A_602 = arith.constant 0 : i32
      %dma_start3A_603 = arith.constant 0 : i32
      %dma_start3A_604 = tpu.memref_slice %arg6[%dma_start3A_593, %dma_start3A_602, %dma_start3A_603] : memref<4x8x100xi32, #tpu.memory_space<vmem>> -> memref<1x8x100xi32, #tpu.memory_space<vmem>>
      %dma_start3A_605 = tpu.memref_squeeze %dma_start3A_604 : memref<1x8x100xi32, #tpu.memory_space<vmem>> -> memref<8x100xi32, #tpu.memory_space<vmem>>
      %dma_start3A_606 = arith.constant 0 : i32
      %dma_start3A_607 = arith.constant 0 : i32
      %dma_start3A_608 = tpu.memref_slice %arg2[%add3A_592, %dma_start3A_606, %dma_start3A_607] : memref<1024x8x100xi32, #tpu.memory_space<hbm>> -> memref<1x8x100xi32, #tpu.memory_space<hbm>>
      %dma_start3A_609 = tpu.memref_squeeze %dma_start3A_608 : memref<1x8x100xi32, #tpu.memory_space<hbm>> -> memref<8x100xi32, #tpu.memory_space<hbm>>
      tpu.enqueue_dma source(%dma_start3A_609 : memref<8x100xi32, #tpu.memory_space<hbm>>) target(%dma_start3A_605 : memref<8x100xi32, #tpu.memory_space<vmem>>) target_semaphore(%arg20 : memref<!tpu.dma_semaphore, #tpu.memory_space<semaphore_mem>>)
      %gt3A_610 = arith.constant 0 : i32
      %gt3A_611 = arith.cmpi sgt, %scan3A_252, %gt3A_610 : i32
      %convert_element_type3A_612 = arith.extui %gt3A_611 : i1 to i32
      %cond3A_613 = arith.constant 0 : i32
      %cond3A_614 = arith.cmpi ne, %convert_element_type3A_612, %cond3A_613 : i32
      scf.if %cond3A_614 {
        %sub3A_1420 = arith.constant 3 : i32
        %sub3A_1421 = arith.subi %add3A_587, %sub3A_1420 : i32
        %mul3A_1422 = arith.constant 32 : i32
        %mul3A_1423 = arith.muli %add3A, %mul3A_1422 : i32
        %add3A_1424 = arith.addi %mul3A_1423, %sub3A_1421 : i32
        %mul3A_1425 = arith.constant 800 : i32
        %mul3A_1426 = arith.muli %add3A_1424, %mul3A_1425 : i32
        %dma_wait3A_1427 = arith.constant 2 : i32
        %dma_wait3A_1428 = arith.constant 0 : i32
        %dma_wait3A_1429 = arith.constant 0 : i32
        %dma_wait3A_1430 = tpu.memref_slice %arg7[%dma_wait3A_1427, %dma_wait3A_1428, %dma_wait3A_1429] : memref<4x800x32xf32, #tpu.memory_space<vmem>> -> memref<1x800x32xf32, #tpu.memory_space<vmem>>
        %dma_wait3A_1431 = tpu.memref_squeeze %dma_wait3A_1430 : memref<1x800x32xf32, #tpu.memory_space<vmem>> -> memref<800x32xf32, #tpu.memory_space<vmem>>
        %dma_wait3A_1432 = arith.constant 0 : i32
        %dma_wait3A_1433 = tpu.memref_slice %arg5[%mul3A_1426, %dma_wait3A_1432] : memref<819200x32xf32, #tpu.memory_space<hbm>> -> memref<800x32xf32, #tpu.memory_space<hbm>>
        %dma_wait3A_1434 = arith.constant 0 : i32
        %dma_wait3A_1435 = tpu.memref_slice %arg5[%mul3A_1426, %dma_wait3A_1434] : memref<819200x32xf32, #tpu.memory_space<hbm>> -> memref<800x32xf32, #tpu.memory_space<hbm>>
        %dma_wait3A_1436 = arith.constant 0 : i32
        %dma_wait3A_1437 = arith.constant 0 : i32
        %dma_wait3A_1438 = tpu.memref_slice %arg7[%dma_wait3A_1427, %dma_wait3A_1436, %dma_wait3A_1437] : memref<4x800x32xf32, #tpu.memory_space<vmem>> -> memref<1x800x32xf32, #tpu.memory_space<vmem>>
        %dma_wait3A_1439 = tpu.memref_squeeze %dma_wait3A_1438 : memref<1x800x32xf32, #tpu.memory_space<vmem>> -> memref<800x32xf32, #tpu.memory_space<vmem>>
        tpu.wait_dma2 semaphore(%arg15 : memref<!tpu.dma_semaphore, #tpu.memory_space<semaphore_mem>>) src(%dma_wait3A_1439 : memref<800x32xf32, #tpu.memory_space<vmem>>) dst(%dma_wait3A_1435 : memref<800x32xf32, #tpu.memory_space<hbm>>)
      } else {
      }
      %add3A_615 = arith.constant 1 : i32
      %add3A_616 = arith.addi %add3A_587, %add3A_615 : i32
      %mul3A_617 = arith.constant 32 : i32
      %mul3A_618 = arith.muli %add3A, %mul3A_617 : i32
      %add3A_619 = arith.addi %mul3A_618, %add3A_616 : i32
      %dma_wait3A_620 = arith.constant 2 : i32
      %dma_wait3A_621 = arith.constant 0 : i32
      %dma_wait3A_622 = arith.constant 0 : i32
      %dma_wait3A_623 = tpu.memref_slice %arg6[%dma_wait3A_620, %dma_wait3A_621, %dma_wait3A_622] : memref<4x8x100xi32, #tpu.memory_space<vmem>> -> memref<1x8x100xi32, #tpu.memory_space<vmem>>
      %dma_wait3A_624 = tpu.memref_squeeze %dma_wait3A_623 : memref<1x8x100xi32, #tpu.memory_space<vmem>> -> memref<8x100xi32, #tpu.memory_space<vmem>>
      %dma_wait3A_625 = arith.constant 0 : i32
      %dma_wait3A_626 = arith.constant 0 : i32
      %dma_wait3A_627 = tpu.memref_slice %arg2[%add3A_619, %dma_wait3A_625, %dma_wait3A_626] : memref<1024x8x100xi32, #tpu.memory_space<hbm>> -> memref<1x8x100xi32, #tpu.memory_space<hbm>>
      %dma_wait3A_628 = tpu.memref_squeeze %dma_wait3A_627 : memref<1x8x100xi32, #tpu.memory_space<hbm>> -> memref<8x100xi32, #tpu.memory_space<hbm>>
      %dma_wait3A_629 = arith.constant 0 : i32
      %dma_wait3A_630 = arith.constant 0 : i32
      %dma_wait3A_631 = tpu.memref_slice %arg6[%dma_wait3A_620, %dma_wait3A_629, %dma_wait3A_630] : memref<4x8x100xi32, #tpu.memory_space<vmem>> -> memref<1x8x100xi32, #tpu.memory_space<vmem>>
      %dma_wait3A_632 = tpu.memref_squeeze %dma_wait3A_631 : memref<1x8x100xi32, #tpu.memory_space<vmem>> -> memref<8x100xi32, #tpu.memory_space<vmem>>
      %dma_wait3A_633 = arith.constant 0 : i32
      %dma_wait3A_634 = arith.constant 0 : i32
      %dma_wait3A_635 = tpu.memref_slice %arg2[%add3A_619, %dma_wait3A_633, %dma_wait3A_634] : memref<1024x8x100xi32, #tpu.memory_space<hbm>> -> memref<1x8x100xi32, #tpu.memory_space<hbm>>
      %dma_wait3A_636 = tpu.memref_squeeze %dma_wait3A_635 : memref<1x8x100xi32, #tpu.memory_space<hbm>> -> memref<8x100xi32, #tpu.memory_space<hbm>>
      tpu.wait_dma2 semaphore(%arg19 : memref<!tpu.dma_semaphore, #tpu.memory_space<semaphore_mem>>) src(%dma_wait3A_636 : memref<8x100xi32, #tpu.memory_space<hbm>>) dst(%dma_wait3A_632 : memref<8x100xi32, #tpu.memory_space<vmem>>)
      %dma_start3A_637 = arith.constant 2 : i32
      %dma_start3A_638 = arith.constant 0 : i32
      %dma_start3A_639 = arith.constant 2 : i32
      %dma_start3A_640 = arith.constant 0 : i32
      %dma_start3A_641 = arith.constant 0 : i32
      %dma_start3A_642 = tpu.memref_slice %arg7[%dma_start3A_639, %dma_start3A_640, %dma_start3A_641] : memref<4x800x32xf32, #tpu.memory_space<vmem>> -> memref<1x800x32xf32, #tpu.memory_space<vmem>>
      %dma_start3A_643 = tpu.memref_squeeze %dma_start3A_642 : memref<1x800x32xf32, #tpu.memory_space<vmem>> -> memref<800x32xf32, #tpu.memory_space<vmem>>
      %dma_start3A_644 = arith.constant 0 : i32
      %dma_start3A_645 = arith.constant 0 : i32
      %dma_start3A_646 = tpu.memref_slice %dma_start3A_643[%dma_start3A_644, %dma_start3A_645] : memref<800x32xf32, #tpu.memory_space<vmem>> -> memref<100x32xf32, #tpu.memory_space<vmem>>
      %dma_start3A_647 = arith.constant 0 : i32
      %dma_start3A_648 = tpu.memref_slice %arg6[%dma_start3A_637, %dma_start3A_638, %dma_start3A_647] : memref<4x8x100xi32, #tpu.memory_space<vmem>> -> memref<1x1x100xi32, #tpu.memory_space<vmem>>
      %dma_start3A_649 = tpu.memref_squeeze %dma_start3A_648 : memref<1x1x100xi32, #tpu.memory_space<vmem>> -> memref<100xi32, #tpu.memory_space<vmem>>
      %dma_start3A_650 = arith.constant 0 : i32
      %dma_start3A_651 = arith.constant 0 : i32
      %dma_start3A_652 = tpu.memref_slice %arg3[%dma_start3A_650, %dma_start3A_651] : memref<1000000x32xf32, #tpu.memory_space<hbm>> -> memref<1000000x32xf32, #tpu.memory_space<hbm>>
      tpu.enqueue_indirect_dma source(%dma_start3A_652 : memref<1000000x32xf32, #tpu.memory_space<hbm>>) target(%dma_start3A_646 : memref<100x32xf32, #tpu.memory_space<vmem>>) offsets(%dma_start3A_649 : memref<100xi32, #tpu.memory_space<vmem>>) semaphore(%arg11 : memref<!tpu.dma_semaphore, #tpu.memory_space<semaphore_mem>>)
      %dma_start3A_653 = arith.constant 2 : i32
      %dma_start3A_654 = arith.constant 1 : i32
      %dma_start3A_655 = arith.constant 2 : i32
      %dma_start3A_656 = arith.constant 0 : i32
      %dma_start3A_657 = arith.constant 0 : i32
      %dma_start3A_658 = tpu.memref_slice %arg7[%dma_start3A_655, %dma_start3A_656, %dma_start3A_657] : memref<4x800x32xf32, #tpu.memory_space<vmem>> -> memref<1x800x32xf32, #tpu.memory_space<vmem>>
      %dma_start3A_659 = tpu.memref_squeeze %dma_start3A_658 : memref<1x800x32xf32, #tpu.memory_space<vmem>> -> memref<800x32xf32, #tpu.memory_space<vmem>>
      %dma_start3A_660 = arith.constant 100 : i32
      %dma_start3A_661 = arith.constant 0 : i32
      %dma_start3A_662 = tpu.memref_slice %dma_start3A_659[%dma_start3A_660, %dma_start3A_661] : memref<800x32xf32, #tpu.memory_space<vmem>> -> memref<100x32xf32, #tpu.memory_space<vmem>>
      %dma_start3A_663 = arith.constant 0 : i32
      %dma_start3A_664 = tpu.memref_slice %arg6[%dma_start3A_653, %dma_start3A_654, %dma_start3A_663] : memref<4x8x100xi32, #tpu.memory_space<vmem>> -> memref<1x1x100xi32, #tpu.memory_space<vmem>>
      %dma_start3A_665 = tpu.memref_squeeze %dma_start3A_664 : memref<1x1x100xi32, #tpu.memory_space<vmem>> -> memref<100xi32, #tpu.memory_space<vmem>>
      %dma_start3A_666 = arith.constant 0 : i32
      %dma_start3A_667 = arith.constant 0 : i32
      %dma_start3A_668 = tpu.memref_slice %arg3[%dma_start3A_666, %dma_start3A_667] : memref<1000000x32xf32, #tpu.memory_space<hbm>> -> memref<1000000x32xf32, #tpu.memory_space<hbm>>
      tpu.enqueue_indirect_dma source(%dma_start3A_668 : memref<1000000x32xf32, #tpu.memory_space<hbm>>) target(%dma_start3A_662 : memref<100x32xf32, #tpu.memory_space<vmem>>) offsets(%dma_start3A_665 : memref<100xi32, #tpu.memory_space<vmem>>) semaphore(%arg11 : memref<!tpu.dma_semaphore, #tpu.memory_space<semaphore_mem>>)
      %dma_start3A_669 = arith.constant 2 : i32
      %dma_start3A_670 = arith.constant 2 : i32
      %dma_start3A_671 = arith.constant 2 : i32
      %dma_start3A_672 = arith.constant 0 : i32
      %dma_start3A_673 = arith.constant 0 : i32
      %dma_start3A_674 = tpu.memref_slice %arg7[%dma_start3A_671, %dma_start3A_672, %dma_start3A_673] : memref<4x800x32xf32, #tpu.memory_space<vmem>> -> memref<1x800x32xf32, #tpu.memory_space<vmem>>
      %dma_start3A_675 = tpu.memref_squeeze %dma_start3A_674 : memref<1x800x32xf32, #tpu.memory_space<vmem>> -> memref<800x32xf32, #tpu.memory_space<vmem>>
      %dma_start3A_676 = arith.constant 200 : i32
      %dma_start3A_677 = arith.constant 0 : i32
      %dma_start3A_678 = tpu.memref_slice %dma_start3A_675[%dma_start3A_676, %dma_start3A_677] : memref<800x32xf32, #tpu.memory_space<vmem>> -> memref<100x32xf32, #tpu.memory_space<vmem>>
      %dma_start3A_679 = arith.constant 0 : i32
      %dma_start3A_680 = tpu.memref_slice %arg6[%dma_start3A_669, %dma_start3A_670, %dma_start3A_679] : memref<4x8x100xi32, #tpu.memory_space<vmem>> -> memref<1x1x100xi32, #tpu.memory_space<vmem>>
      %dma_start3A_681 = tpu.memref_squeeze %dma_start3A_680 : memref<1x1x100xi32, #tpu.memory_space<vmem>> -> memref<100xi32, #tpu.memory_space<vmem>>
      %dma_start3A_682 = arith.constant 0 : i32
      %dma_start3A_683 = arith.constant 0 : i32
      %dma_start3A_684 = tpu.memref_slice %arg3[%dma_start3A_682, %dma_start3A_683] : memref<1000000x32xf32, #tpu.memory_space<hbm>> -> memref<1000000x32xf32, #tpu.memory_space<hbm>>
      tpu.enqueue_indirect_dma source(%dma_start3A_684 : memref<1000000x32xf32, #tpu.memory_space<hbm>>) target(%dma_start3A_678 : memref<100x32xf32, #tpu.memory_space<vmem>>) offsets(%dma_start3A_681 : memref<100xi32, #tpu.memory_space<vmem>>) semaphore(%arg11 : memref<!tpu.dma_semaphore, #tpu.memory_space<semaphore_mem>>)
      %dma_start3A_685 = arith.constant 2 : i32
      %dma_start3A_686 = arith.constant 3 : i32
      %dma_start3A_687 = arith.constant 2 : i32
      %dma_start3A_688 = arith.constant 0 : i32
      %dma_start3A_689 = arith.constant 0 : i32
      %dma_start3A_690 = tpu.memref_slice %arg7[%dma_start3A_687, %dma_start3A_688, %dma_start3A_689] : memref<4x800x32xf32, #tpu.memory_space<vmem>> -> memref<1x800x32xf32, #tpu.memory_space<vmem>>
      %dma_start3A_691 = tpu.memref_squeeze %dma_start3A_690 : memref<1x800x32xf32, #tpu.memory_space<vmem>> -> memref<800x32xf32, #tpu.memory_space<vmem>>
      %dma_start3A_692 = arith.constant 300 : i32
      %dma_start3A_693 = arith.constant 0 : i32
      %dma_start3A_694 = tpu.memref_slice %dma_start3A_691[%dma_start3A_692, %dma_start3A_693] : memref<800x32xf32, #tpu.memory_space<vmem>> -> memref<100x32xf32, #tpu.memory_space<vmem>>
      %dma_start3A_695 = arith.constant 0 : i32
      %dma_start3A_696 = tpu.memref_slice %arg6[%dma_start3A_685, %dma_start3A_686, %dma_start3A_695] : memref<4x8x100xi32, #tpu.memory_space<vmem>> -> memref<1x1x100xi32, #tpu.memory_space<vmem>>
      %dma_start3A_697 = tpu.memref_squeeze %dma_start3A_696 : memref<1x1x100xi32, #tpu.memory_space<vmem>> -> memref<100xi32, #tpu.memory_space<vmem>>
      %dma_start3A_698 = arith.constant 0 : i32
      %dma_start3A_699 = arith.constant 0 : i32
      %dma_start3A_700 = tpu.memref_slice %arg3[%dma_start3A_698, %dma_start3A_699] : memref<1000000x32xf32, #tpu.memory_space<hbm>> -> memref<1000000x32xf32, #tpu.memory_space<hbm>>
      tpu.enqueue_indirect_dma source(%dma_start3A_700 : memref<1000000x32xf32, #tpu.memory_space<hbm>>) target(%dma_start3A_694 : memref<100x32xf32, #tpu.memory_space<vmem>>) offsets(%dma_start3A_697 : memref<100xi32, #tpu.memory_space<vmem>>) semaphore(%arg11 : memref<!tpu.dma_semaphore, #tpu.memory_space<semaphore_mem>>)
      %dma_start3A_701 = arith.constant 2 : i32
      %dma_start3A_702 = arith.constant 4 : i32
      %dma_start3A_703 = arith.constant 2 : i32
      %dma_start3A_704 = arith.constant 0 : i32
      %dma_start3A_705 = arith.constant 0 : i32
      %dma_start3A_706 = tpu.memref_slice %arg7[%dma_start3A_703, %dma_start3A_704, %dma_start3A_705] : memref<4x800x32xf32, #tpu.memory_space<vmem>> -> memref<1x800x32xf32, #tpu.memory_space<vmem>>
      %dma_start3A_707 = tpu.memref_squeeze %dma_start3A_706 : memref<1x800x32xf32, #tpu.memory_space<vmem>> -> memref<800x32xf32, #tpu.memory_space<vmem>>
      %dma_start3A_708 = arith.constant 400 : i32
      %dma_start3A_709 = arith.constant 0 : i32
      %dma_start3A_710 = tpu.memref_slice %dma_start3A_707[%dma_start3A_708, %dma_start3A_709] : memref<800x32xf32, #tpu.memory_space<vmem>> -> memref<100x32xf32, #tpu.memory_space<vmem>>
      %dma_start3A_711 = arith.constant 0 : i32
      %dma_start3A_712 = tpu.memref_slice %arg6[%dma_start3A_701, %dma_start3A_702, %dma_start3A_711] : memref<4x8x100xi32, #tpu.memory_space<vmem>> -> memref<1x1x100xi32, #tpu.memory_space<vmem>>
      %dma_start3A_713 = tpu.memref_squeeze %dma_start3A_712 : memref<1x1x100xi32, #tpu.memory_space<vmem>> -> memref<100xi32, #tpu.memory_space<vmem>>
      %dma_start3A_714 = arith.constant 0 : i32
      %dma_start3A_715 = arith.constant 0 : i32
      %dma_start3A_716 = tpu.memref_slice %arg3[%dma_start3A_714, %dma_start3A_715] : memref<1000000x32xf32, #tpu.memory_space<hbm>> -> memref<1000000x32xf32, #tpu.memory_space<hbm>>
      tpu.enqueue_indirect_dma source(%dma_start3A_716 : memref<1000000x32xf32, #tpu.memory_space<hbm>>) target(%dma_start3A_710 : memref<100x32xf32, #tpu.memory_space<vmem>>) offsets(%dma_start3A_713 : memref<100xi32, #tpu.memory_space<vmem>>) semaphore(%arg11 : memref<!tpu.dma_semaphore, #tpu.memory_space<semaphore_mem>>)
      %dma_start3A_717 = arith.constant 2 : i32
      %dma_start3A_718 = arith.constant 5 : i32
      %dma_start3A_719 = arith.constant 2 : i32
      %dma_start3A_720 = arith.constant 0 : i32
      %dma_start3A_721 = arith.constant 0 : i32
      %dma_start3A_722 = tpu.memref_slice %arg7[%dma_start3A_719, %dma_start3A_720, %dma_start3A_721] : memref<4x800x32xf32, #tpu.memory_space<vmem>> -> memref<1x800x32xf32, #tpu.memory_space<vmem>>
      %dma_start3A_723 = tpu.memref_squeeze %dma_start3A_722 : memref<1x800x32xf32, #tpu.memory_space<vmem>> -> memref<800x32xf32, #tpu.memory_space<vmem>>
      %dma_start3A_724 = arith.constant 500 : i32
      %dma_start3A_725 = arith.constant 0 : i32
      %dma_start3A_726 = tpu.memref_slice %dma_start3A_723[%dma_start3A_724, %dma_start3A_725] : memref<800x32xf32, #tpu.memory_space<vmem>> -> memref<100x32xf32, #tpu.memory_space<vmem>>
      %dma_start3A_727 = arith.constant 0 : i32
      %dma_start3A_728 = tpu.memref_slice %arg6[%dma_start3A_717, %dma_start3A_718, %dma_start3A_727] : memref<4x8x100xi32, #tpu.memory_space<vmem>> -> memref<1x1x100xi32, #tpu.memory_space<vmem>>
      %dma_start3A_729 = tpu.memref_squeeze %dma_start3A_728 : memref<1x1x100xi32, #tpu.memory_space<vmem>> -> memref<100xi32, #tpu.memory_space<vmem>>
      %dma_start3A_730 = arith.constant 0 : i32
      %dma_start3A_731 = arith.constant 0 : i32
      %dma_start3A_732 = tpu.memref_slice %arg3[%dma_start3A_730, %dma_start3A_731] : memref<1000000x32xf32, #tpu.memory_space<hbm>> -> memref<1000000x32xf32, #tpu.memory_space<hbm>>
      tpu.enqueue_indirect_dma source(%dma_start3A_732 : memref<1000000x32xf32, #tpu.memory_space<hbm>>) target(%dma_start3A_726 : memref<100x32xf32, #tpu.memory_space<vmem>>) offsets(%dma_start3A_729 : memref<100xi32, #tpu.memory_space<vmem>>) semaphore(%arg11 : memref<!tpu.dma_semaphore, #tpu.memory_space<semaphore_mem>>)
      %dma_start3A_733 = arith.constant 2 : i32
      %dma_start3A_734 = arith.constant 6 : i32
      %dma_start3A_735 = arith.constant 2 : i32
      %dma_start3A_736 = arith.constant 0 : i32
      %dma_start3A_737 = arith.constant 0 : i32
      %dma_start3A_738 = tpu.memref_slice %arg7[%dma_start3A_735, %dma_start3A_736, %dma_start3A_737] : memref<4x800x32xf32, #tpu.memory_space<vmem>> -> memref<1x800x32xf32, #tpu.memory_space<vmem>>
      %dma_start3A_739 = tpu.memref_squeeze %dma_start3A_738 : memref<1x800x32xf32, #tpu.memory_space<vmem>> -> memref<800x32xf32, #tpu.memory_space<vmem>>
      %dma_start3A_740 = arith.constant 600 : i32
      %dma_start3A_741 = arith.constant 0 : i32
      %dma_start3A_742 = tpu.memref_slice %dma_start3A_739[%dma_start3A_740, %dma_start3A_741] : memref<800x32xf32, #tpu.memory_space<vmem>> -> memref<100x32xf32, #tpu.memory_space<vmem>>
      %dma_start3A_743 = arith.constant 0 : i32
      %dma_start3A_744 = tpu.memref_slice %arg6[%dma_start3A_733, %dma_start3A_734, %dma_start3A_743] : memref<4x8x100xi32, #tpu.memory_space<vmem>> -> memref<1x1x100xi32, #tpu.memory_space<vmem>>
      %dma_start3A_745 = tpu.memref_squeeze %dma_start3A_744 : memref<1x1x100xi32, #tpu.memory_space<vmem>> -> memref<100xi32, #tpu.memory_space<vmem>>
      %dma_start3A_746 = arith.constant 0 : i32
      %dma_start3A_747 = arith.constant 0 : i32
      %dma_start3A_748 = tpu.memref_slice %arg3[%dma_start3A_746, %dma_start3A_747] : memref<1000000x32xf32, #tpu.memory_space<hbm>> -> memref<1000000x32xf32, #tpu.memory_space<hbm>>
      tpu.enqueue_indirect_dma source(%dma_start3A_748 : memref<1000000x32xf32, #tpu.memory_space<hbm>>) target(%dma_start3A_742 : memref<100x32xf32, #tpu.memory_space<vmem>>) offsets(%dma_start3A_745 : memref<100xi32, #tpu.memory_space<vmem>>) semaphore(%arg11 : memref<!tpu.dma_semaphore, #tpu.memory_space<semaphore_mem>>)
      %dma_start3A_749 = arith.constant 2 : i32
      %dma_start3A_750 = arith.constant 7 : i32
      %dma_start3A_751 = arith.constant 2 : i32
      %dma_start3A_752 = arith.constant 0 : i32
      %dma_start3A_753 = arith.constant 0 : i32
      %dma_start3A_754 = tpu.memref_slice %arg7[%dma_start3A_751, %dma_start3A_752, %dma_start3A_753] : memref<4x800x32xf32, #tpu.memory_space<vmem>> -> memref<1x800x32xf32, #tpu.memory_space<vmem>>
      %dma_start3A_755 = tpu.memref_squeeze %dma_start3A_754 : memref<1x800x32xf32, #tpu.memory_space<vmem>> -> memref<800x32xf32, #tpu.memory_space<vmem>>
      %dma_start3A_756 = arith.constant 700 : i32
      %dma_start3A_757 = arith.constant 0 : i32
      %dma_start3A_758 = tpu.memref_slice %dma_start3A_755[%dma_start3A_756, %dma_start3A_757] : memref<800x32xf32, #tpu.memory_space<vmem>> -> memref<100x32xf32, #tpu.memory_space<vmem>>
      %dma_start3A_759 = arith.constant 0 : i32
      %dma_start3A_760 = tpu.memref_slice %arg6[%dma_start3A_749, %dma_start3A_750, %dma_start3A_759] : memref<4x8x100xi32, #tpu.memory_space<vmem>> -> memref<1x1x100xi32, #tpu.memory_space<vmem>>
      %dma_start3A_761 = tpu.memref_squeeze %dma_start3A_760 : memref<1x1x100xi32, #tpu.memory_space<vmem>> -> memref<100xi32, #tpu.memory_space<vmem>>
      %dma_start3A_762 = arith.constant 0 : i32
      %dma_start3A_763 = arith.constant 0 : i32
      %dma_start3A_764 = tpu.memref_slice %arg3[%dma_start3A_762, %dma_start3A_763] : memref<1000000x32xf32, #tpu.memory_space<hbm>> -> memref<1000000x32xf32, #tpu.memory_space<hbm>>
      tpu.enqueue_indirect_dma source(%dma_start3A_764 : memref<1000000x32xf32, #tpu.memory_space<hbm>>) target(%dma_start3A_758 : memref<100x32xf32, #tpu.memory_space<vmem>>) offsets(%dma_start3A_761 : memref<100xi32, #tpu.memory_space<vmem>>) semaphore(%arg11 : memref<!tpu.dma_semaphore, #tpu.memory_space<semaphore_mem>>)
      %dma_wait3A_765 = arith.constant 1 : i32
      %dma_wait3A_766 = arith.constant 0 : i32
      %dma_wait3A_767 = arith.constant 1 : i32
      %dma_wait3A_768 = arith.constant 0 : i32
      %dma_wait3A_769 = arith.constant 0 : i32
      %dma_wait3A_770 = tpu.memref_slice %arg7[%dma_wait3A_767, %dma_wait3A_768, %dma_wait3A_769] : memref<4x800x32xf32, #tpu.memory_space<vmem>> -> memref<1x800x32xf32, #tpu.memory_space<vmem>>
      %dma_wait3A_771 = tpu.memref_squeeze %dma_wait3A_770 : memref<1x800x32xf32, #tpu.memory_space<vmem>> -> memref<800x32xf32, #tpu.memory_space<vmem>>
      %dma_wait3A_772 = arith.constant 0 : i32
      %dma_wait3A_773 = arith.constant 0 : i32
      %dma_wait3A_774 = tpu.memref_slice %dma_wait3A_771[%dma_wait3A_772, %dma_wait3A_773] : memref<800x32xf32, #tpu.memory_space<vmem>> -> memref<100x32xf32, #tpu.memory_space<vmem>>
      %dma_wait3A_775 = arith.constant 0 : i32
      %dma_wait3A_776 = tpu.memref_slice %arg6[%dma_wait3A_765, %dma_wait3A_766, %dma_wait3A_775] : memref<4x8x100xi32, #tpu.memory_space<vmem>> -> memref<1x1x100xi32, #tpu.memory_space<vmem>>
      %dma_wait3A_777 = tpu.memref_squeeze %dma_wait3A_776 : memref<1x1x100xi32, #tpu.memory_space<vmem>> -> memref<100xi32, #tpu.memory_space<vmem>>
      %dma_wait3A_778 = arith.constant 0 : i32
      %dma_wait3A_779 = arith.constant 0 : i32
      %dma_wait3A_780 = tpu.memref_slice %arg3[%dma_wait3A_778, %dma_wait3A_779] : memref<1000000x32xf32, #tpu.memory_space<hbm>> -> memref<1000000x32xf32, #tpu.memory_space<hbm>>
      tpu.wait_indirect_dma semaphore(%arg10 : memref<!tpu.dma_semaphore, #tpu.memory_space<semaphore_mem>>) src(%dma_wait3A_780 : memref<1000000x32xf32, #tpu.memory_space<hbm>>) dst(%dma_wait3A_774 : memref<100x32xf32, #tpu.memory_space<vmem>>)
      %dma_wait3A_781 = arith.constant 1 : i32
      %dma_wait3A_782 = arith.constant 1 : i32
      %dma_wait3A_783 = arith.constant 1 : i32
      %dma_wait3A_784 = arith.constant 0 : i32
      %dma_wait3A_785 = arith.constant 0 : i32
      %dma_wait3A_786 = tpu.memref_slice %arg7[%dma_wait3A_783, %dma_wait3A_784, %dma_wait3A_785] : memref<4x800x32xf32, #tpu.memory_space<vmem>> -> memref<1x800x32xf32, #tpu.memory_space<vmem>>
      %dma_wait3A_787 = tpu.memref_squeeze %dma_wait3A_786 : memref<1x800x32xf32, #tpu.memory_space<vmem>> -> memref<800x32xf32, #tpu.memory_space<vmem>>
      %dma_wait3A_788 = arith.constant 100 : i32
      %dma_wait3A_789 = arith.constant 0 : i32
      %dma_wait3A_790 = tpu.memref_slice %dma_wait3A_787[%dma_wait3A_788, %dma_wait3A_789] : memref<800x32xf32, #tpu.memory_space<vmem>> -> memref<100x32xf32, #tpu.memory_space<vmem>>
      %dma_wait3A_791 = arith.constant 0 : i32
      %dma_wait3A_792 = tpu.memref_slice %arg6[%dma_wait3A_781, %dma_wait3A_782, %dma_wait3A_791] : memref<4x8x100xi32, #tpu.memory_space<vmem>> -> memref<1x1x100xi32, #tpu.memory_space<vmem>>
      %dma_wait3A_793 = tpu.memref_squeeze %dma_wait3A_792 : memref<1x1x100xi32, #tpu.memory_space<vmem>> -> memref<100xi32, #tpu.memory_space<vmem>>
      %dma_wait3A_794 = arith.constant 0 : i32
      %dma_wait3A_795 = arith.constant 0 : i32
      %dma_wait3A_796 = tpu.memref_slice %arg3[%dma_wait3A_794, %dma_wait3A_795] : memref<1000000x32xf32, #tpu.memory_space<hbm>> -> memref<1000000x32xf32, #tpu.memory_space<hbm>>
      tpu.wait_indirect_dma semaphore(%arg10 : memref<!tpu.dma_semaphore, #tpu.memory_space<semaphore_mem>>) src(%dma_wait3A_796 : memref<1000000x32xf32, #tpu.memory_space<hbm>>) dst(%dma_wait3A_790 : memref<100x32xf32, #tpu.memory_space<vmem>>)
      %dma_wait3A_797 = arith.constant 1 : i32
      %dma_wait3A_798 = arith.constant 2 : i32
      %dma_wait3A_799 = arith.constant 1 : i32
      %dma_wait3A_800 = arith.constant 0 : i32
      %dma_wait3A_801 = arith.constant 0 : i32
      %dma_wait3A_802 = tpu.memref_slice %arg7[%dma_wait3A_799, %dma_wait3A_800, %dma_wait3A_801] : memref<4x800x32xf32, #tpu.memory_space<vmem>> -> memref<1x800x32xf32, #tpu.memory_space<vmem>>
      %dma_wait3A_803 = tpu.memref_squeeze %dma_wait3A_802 : memref<1x800x32xf32, #tpu.memory_space<vmem>> -> memref<800x32xf32, #tpu.memory_space<vmem>>
      %dma_wait3A_804 = arith.constant 200 : i32
      %dma_wait3A_805 = arith.constant 0 : i32
      %dma_wait3A_806 = tpu.memref_slice %dma_wait3A_803[%dma_wait3A_804, %dma_wait3A_805] : memref<800x32xf32, #tpu.memory_space<vmem>> -> memref<100x32xf32, #tpu.memory_space<vmem>>
      %dma_wait3A_807 = arith.constant 0 : i32
      %dma_wait3A_808 = tpu.memref_slice %arg6[%dma_wait3A_797, %dma_wait3A_798, %dma_wait3A_807] : memref<4x8x100xi32, #tpu.memory_space<vmem>> -> memref<1x1x100xi32, #tpu.memory_space<vmem>>
      %dma_wait3A_809 = tpu.memref_squeeze %dma_wait3A_808 : memref<1x1x100xi32, #tpu.memory_space<vmem>> -> memref<100xi32, #tpu.memory_space<vmem>>
      %dma_wait3A_810 = arith.constant 0 : i32
      %dma_wait3A_811 = arith.constant 0 : i32
      %dma_wait3A_812 = tpu.memref_slice %arg3[%dma_wait3A_810, %dma_wait3A_811] : memref<1000000x32xf32, #tpu.memory_space<hbm>> -> memref<1000000x32xf32, #tpu.memory_space<hbm>>
      tpu.wait_indirect_dma semaphore(%arg10 : memref<!tpu.dma_semaphore, #tpu.memory_space<semaphore_mem>>) src(%dma_wait3A_812 : memref<1000000x32xf32, #tpu.memory_space<hbm>>) dst(%dma_wait3A_806 : memref<100x32xf32, #tpu.memory_space<vmem>>)
      %dma_wait3A_813 = arith.constant 1 : i32
      %dma_wait3A_814 = arith.constant 3 : i32
      %dma_wait3A_815 = arith.constant 1 : i32
      %dma_wait3A_816 = arith.constant 0 : i32
      %dma_wait3A_817 = arith.constant 0 : i32
      %dma_wait3A_818 = tpu.memref_slice %arg7[%dma_wait3A_815, %dma_wait3A_816, %dma_wait3A_817] : memref<4x800x32xf32, #tpu.memory_space<vmem>> -> memref<1x800x32xf32, #tpu.memory_space<vmem>>
      %dma_wait3A_819 = tpu.memref_squeeze %dma_wait3A_818 : memref<1x800x32xf32, #tpu.memory_space<vmem>> -> memref<800x32xf32, #tpu.memory_space<vmem>>
      %dma_wait3A_820 = arith.constant 300 : i32
      %dma_wait3A_821 = arith.constant 0 : i32
      %dma_wait3A_822 = tpu.memref_slice %dma_wait3A_819[%dma_wait3A_820, %dma_wait3A_821] : memref<800x32xf32, #tpu.memory_space<vmem>> -> memref<100x32xf32, #tpu.memory_space<vmem>>
      %dma_wait3A_823 = arith.constant 0 : i32
      %dma_wait3A_824 = tpu.memref_slice %arg6[%dma_wait3A_813, %dma_wait3A_814, %dma_wait3A_823] : memref<4x8x100xi32, #tpu.memory_space<vmem>> -> memref<1x1x100xi32, #tpu.memory_space<vmem>>
      %dma_wait3A_825 = tpu.memref_squeeze %dma_wait3A_824 : memref<1x1x100xi32, #tpu.memory_space<vmem>> -> memref<100xi32, #tpu.memory_space<vmem>>
      %dma_wait3A_826 = arith.constant 0 : i32
      %dma_wait3A_827 = arith.constant 0 : i32
      %dma_wait3A_828 = tpu.memref_slice %arg3[%dma_wait3A_826, %dma_wait3A_827] : memref<1000000x32xf32, #tpu.memory_space<hbm>> -> memref<1000000x32xf32, #tpu.memory_space<hbm>>
      tpu.wait_indirect_dma semaphore(%arg10 : memref<!tpu.dma_semaphore, #tpu.memory_space<semaphore_mem>>) src(%dma_wait3A_828 : memref<1000000x32xf32, #tpu.memory_space<hbm>>) dst(%dma_wait3A_822 : memref<100x32xf32, #tpu.memory_space<vmem>>)
      %dma_wait3A_829 = arith.constant 1 : i32
      %dma_wait3A_830 = arith.constant 4 : i32
      %dma_wait3A_831 = arith.constant 1 : i32
      %dma_wait3A_832 = arith.constant 0 : i32
      %dma_wait3A_833 = arith.constant 0 : i32
      %dma_wait3A_834 = tpu.memref_slice %arg7[%dma_wait3A_831, %dma_wait3A_832, %dma_wait3A_833] : memref<4x800x32xf32, #tpu.memory_space<vmem>> -> memref<1x800x32xf32, #tpu.memory_space<vmem>>
      %dma_wait3A_835 = tpu.memref_squeeze %dma_wait3A_834 : memref<1x800x32xf32, #tpu.memory_space<vmem>> -> memref<800x32xf32, #tpu.memory_space<vmem>>
      %dma_wait3A_836 = arith.constant 400 : i32
      %dma_wait3A_837 = arith.constant 0 : i32
      %dma_wait3A_838 = tpu.memref_slice %dma_wait3A_835[%dma_wait3A_836, %dma_wait3A_837] : memref<800x32xf32, #tpu.memory_space<vmem>> -> memref<100x32xf32, #tpu.memory_space<vmem>>
      %dma_wait3A_839 = arith.constant 0 : i32
      %dma_wait3A_840 = tpu.memref_slice %arg6[%dma_wait3A_829, %dma_wait3A_830, %dma_wait3A_839] : memref<4x8x100xi32, #tpu.memory_space<vmem>> -> memref<1x1x100xi32, #tpu.memory_space<vmem>>
      %dma_wait3A_841 = tpu.memref_squeeze %dma_wait3A_840 : memref<1x1x100xi32, #tpu.memory_space<vmem>> -> memref<100xi32, #tpu.memory_space<vmem>>
      %dma_wait3A_842 = arith.constant 0 : i32
      %dma_wait3A_843 = arith.constant 0 : i32
      %dma_wait3A_844 = tpu.memref_slice %arg3[%dma_wait3A_842, %dma_wait3A_843] : memref<1000000x32xf32, #tpu.memory_space<hbm>> -> memref<1000000x32xf32, #tpu.memory_space<hbm>>
      tpu.wait_indirect_dma semaphore(%arg10 : memref<!tpu.dma_semaphore, #tpu.memory_space<semaphore_mem>>) src(%dma_wait3A_844 : memref<1000000x32xf32, #tpu.memory_space<hbm>>) dst(%dma_wait3A_838 : memref<100x32xf32, #tpu.memory_space<vmem>>)
      %dma_wait3A_845 = arith.constant 1 : i32
      %dma_wait3A_846 = arith.constant 5 : i32
      %dma_wait3A_847 = arith.constant 1 : i32
      %dma_wait3A_848 = arith.constant 0 : i32
      %dma_wait3A_849 = arith.constant 0 : i32
      %dma_wait3A_850 = tpu.memref_slice %arg7[%dma_wait3A_847, %dma_wait3A_848, %dma_wait3A_849] : memref<4x800x32xf32, #tpu.memory_space<vmem>> -> memref<1x800x32xf32, #tpu.memory_space<vmem>>
      %dma_wait3A_851 = tpu.memref_squeeze %dma_wait3A_850 : memref<1x800x32xf32, #tpu.memory_space<vmem>> -> memref<800x32xf32, #tpu.memory_space<vmem>>
      %dma_wait3A_852 = arith.constant 500 : i32
      %dma_wait3A_853 = arith.constant 0 : i32
      %dma_wait3A_854 = tpu.memref_slice %dma_wait3A_851[%dma_wait3A_852, %dma_wait3A_853] : memref<800x32xf32, #tpu.memory_space<vmem>> -> memref<100x32xf32, #tpu.memory_space<vmem>>
      %dma_wait3A_855 = arith.constant 0 : i32
      %dma_wait3A_856 = tpu.memref_slice %arg6[%dma_wait3A_845, %dma_wait3A_846, %dma_wait3A_855] : memref<4x8x100xi32, #tpu.memory_space<vmem>> -> memref<1x1x100xi32, #tpu.memory_space<vmem>>
      %dma_wait3A_857 = tpu.memref_squeeze %dma_wait3A_856 : memref<1x1x100xi32, #tpu.memory_space<vmem>> -> memref<100xi32, #tpu.memory_space<vmem>>
      %dma_wait3A_858 = arith.constant 0 : i32
      %dma_wait3A_859 = arith.constant 0 : i32
      %dma_wait3A_860 = tpu.memref_slice %arg3[%dma_wait3A_858, %dma_wait3A_859] : memref<1000000x32xf32, #tpu.memory_space<hbm>> -> memref<1000000x32xf32, #tpu.memory_space<hbm>>
      tpu.wait_indirect_dma semaphore(%arg10 : memref<!tpu.dma_semaphore, #tpu.memory_space<semaphore_mem>>) src(%dma_wait3A_860 : memref<1000000x32xf32, #tpu.memory_space<hbm>>) dst(%dma_wait3A_854 : memref<100x32xf32, #tpu.memory_space<vmem>>)
      %dma_wait3A_861 = arith.constant 1 : i32
      %dma_wait3A_862 = arith.constant 6 : i32
      %dma_wait3A_863 = arith.constant 1 : i32
      %dma_wait3A_864 = arith.constant 0 : i32
      %dma_wait3A_865 = arith.constant 0 : i32
      %dma_wait3A_866 = tpu.memref_slice %arg7[%dma_wait3A_863, %dma_wait3A_864, %dma_wait3A_865] : memref<4x800x32xf32, #tpu.memory_space<vmem>> -> memref<1x800x32xf32, #tpu.memory_space<vmem>>
      %dma_wait3A_867 = tpu.memref_squeeze %dma_wait3A_866 : memref<1x800x32xf32, #tpu.memory_space<vmem>> -> memref<800x32xf32, #tpu.memory_space<vmem>>
      %dma_wait3A_868 = arith.constant 600 : i32
      %dma_wait3A_869 = arith.constant 0 : i32
      %dma_wait3A_870 = tpu.memref_slice %dma_wait3A_867[%dma_wait3A_868, %dma_wait3A_869] : memref<800x32xf32, #tpu.memory_space<vmem>> -> memref<100x32xf32, #tpu.memory_space<vmem>>
      %dma_wait3A_871 = arith.constant 0 : i32
      %dma_wait3A_872 = tpu.memref_slice %arg6[%dma_wait3A_861, %dma_wait3A_862, %dma_wait3A_871] : memref<4x8x100xi32, #tpu.memory_space<vmem>> -> memref<1x1x100xi32, #tpu.memory_space<vmem>>
      %dma_wait3A_873 = tpu.memref_squeeze %dma_wait3A_872 : memref<1x1x100xi32, #tpu.memory_space<vmem>> -> memref<100xi32, #tpu.memory_space<vmem>>
      %dma_wait3A_874 = arith.constant 0 : i32
      %dma_wait3A_875 = arith.constant 0 : i32
      %dma_wait3A_876 = tpu.memref_slice %arg3[%dma_wait3A_874, %dma_wait3A_875] : memref<1000000x32xf32, #tpu.memory_space<hbm>> -> memref<1000000x32xf32, #tpu.memory_space<hbm>>
      tpu.wait_indirect_dma semaphore(%arg10 : memref<!tpu.dma_semaphore, #tpu.memory_space<semaphore_mem>>) src(%dma_wait3A_876 : memref<1000000x32xf32, #tpu.memory_space<hbm>>) dst(%dma_wait3A_870 : memref<100x32xf32, #tpu.memory_space<vmem>>)
      %dma_wait3A_877 = arith.constant 1 : i32
      %dma_wait3A_878 = arith.constant 7 : i32
      %dma_wait3A_879 = arith.constant 1 : i32
      %dma_wait3A_880 = arith.constant 0 : i32
      %dma_wait3A_881 = arith.constant 0 : i32
      %dma_wait3A_882 = tpu.memref_slice %arg7[%dma_wait3A_879, %dma_wait3A_880, %dma_wait3A_881] : memref<4x800x32xf32, #tpu.memory_space<vmem>> -> memref<1x800x32xf32, #tpu.memory_space<vmem>>
      %dma_wait3A_883 = tpu.memref_squeeze %dma_wait3A_882 : memref<1x800x32xf32, #tpu.memory_space<vmem>> -> memref<800x32xf32, #tpu.memory_space<vmem>>
      %dma_wait3A_884 = arith.constant 700 : i32
      %dma_wait3A_885 = arith.constant 0 : i32
      %dma_wait3A_886 = tpu.memref_slice %dma_wait3A_883[%dma_wait3A_884, %dma_wait3A_885] : memref<800x32xf32, #tpu.memory_space<vmem>> -> memref<100x32xf32, #tpu.memory_space<vmem>>
      %dma_wait3A_887 = arith.constant 0 : i32
      %dma_wait3A_888 = tpu.memref_slice %arg6[%dma_wait3A_877, %dma_wait3A_878, %dma_wait3A_887] : memref<4x8x100xi32, #tpu.memory_space<vmem>> -> memref<1x1x100xi32, #tpu.memory_space<vmem>>
      %dma_wait3A_889 = tpu.memref_squeeze %dma_wait3A_888 : memref<1x1x100xi32, #tpu.memory_space<vmem>> -> memref<100xi32, #tpu.memory_space<vmem>>
      %dma_wait3A_890 = arith.constant 0 : i32
      %dma_wait3A_891 = arith.constant 0 : i32
      %dma_wait3A_892 = tpu.memref_slice %arg3[%dma_wait3A_890, %dma_wait3A_891] : memref<1000000x32xf32, #tpu.memory_space<hbm>> -> memref<1000000x32xf32, #tpu.memory_space<hbm>>
      tpu.wait_indirect_dma semaphore(%arg10 : memref<!tpu.dma_semaphore, #tpu.memory_space<semaphore_mem>>) src(%dma_wait3A_892 : memref<1000000x32xf32, #tpu.memory_space<hbm>>) dst(%dma_wait3A_886 : memref<100x32xf32, #tpu.memory_space<vmem>>)
      %scan3A_893 = arith.constant 0 : i32
      %scan3A_894 = arith.constant 1 : i32
      %scan3A_895 = arith.constant 0 : i32
      %scan3A_896 = arith.constant 200 : i32
      %scan3A_897 = arith.addi %scan3A_895, %scan3A_896 : i32
      %scan3A_898 = arith.constant 1 : i32
      scf.for %scan3A_1420 = %scan3A_895 to %scan3A_897 step %scan3A_898  : i32 {
        %get3A = arith.index_cast %scan3A_1420 : i32 to index
        %get3A_1421 = arith.constant 0 : index
        %get3A_1422 = tpu.vector_load %arg8[%get3A, %get3A_1421] {strides = array<i32>} : memref<200x32xf32, #tpu.memory_space<vmem>>, vector<1x16xf32>,
        %get3A_1423 = vector.shape_cast %get3A_1422 : vector<1x16xf32> to vector<16xf32>
        %get3A_1424 = arith.index_cast %scan3A_1420 : i32 to index
        %get3A_1425 = arith.constant 16 : index
        %get3A_1426 = tpu.vector_load %arg8[%get3A_1424, %get3A_1425] {strides = array<i32>} : memref<200x32xf32, #tpu.memory_space<vmem>>, vector<1x16xf32>,
        %get3A_1427 = vector.shape_cast %get3A_1426 : vector<1x16xf32> to vector<16xf32>
        %add3A_1428 = arith.constant 0 : i32
        %add3A_1429 = arith.addi %add3A_1428, %scan3A_1420 : i32
        %get3A_1430 = arith.constant 0 : i32
        %get3A_1431 = arith.constant 0 : i32
        %get3A_1432 = tpu.memref_slice %arg7[%scan3A_894, %get3A_1430, %get3A_1431] : memref<4x800x32xf32, #tpu.memory_space<vmem>> -> memref<1x800x32xf32, #tpu.memory_space<vmem>>
        %get3A_1433 = tpu.memref_squeeze %get3A_1432 : memref<1x800x32xf32, #tpu.memory_space<vmem>> -> memref<800x32xf32, #tpu.memory_space<vmem>>
        %get3A_1434 = arith.index_cast %add3A_1429 : i32 to index
        %get3A_1435 = arith.constant 0 : index
        %get3A_1436 = tpu.vector_load %get3A_1433[%get3A_1434, %get3A_1435] {strides = array<i32>} : memref<800x32xf32, #tpu.memory_space<vmem>>, vector<1x16xf32>,
        %get3A_1437 = vector.shape_cast %get3A_1436 : vector<1x16xf32> to vector<16xf32>
        %add3A_1438 = arith.addf %get3A_1437, %get3A_1423 : vector<16xf32>
        %swap3A = arith.constant 0 : i32
        %swap3A_1439 = arith.constant 0 : i32
        %swap3A_1440 = tpu.memref_slice %arg7[%scan3A_894, %swap3A, %swap3A_1439] : memref<4x800x32xf32, #tpu.memory_space<vmem>> -> memref<1x800x32xf32, #tpu.memory_space<vmem>>
        %swap3A_1441 = tpu.memref_squeeze %swap3A_1440 : memref<1x800x32xf32, #tpu.memory_space<vmem>> -> memref<800x32xf32, #tpu.memory_space<vmem>>
        %swap3A_1442 = arith.index_cast %add3A_1429 : i32 to index
        %swap3A_1443 = arith.constant 0 : index
        %swap3A_1444 = tpu.vector_load %swap3A_1441[%swap3A_1442, %swap3A_1443] {strides = array<i32>} : memref<800x32xf32, #tpu.memory_space<vmem>>, vector<1x16xf32>,
        %swap3A_1445 = vector.shape_cast %swap3A_1444 : vector<1x16xf32> to vector<16xf32>
        %swap3A_1446 = vector.shape_cast %add3A_1438 : vector<16xf32> to vector<1x16xf32>
        tpu.vector_store %swap3A_1441[%swap3A_1442, %swap3A_1443], %swap3A_1446 {strides = array<i32>} : memref<800x32xf32, #tpu.memory_space<vmem>>, vector<1x16xf32>,
        %get3A_1447 = arith.constant 0 : i32
        %get3A_1448 = arith.constant 0 : i32
        %get3A_1449 = tpu.memref_slice %arg7[%scan3A_894, %get3A_1447, %get3A_1448] : memref<4x800x32xf32, #tpu.memory_space<vmem>> -> memref<1x800x32xf32, #tpu.memory_space<vmem>>
        %get3A_1450 = tpu.memref_squeeze %get3A_1449 : memref<1x800x32xf32, #tpu.memory_space<vmem>> -> memref<800x32xf32, #tpu.memory_space<vmem>>
        %get3A_1451 = arith.index_cast %add3A_1429 : i32 to index
        %get3A_1452 = arith.constant 16 : index
        %get3A_1453 = tpu.vector_load %get3A_1450[%get3A_1451, %get3A_1452] {strides = array<i32>} : memref<800x32xf32, #tpu.memory_space<vmem>>, vector<1x16xf32>,
        %get3A_1454 = vector.shape_cast %get3A_1453 : vector<1x16xf32> to vector<16xf32>
        %add3A_1455 = arith.addf %get3A_1454, %get3A_1427 : vector<16xf32>
        %swap3A_1456 = arith.constant 0 : i32
        %swap3A_1457 = arith.constant 0 : i32
        %swap3A_1458 = tpu.memref_slice %arg7[%scan3A_894, %swap3A_1456, %swap3A_1457] : memref<4x800x32xf32, #tpu.memory_space<vmem>> -> memref<1x800x32xf32, #tpu.memory_space<vmem>>
        %swap3A_1459 = tpu.memref_squeeze %swap3A_1458 : memref<1x800x32xf32, #tpu.memory_space<vmem>> -> memref<800x32xf32, #tpu.memory_space<vmem>>
        %swap3A_1460 = arith.index_cast %add3A_1429 : i32 to index
        %swap3A_1461 = arith.constant 16 : index
        %swap3A_1462 = tpu.vector_load %swap3A_1459[%swap3A_1460, %swap3A_1461] {strides = array<i32>} : memref<800x32xf32, #tpu.memory_space<vmem>>, vector<1x16xf32>,
        %swap3A_1463 = vector.shape_cast %swap3A_1462 : vector<1x16xf32> to vector<16xf32>
        %swap3A_1464 = vector.shape_cast %add3A_1455 : vector<16xf32> to vector<1x16xf32>
        tpu.vector_store %swap3A_1459[%swap3A_1460, %swap3A_1461], %swap3A_1464 {strides = array<i32>} : memref<800x32xf32, #tpu.memory_space<vmem>>, vector<1x16xf32>,
        %add3A_1465 = arith.constant 200 : i32
        %add3A_1466 = arith.addi %add3A_1465, %scan3A_1420 : i32
        %get3A_1467 = arith.constant 0 : i32
        %get3A_1468 = arith.constant 0 : i32
        %get3A_1469 = tpu.memref_slice %arg7[%scan3A_894, %get3A_1467, %get3A_1468] : memref<4x800x32xf32, #tpu.memory_space<vmem>> -> memref<1x800x32xf32, #tpu.memory_space<vmem>>
        %get3A_1470 = tpu.memref_squeeze %get3A_1469 : memref<1x800x32xf32, #tpu.memory_space<vmem>> -> memref<800x32xf32, #tpu.memory_space<vmem>>
        %get3A_1471 = arith.index_cast %add3A_1466 : i32 to index
        %get3A_1472 = arith.constant 0 : index
        %get3A_1473 = tpu.vector_load %get3A_1470[%get3A_1471, %get3A_1472] {strides = array<i32>} : memref<800x32xf32, #tpu.memory_space<vmem>>, vector<1x16xf32>,
        %get3A_1474 = vector.shape_cast %get3A_1473 : vector<1x16xf32> to vector<16xf32>
        %add3A_1475 = arith.addf %get3A_1474, %get3A_1423 : vector<16xf32>
        %swap3A_1476 = arith.constant 0 : i32
        %swap3A_1477 = arith.constant 0 : i32
        %swap3A_1478 = tpu.memref_slice %arg7[%scan3A_894, %swap3A_1476, %swap3A_1477] : memref<4x800x32xf32, #tpu.memory_space<vmem>> -> memref<1x800x32xf32, #tpu.memory_space<vmem>>
        %swap3A_1479 = tpu.memref_squeeze %swap3A_1478 : memref<1x800x32xf32, #tpu.memory_space<vmem>> -> memref<800x32xf32, #tpu.memory_space<vmem>>
        %swap3A_1480 = arith.index_cast %add3A_1466 : i32 to index
        %swap3A_1481 = arith.constant 0 : index
        %swap3A_1482 = tpu.vector_load %swap3A_1479[%swap3A_1480, %swap3A_1481] {strides = array<i32>} : memref<800x32xf32, #tpu.memory_space<vmem>>, vector<1x16xf32>,
        %swap3A_1483 = vector.shape_cast %swap3A_1482 : vector<1x16xf32> to vector<16xf32>
        %swap3A_1484 = vector.shape_cast %add3A_1475 : vector<16xf32> to vector<1x16xf32>
        tpu.vector_store %swap3A_1479[%swap3A_1480, %swap3A_1481], %swap3A_1484 {strides = array<i32>} : memref<800x32xf32, #tpu.memory_space<vmem>>, vector<1x16xf32>,
        %get3A_1485 = arith.constant 0 : i32
        %get3A_1486 = arith.constant 0 : i32
        %get3A_1487 = tpu.memref_slice %arg7[%scan3A_894, %get3A_1485, %get3A_1486] : memref<4x800x32xf32, #tpu.memory_space<vmem>> -> memref<1x800x32xf32, #tpu.memory_space<vmem>>
        %get3A_1488 = tpu.memref_squeeze %get3A_1487 : memref<1x800x32xf32, #tpu.memory_space<vmem>> -> memref<800x32xf32, #tpu.memory_space<vmem>>
        %get3A_1489 = arith.index_cast %add3A_1466 : i32 to index
        %get3A_1490 = arith.constant 16 : index
        %get3A_1491 = tpu.vector_load %get3A_1488[%get3A_1489, %get3A_1490] {strides = array<i32>} : memref<800x32xf32, #tpu.memory_space<vmem>>, vector<1x16xf32>,
        %get3A_1492 = vector.shape_cast %get3A_1491 : vector<1x16xf32> to vector<16xf32>
        %add3A_1493 = arith.addf %get3A_1492, %get3A_1427 : vector<16xf32>
        %swap3A_1494 = arith.constant 0 : i32
        %swap3A_1495 = arith.constant 0 : i32
        %swap3A_1496 = tpu.memref_slice %arg7[%scan3A_894, %swap3A_1494, %swap3A_1495] : memref<4x800x32xf32, #tpu.memory_space<vmem>> -> memref<1x800x32xf32, #tpu.memory_space<vmem>>
        %swap3A_1497 = tpu.memref_squeeze %swap3A_1496 : memref<1x800x32xf32, #tpu.memory_space<vmem>> -> memref<800x32xf32, #tpu.memory_space<vmem>>
        %swap3A_1498 = arith.index_cast %add3A_1466 : i32 to index
        %swap3A_1499 = arith.constant 16 : index
        %swap3A_1500 = tpu.vector_load %swap3A_1497[%swap3A_1498, %swap3A_1499] {strides = array<i32>} : memref<800x32xf32, #tpu.memory_space<vmem>>, vector<1x16xf32>,
        %swap3A_1501 = vector.shape_cast %swap3A_1500 : vector<1x16xf32> to vector<16xf32>
        %swap3A_1502 = vector.shape_cast %add3A_1493 : vector<16xf32> to vector<1x16xf32>
        tpu.vector_store %swap3A_1497[%swap3A_1498, %swap3A_1499], %swap3A_1502 {strides = array<i32>} : memref<800x32xf32, #tpu.memory_space<vmem>>, vector<1x16xf32>,
        %add3A_1503 = arith.constant 400 : i32
        %add3A_1504 = arith.addi %add3A_1503, %scan3A_1420 : i32
        %get3A_1505 = arith.constant 0 : i32
        %get3A_1506 = arith.constant 0 : i32
        %get3A_1507 = tpu.memref_slice %arg7[%scan3A_894, %get3A_1505, %get3A_1506] : memref<4x800x32xf32, #tpu.memory_space<vmem>> -> memref<1x800x32xf32, #tpu.memory_space<vmem>>
        %get3A_1508 = tpu.memref_squeeze %get3A_1507 : memref<1x800x32xf32, #tpu.memory_space<vmem>> -> memref<800x32xf32, #tpu.memory_space<vmem>>
        %get3A_1509 = arith.index_cast %add3A_1504 : i32 to index
        %get3A_1510 = arith.constant 0 : index
        %get3A_1511 = tpu.vector_load %get3A_1508[%get3A_1509, %get3A_1510] {strides = array<i32>} : memref<800x32xf32, #tpu.memory_space<vmem>>, vector<1x16xf32>,
        %get3A_1512 = vector.shape_cast %get3A_1511 : vector<1x16xf32> to vector<16xf32>
        %add3A_1513 = arith.addf %get3A_1512, %get3A_1423 : vector<16xf32>
        %swap3A_1514 = arith.constant 0 : i32
        %swap3A_1515 = arith.constant 0 : i32
        %swap3A_1516 = tpu.memref_slice %arg7[%scan3A_894, %swap3A_1514, %swap3A_1515] : memref<4x800x32xf32, #tpu.memory_space<vmem>> -> memref<1x800x32xf32, #tpu.memory_space<vmem>>
        %swap3A_1517 = tpu.memref_squeeze %swap3A_1516 : memref<1x800x32xf32, #tpu.memory_space<vmem>> -> memref<800x32xf32, #tpu.memory_space<vmem>>
        %swap3A_1518 = arith.index_cast %add3A_1504 : i32 to index
        %swap3A_1519 = arith.constant 0 : index
        %swap3A_1520 = tpu.vector_load %swap3A_1517[%swap3A_1518, %swap3A_1519] {strides = array<i32>} : memref<800x32xf32, #tpu.memory_space<vmem>>, vector<1x16xf32>,
        %swap3A_1521 = vector.shape_cast %swap3A_1520 : vector<1x16xf32> to vector<16xf32>
        %swap3A_1522 = vector.shape_cast %add3A_1513 : vector<16xf32> to vector<1x16xf32>
        tpu.vector_store %swap3A_1517[%swap3A_1518, %swap3A_1519], %swap3A_1522 {strides = array<i32>} : memref<800x32xf32, #tpu.memory_space<vmem>>, vector<1x16xf32>,
        %get3A_1523 = arith.constant 0 : i32
        %get3A_1524 = arith.constant 0 : i32
        %get3A_1525 = tpu.memref_slice %arg7[%scan3A_894, %get3A_1523, %get3A_1524] : memref<4x800x32xf32, #tpu.memory_space<vmem>> -> memref<1x800x32xf32, #tpu.memory_space<vmem>>
        %get3A_1526 = tpu.memref_squeeze %get3A_1525 : memref<1x800x32xf32, #tpu.memory_space<vmem>> -> memref<800x32xf32, #tpu.memory_space<vmem>>
        %get3A_1527 = arith.index_cast %add3A_1504 : i32 to index
        %get3A_1528 = arith.constant 16 : index
        %get3A_1529 = tpu.vector_load %get3A_1526[%get3A_1527, %get3A_1528] {strides = array<i32>} : memref<800x32xf32, #tpu.memory_space<vmem>>, vector<1x16xf32>,
        %get3A_1530 = vector.shape_cast %get3A_1529 : vector<1x16xf32> to vector<16xf32>
        %add3A_1531 = arith.addf %get3A_1530, %get3A_1427 : vector<16xf32>
        %swap3A_1532 = arith.constant 0 : i32
        %swap3A_1533 = arith.constant 0 : i32
        %swap3A_1534 = tpu.memref_slice %arg7[%scan3A_894, %swap3A_1532, %swap3A_1533] : memref<4x800x32xf32, #tpu.memory_space<vmem>> -> memref<1x800x32xf32, #tpu.memory_space<vmem>>
        %swap3A_1535 = tpu.memref_squeeze %swap3A_1534 : memref<1x800x32xf32, #tpu.memory_space<vmem>> -> memref<800x32xf32, #tpu.memory_space<vmem>>
        %swap3A_1536 = arith.index_cast %add3A_1504 : i32 to index
        %swap3A_1537 = arith.constant 16 : index
        %swap3A_1538 = tpu.vector_load %swap3A_1535[%swap3A_1536, %swap3A_1537] {strides = array<i32>} : memref<800x32xf32, #tpu.memory_space<vmem>>, vector<1x16xf32>,
        %swap3A_1539 = vector.shape_cast %swap3A_1538 : vector<1x16xf32> to vector<16xf32>
        %swap3A_1540 = vector.shape_cast %add3A_1531 : vector<16xf32> to vector<1x16xf32>
        tpu.vector_store %swap3A_1535[%swap3A_1536, %swap3A_1537], %swap3A_1540 {strides = array<i32>} : memref<800x32xf32, #tpu.memory_space<vmem>>, vector<1x16xf32>,
        %add3A_1541 = arith.constant 600 : i32
        %add3A_1542 = arith.addi %add3A_1541, %scan3A_1420 : i32
        %get3A_1543 = arith.constant 0 : i32
        %get3A_1544 = arith.constant 0 : i32
        %get3A_1545 = tpu.memref_slice %arg7[%scan3A_894, %get3A_1543, %get3A_1544] : memref<4x800x32xf32, #tpu.memory_space<vmem>> -> memref<1x800x32xf32, #tpu.memory_space<vmem>>
        %get3A_1546 = tpu.memref_squeeze %get3A_1545 : memref<1x800x32xf32, #tpu.memory_space<vmem>> -> memref<800x32xf32, #tpu.memory_space<vmem>>
        %get3A_1547 = arith.index_cast %add3A_1542 : i32 to index
        %get3A_1548 = arith.constant 0 : index
        %get3A_1549 = tpu.vector_load %get3A_1546[%get3A_1547, %get3A_1548] {strides = array<i32>} : memref<800x32xf32, #tpu.memory_space<vmem>>, vector<1x16xf32>,
        %get3A_1550 = vector.shape_cast %get3A_1549 : vector<1x16xf32> to vector<16xf32>
        %add3A_1551 = arith.addf %get3A_1550, %get3A_1423 : vector<16xf32>
        %swap3A_1552 = arith.constant 0 : i32
        %swap3A_1553 = arith.constant 0 : i32
        %swap3A_1554 = tpu.memref_slice %arg7[%scan3A_894, %swap3A_1552, %swap3A_1553] : memref<4x800x32xf32, #tpu.memory_space<vmem>> -> memref<1x800x32xf32, #tpu.memory_space<vmem>>
        %swap3A_1555 = tpu.memref_squeeze %swap3A_1554 : memref<1x800x32xf32, #tpu.memory_space<vmem>> -> memref<800x32xf32, #tpu.memory_space<vmem>>
        %swap3A_1556 = arith.index_cast %add3A_1542 : i32 to index
        %swap3A_1557 = arith.constant 0 : index
        %swap3A_1558 = tpu.vector_load %swap3A_1555[%swap3A_1556, %swap3A_1557] {strides = array<i32>} : memref<800x32xf32, #tpu.memory_space<vmem>>, vector<1x16xf32>,
        %swap3A_1559 = vector.shape_cast %swap3A_1558 : vector<1x16xf32> to vector<16xf32>
        %swap3A_1560 = vector.shape_cast %add3A_1551 : vector<16xf32> to vector<1x16xf32>
        tpu.vector_store %swap3A_1555[%swap3A_1556, %swap3A_1557], %swap3A_1560 {strides = array<i32>} : memref<800x32xf32, #tpu.memory_space<vmem>>, vector<1x16xf32>,
        %get3A_1561 = arith.constant 0 : i32
        %get3A_1562 = arith.constant 0 : i32
        %get3A_1563 = tpu.memref_slice %arg7[%scan3A_894, %get3A_1561, %get3A_1562] : memref<4x800x32xf32, #tpu.memory_space<vmem>> -> memref<1x800x32xf32, #tpu.memory_space<vmem>>
        %get3A_1564 = tpu.memref_squeeze %get3A_1563 : memref<1x800x32xf32, #tpu.memory_space<vmem>> -> memref<800x32xf32, #tpu.memory_space<vmem>>
        %get3A_1565 = arith.index_cast %add3A_1542 : i32 to index
        %get3A_1566 = arith.constant 16 : index
        %get3A_1567 = tpu.vector_load %get3A_1564[%get3A_1565, %get3A_1566] {strides = array<i32>} : memref<800x32xf32, #tpu.memory_space<vmem>>, vector<1x16xf32>,
        %get3A_1568 = vector.shape_cast %get3A_1567 : vector<1x16xf32> to vector<16xf32>
        %add3A_1569 = arith.addf %get3A_1568, %get3A_1427 : vector<16xf32>
        %swap3A_1570 = arith.constant 0 : i32
        %swap3A_1571 = arith.constant 0 : i32
        %swap3A_1572 = tpu.memref_slice %arg7[%scan3A_894, %swap3A_1570, %swap3A_1571] : memref<4x800x32xf32, #tpu.memory_space<vmem>> -> memref<1x800x32xf32, #tpu.memory_space<vmem>>
        %swap3A_1573 = tpu.memref_squeeze %swap3A_1572 : memref<1x800x32xf32, #tpu.memory_space<vmem>> -> memref<800x32xf32, #tpu.memory_space<vmem>>
        %swap3A_1574 = arith.index_cast %add3A_1542 : i32 to index
        %swap3A_1575 = arith.constant 16 : index
        %swap3A_1576 = tpu.vector_load %swap3A_1573[%swap3A_1574, %swap3A_1575] {strides = array<i32>} : memref<800x32xf32, #tpu.memory_space<vmem>>, vector<1x16xf32>,
        %swap3A_1577 = vector.shape_cast %swap3A_1576 : vector<1x16xf32> to vector<16xf32>
        %swap3A_1578 = vector.shape_cast %add3A_1569 : vector<16xf32> to vector<1x16xf32>
        tpu.vector_store %swap3A_1573[%swap3A_1574, %swap3A_1575], %swap3A_1578 {strides = array<i32>} : memref<800x32xf32, #tpu.memory_space<vmem>>, vector<1x16xf32>,
      }
      %scan3A_899 = arith.constant 200 : i32
      %mul3A_900 = arith.constant 32 : i32
      %mul3A_901 = arith.muli %add3A, %mul3A_900 : i32
      %add3A_902 = arith.addi %mul3A_901, %add3A_587 : i32
      %mul3A_903 = arith.constant 800 : i32
      %mul3A_904 = arith.muli %add3A_902, %mul3A_903 : i32
      %dma_start3A_905 = arith.constant 1 : i32
      %dma_start3A_906 = arith.constant 0 : i32
      %dma_start3A_907 = arith.constant 0 : i32
      %dma_start3A_908 = tpu.memref_slice %arg7[%dma_start3A_905, %dma_start3A_906, %dma_start3A_907] : memref<4x800x32xf32, #tpu.memory_space<vmem>> -> memref<1x800x32xf32, #tpu.memory_space<vmem>>
      %dma_start3A_909 = tpu.memref_squeeze %dma_start3A_908 : memref<1x800x32xf32, #tpu.memory_space<vmem>> -> memref<800x32xf32, #tpu.memory_space<vmem>>
      %dma_start3A_910 = arith.constant 0 : i32
      %dma_start3A_911 = tpu.memref_slice %arg5[%mul3A_904, %dma_start3A_910] : memref<819200x32xf32, #tpu.memory_space<hbm>> -> memref<800x32xf32, #tpu.memory_space<hbm>>
      %dma_start3A_912 = arith.constant 0 : i32
      %dma_start3A_913 = tpu.memref_slice %arg5[%mul3A_904, %dma_start3A_912] : memref<819200x32xf32, #tpu.memory_space<hbm>> -> memref<800x32xf32, #tpu.memory_space<hbm>>
      %dma_start3A_914 = arith.constant 0 : i32
      %dma_start3A_915 = arith.constant 0 : i32
      %dma_start3A_916 = tpu.memref_slice %arg7[%dma_start3A_905, %dma_start3A_914, %dma_start3A_915] : memref<4x800x32xf32, #tpu.memory_space<vmem>> -> memref<1x800x32xf32, #tpu.memory_space<vmem>>
      %dma_start3A_917 = tpu.memref_squeeze %dma_start3A_916 : memref<1x800x32xf32, #tpu.memory_space<vmem>> -> memref<800x32xf32, #tpu.memory_space<vmem>>
      tpu.enqueue_dma source(%dma_start3A_917 : memref<800x32xf32, #tpu.memory_space<vmem>>) target(%dma_start3A_913 : memref<800x32xf32, #tpu.memory_space<hbm>>) target_semaphore(%arg14 : memref<!tpu.dma_semaphore, #tpu.memory_space<semaphore_mem>>)
      %mul3A_918 = arith.constant 4 : i32
      %mul3A_919 = arith.muli %mul3A_918, %scan3A_252 : i32
      %add3A_920 = arith.constant 2 : i32
      %add3A_921 = arith.addi %mul3A_919, %add3A_920 : i32
      %lt3A = arith.constant 7 : i32
      %lt3A_922 = arith.cmpi slt, %scan3A_252, %lt3A : i32
      %convert_element_type3A_923 = arith.extui %lt3A_922 : i1 to i32
      %cond3A_924 = arith.constant 0 : i32
      %cond3A_925 = arith.cmpi ne, %convert_element_type3A_923, %cond3A_924 : i32
      scf.if %cond3A_925 {
        %add3A_1420 = arith.constant 2 : i32
        %add3A_1421 = arith.addi %add3A_921, %add3A_1420 : i32
        %mul3A_1422 = arith.constant 32 : i32
        %mul3A_1423 = arith.muli %add3A, %mul3A_1422 : i32
        %add3A_1424 = arith.addi %mul3A_1423, %add3A_1421 : i32
        %dma_start3A_1425 = arith.constant 0 : i32
        %dma_start3A_1426 = arith.constant 0 : i32
        %dma_start3A_1427 = arith.constant 0 : i32
        %dma_start3A_1428 = tpu.memref_slice %arg6[%dma_start3A_1425, %dma_start3A_1426, %dma_start3A_1427] : memref<4x8x100xi32, #tpu.memory_space<vmem>> -> memref<1x8x100xi32, #tpu.memory_space<vmem>>
        %dma_start3A_1429 = tpu.memref_squeeze %dma_start3A_1428 : memref<1x8x100xi32, #tpu.memory_space<vmem>> -> memref<8x100xi32, #tpu.memory_space<vmem>>
        %dma_start3A_1430 = arith.constant 0 : i32
        %dma_start3A_1431 = arith.constant 0 : i32
        %dma_start3A_1432 = tpu.memref_slice %arg2[%add3A_1424, %dma_start3A_1430, %dma_start3A_1431] : memref<1024x8x100xi32, #tpu.memory_space<hbm>> -> memref<1x8x100xi32, #tpu.memory_space<hbm>>
        %dma_start3A_1433 = tpu.memref_squeeze %dma_start3A_1432 : memref<1x8x100xi32, #tpu.memory_space<hbm>> -> memref<8x100xi32, #tpu.memory_space<hbm>>
        %dma_start3A_1434 = arith.constant 0 : i32
        %dma_start3A_1435 = arith.constant 0 : i32
        %dma_start3A_1436 = tpu.memref_slice %arg6[%dma_start3A_1425, %dma_start3A_1434, %dma_start3A_1435] : memref<4x8x100xi32, #tpu.memory_space<vmem>> -> memref<1x8x100xi32, #tpu.memory_space<vmem>>
        %dma_start3A_1437 = tpu.memref_squeeze %dma_start3A_1436 : memref<1x8x100xi32, #tpu.memory_space<vmem>> -> memref<8x100xi32, #tpu.memory_space<vmem>>
        %dma_start3A_1438 = arith.constant 0 : i32
        %dma_start3A_1439 = arith.constant 0 : i32
        %dma_start3A_1440 = tpu.memref_slice %arg2[%add3A_1424, %dma_start3A_1438, %dma_start3A_1439] : memref<1024x8x100xi32, #tpu.memory_space<hbm>> -> memref<1x8x100xi32, #tpu.memory_space<hbm>>
        %dma_start3A_1441 = tpu.memref_squeeze %dma_start3A_1440 : memref<1x8x100xi32, #tpu.memory_space<hbm>> -> memref<8x100xi32, #tpu.memory_space<hbm>>
        tpu.enqueue_dma source(%dma_start3A_1441 : memref<8x100xi32, #tpu.memory_space<hbm>>) target(%dma_start3A_1437 : memref<8x100xi32, #tpu.memory_space<vmem>>) target_semaphore(%arg17 : memref<!tpu.dma_semaphore, #tpu.memory_space<semaphore_mem>>)
      } else {
      }
      %gt3A_926 = arith.constant 0 : i32
      %gt3A_927 = arith.cmpi sgt, %scan3A_252, %gt3A_926 : i32
      %convert_element_type3A_928 = arith.extui %gt3A_927 : i1 to i32
      %cond3A_929 = arith.constant 0 : i32
      %cond3A_930 = arith.cmpi ne, %convert_element_type3A_928, %cond3A_929 : i32
      scf.if %cond3A_930 {
        %sub3A_1420 = arith.constant 3 : i32
        %sub3A_1421 = arith.subi %add3A_921, %sub3A_1420 : i32
        %mul3A_1422 = arith.constant 32 : i32
        %mul3A_1423 = arith.muli %add3A, %mul3A_1422 : i32
        %add3A_1424 = arith.addi %mul3A_1423, %sub3A_1421 : i32
        %mul3A_1425 = arith.constant 800 : i32
        %mul3A_1426 = arith.muli %add3A_1424, %mul3A_1425 : i32
        %dma_wait3A_1427 = arith.constant 3 : i32
        %dma_wait3A_1428 = arith.constant 0 : i32
        %dma_wait3A_1429 = arith.constant 0 : i32
        %dma_wait3A_1430 = tpu.memref_slice %arg7[%dma_wait3A_1427, %dma_wait3A_1428, %dma_wait3A_1429] : memref<4x800x32xf32, #tpu.memory_space<vmem>> -> memref<1x800x32xf32, #tpu.memory_space<vmem>>
        %dma_wait3A_1431 = tpu.memref_squeeze %dma_wait3A_1430 : memref<1x800x32xf32, #tpu.memory_space<vmem>> -> memref<800x32xf32, #tpu.memory_space<vmem>>
        %dma_wait3A_1432 = arith.constant 0 : i32
        %dma_wait3A_1433 = tpu.memref_slice %arg5[%mul3A_1426, %dma_wait3A_1432] : memref<819200x32xf32, #tpu.memory_space<hbm>> -> memref<800x32xf32, #tpu.memory_space<hbm>>
        %dma_wait3A_1434 = arith.constant 0 : i32
        %dma_wait3A_1435 = tpu.memref_slice %arg5[%mul3A_1426, %dma_wait3A_1434] : memref<819200x32xf32, #tpu.memory_space<hbm>> -> memref<800x32xf32, #tpu.memory_space<hbm>>
        %dma_wait3A_1436 = arith.constant 0 : i32
        %dma_wait3A_1437 = arith.constant 0 : i32
        %dma_wait3A_1438 = tpu.memref_slice %arg7[%dma_wait3A_1427, %dma_wait3A_1436, %dma_wait3A_1437] : memref<4x800x32xf32, #tpu.memory_space<vmem>> -> memref<1x800x32xf32, #tpu.memory_space<vmem>>
        %dma_wait3A_1439 = tpu.memref_squeeze %dma_wait3A_1438 : memref<1x800x32xf32, #tpu.memory_space<vmem>> -> memref<800x32xf32, #tpu.memory_space<vmem>>
        tpu.wait_dma2 semaphore(%arg16 : memref<!tpu.dma_semaphore, #tpu.memory_space<semaphore_mem>>) src(%dma_wait3A_1439 : memref<800x32xf32, #tpu.memory_space<vmem>>) dst(%dma_wait3A_1435 : memref<800x32xf32, #tpu.memory_space<hbm>>)
      } else {
      }
      %add3A_931 = arith.constant 1 : i32
      %add3A_932 = arith.addi %add3A_921, %add3A_931 : i32
      %mul3A_933 = arith.constant 32 : i32
      %mul3A_934 = arith.muli %add3A, %mul3A_933 : i32
      %add3A_935 = arith.addi %mul3A_934, %add3A_932 : i32
      %dma_wait3A_936 = arith.constant 3 : i32
      %dma_wait3A_937 = arith.constant 0 : i32
      %dma_wait3A_938 = arith.constant 0 : i32
      %dma_wait3A_939 = tpu.memref_slice %arg6[%dma_wait3A_936, %dma_wait3A_937, %dma_wait3A_938] : memref<4x8x100xi32, #tpu.memory_space<vmem>> -> memref<1x8x100xi32, #tpu.memory_space<vmem>>
      %dma_wait3A_940 = tpu.memref_squeeze %dma_wait3A_939 : memref<1x8x100xi32, #tpu.memory_space<vmem>> -> memref<8x100xi32, #tpu.memory_space<vmem>>
      %dma_wait3A_941 = arith.constant 0 : i32
      %dma_wait3A_942 = arith.constant 0 : i32
      %dma_wait3A_943 = tpu.memref_slice %arg2[%add3A_935, %dma_wait3A_941, %dma_wait3A_942] : memref<1024x8x100xi32, #tpu.memory_space<hbm>> -> memref<1x8x100xi32, #tpu.memory_space<hbm>>
      %dma_wait3A_944 = tpu.memref_squeeze %dma_wait3A_943 : memref<1x8x100xi32, #tpu.memory_space<hbm>> -> memref<8x100xi32, #tpu.memory_space<hbm>>
      %dma_wait3A_945 = arith.constant 0 : i32
      %dma_wait3A_946 = arith.constant 0 : i32
      %dma_wait3A_947 = tpu.memref_slice %arg6[%dma_wait3A_936, %dma_wait3A_945, %dma_wait3A_946] : memref<4x8x100xi32, #tpu.memory_space<vmem>> -> memref<1x8x100xi32, #tpu.memory_space<vmem>>
      %dma_wait3A_948 = tpu.memref_squeeze %dma_wait3A_947 : memref<1x8x100xi32, #tpu.memory_space<vmem>> -> memref<8x100xi32, #tpu.memory_space<vmem>>
      %dma_wait3A_949 = arith.constant 0 : i32
      %dma_wait3A_950 = arith.constant 0 : i32
      %dma_wait3A_951 = tpu.memref_slice %arg2[%add3A_935, %dma_wait3A_949, %dma_wait3A_950] : memref<1024x8x100xi32, #tpu.memory_space<hbm>> -> memref<1x8x100xi32, #tpu.memory_space<hbm>>
      %dma_wait3A_952 = tpu.memref_squeeze %dma_wait3A_951 : memref<1x8x100xi32, #tpu.memory_space<hbm>> -> memref<8x100xi32, #tpu.memory_space<hbm>>
      tpu.wait_dma2 semaphore(%arg20 : memref<!tpu.dma_semaphore, #tpu.memory_space<semaphore_mem>>) src(%dma_wait3A_952 : memref<8x100xi32, #tpu.memory_space<hbm>>) dst(%dma_wait3A_948 : memref<8x100xi32, #tpu.memory_space<vmem>>)
      %dma_start3A_953 = arith.constant 3 : i32
      %dma_start3A_954 = arith.constant 0 : i32
      %dma_start3A_955 = arith.constant 3 : i32
      %dma_start3A_956 = arith.constant 0 : i32
      %dma_start3A_957 = arith.constant 0 : i32
      %dma_start3A_958 = tpu.memref_slice %arg7[%dma_start3A_955, %dma_start3A_956, %dma_start3A_957] : memref<4x800x32xf32, #tpu.memory_space<vmem>> -> memref<1x800x32xf32, #tpu.memory_space<vmem>>
      %dma_start3A_959 = tpu.memref_squeeze %dma_start3A_958 : memref<1x800x32xf32, #tpu.memory_space<vmem>> -> memref<800x32xf32, #tpu.memory_space<vmem>>
      %dma_start3A_960 = arith.constant 0 : i32
      %dma_start3A_961 = arith.constant 0 : i32
      %dma_start3A_962 = tpu.memref_slice %dma_start3A_959[%dma_start3A_960, %dma_start3A_961] : memref<800x32xf32, #tpu.memory_space<vmem>> -> memref<100x32xf32, #tpu.memory_space<vmem>>
      %dma_start3A_963 = arith.constant 0 : i32
      %dma_start3A_964 = tpu.memref_slice %arg6[%dma_start3A_953, %dma_start3A_954, %dma_start3A_963] : memref<4x8x100xi32, #tpu.memory_space<vmem>> -> memref<1x1x100xi32, #tpu.memory_space<vmem>>
      %dma_start3A_965 = tpu.memref_squeeze %dma_start3A_964 : memref<1x1x100xi32, #tpu.memory_space<vmem>> -> memref<100xi32, #tpu.memory_space<vmem>>
      %dma_start3A_966 = arith.constant 0 : i32
      %dma_start3A_967 = arith.constant 0 : i32
      %dma_start3A_968 = tpu.memref_slice %arg3[%dma_start3A_966, %dma_start3A_967] : memref<1000000x32xf32, #tpu.memory_space<hbm>> -> memref<1000000x32xf32, #tpu.memory_space<hbm>>
      tpu.enqueue_indirect_dma source(%dma_start3A_968 : memref<1000000x32xf32, #tpu.memory_space<hbm>>) target(%dma_start3A_962 : memref<100x32xf32, #tpu.memory_space<vmem>>) offsets(%dma_start3A_965 : memref<100xi32, #tpu.memory_space<vmem>>) semaphore(%arg12 : memref<!tpu.dma_semaphore, #tpu.memory_space<semaphore_mem>>)
      %dma_start3A_969 = arith.constant 3 : i32
      %dma_start3A_970 = arith.constant 1 : i32
      %dma_start3A_971 = arith.constant 3 : i32
      %dma_start3A_972 = arith.constant 0 : i32
      %dma_start3A_973 = arith.constant 0 : i32
      %dma_start3A_974 = tpu.memref_slice %arg7[%dma_start3A_971, %dma_start3A_972, %dma_start3A_973] : memref<4x800x32xf32, #tpu.memory_space<vmem>> -> memref<1x800x32xf32, #tpu.memory_space<vmem>>
      %dma_start3A_975 = tpu.memref_squeeze %dma_start3A_974 : memref<1x800x32xf32, #tpu.memory_space<vmem>> -> memref<800x32xf32, #tpu.memory_space<vmem>>
      %dma_start3A_976 = arith.constant 100 : i32
      %dma_start3A_977 = arith.constant 0 : i32
      %dma_start3A_978 = tpu.memref_slice %dma_start3A_975[%dma_start3A_976, %dma_start3A_977] : memref<800x32xf32, #tpu.memory_space<vmem>> -> memref<100x32xf32, #tpu.memory_space<vmem>>
      %dma_start3A_979 = arith.constant 0 : i32
      %dma_start3A_980 = tpu.memref_slice %arg6[%dma_start3A_969, %dma_start3A_970, %dma_start3A_979] : memref<4x8x100xi32, #tpu.memory_space<vmem>> -> memref<1x1x100xi32, #tpu.memory_space<vmem>>
      %dma_start3A_981 = tpu.memref_squeeze %dma_start3A_980 : memref<1x1x100xi32, #tpu.memory_space<vmem>> -> memref<100xi32, #tpu.memory_space<vmem>>
      %dma_start3A_982 = arith.constant 0 : i32
      %dma_start3A_983 = arith.constant 0 : i32
      %dma_start3A_984 = tpu.memref_slice %arg3[%dma_start3A_982, %dma_start3A_983] : memref<1000000x32xf32, #tpu.memory_space<hbm>> -> memref<1000000x32xf32, #tpu.memory_space<hbm>>
      tpu.enqueue_indirect_dma source(%dma_start3A_984 : memref<1000000x32xf32, #tpu.memory_space<hbm>>) target(%dma_start3A_978 : memref<100x32xf32, #tpu.memory_space<vmem>>) offsets(%dma_start3A_981 : memref<100xi32, #tpu.memory_space<vmem>>) semaphore(%arg12 : memref<!tpu.dma_semaphore, #tpu.memory_space<semaphore_mem>>)
      %dma_start3A_985 = arith.constant 3 : i32
      %dma_start3A_986 = arith.constant 2 : i32
      %dma_start3A_987 = arith.constant 3 : i32
      %dma_start3A_988 = arith.constant 0 : i32
      %dma_start3A_989 = arith.constant 0 : i32
      %dma_start3A_990 = tpu.memref_slice %arg7[%dma_start3A_987, %dma_start3A_988, %dma_start3A_989] : memref<4x800x32xf32, #tpu.memory_space<vmem>> -> memref<1x800x32xf32, #tpu.memory_space<vmem>>
      %dma_start3A_991 = tpu.memref_squeeze %dma_start3A_990 : memref<1x800x32xf32, #tpu.memory_space<vmem>> -> memref<800x32xf32, #tpu.memory_space<vmem>>
      %dma_start3A_992 = arith.constant 200 : i32
      %dma_start3A_993 = arith.constant 0 : i32
      %dma_start3A_994 = tpu.memref_slice %dma_start3A_991[%dma_start3A_992, %dma_start3A_993] : memref<800x32xf32, #tpu.memory_space<vmem>> -> memref<100x32xf32, #tpu.memory_space<vmem>>
      %dma_start3A_995 = arith.constant 0 : i32
      %dma_start3A_996 = tpu.memref_slice %arg6[%dma_start3A_985, %dma_start3A_986, %dma_start3A_995] : memref<4x8x100xi32, #tpu.memory_space<vmem>> -> memref<1x1x100xi32, #tpu.memory_space<vmem>>
      %dma_start3A_997 = tpu.memref_squeeze %dma_start3A_996 : memref<1x1x100xi32, #tpu.memory_space<vmem>> -> memref<100xi32, #tpu.memory_space<vmem>>
      %dma_start3A_998 = arith.constant 0 : i32
      %dma_start3A_999 = arith.constant 0 : i32
      %dma_start3A_1000 = tpu.memref_slice %arg3[%dma_start3A_998, %dma_start3A_999] : memref<1000000x32xf32, #tpu.memory_space<hbm>> -> memref<1000000x32xf32, #tpu.memory_space<hbm>>
      tpu.enqueue_indirect_dma source(%dma_start3A_1000 : memref<1000000x32xf32, #tpu.memory_space<hbm>>) target(%dma_start3A_994 : memref<100x32xf32, #tpu.memory_space<vmem>>) offsets(%dma_start3A_997 : memref<100xi32, #tpu.memory_space<vmem>>) semaphore(%arg12 : memref<!tpu.dma_semaphore, #tpu.memory_space<semaphore_mem>>)
      %dma_start3A_1001 = arith.constant 3 : i32
      %dma_start3A_1002 = arith.constant 3 : i32
      %dma_start3A_1003 = arith.constant 3 : i32
      %dma_start3A_1004 = arith.constant 0 : i32
      %dma_start3A_1005 = arith.constant 0 : i32
      %dma_start3A_1006 = tpu.memref_slice %arg7[%dma_start3A_1003, %dma_start3A_1004, %dma_start3A_1005] : memref<4x800x32xf32, #tpu.memory_space<vmem>> -> memref<1x800x32xf32, #tpu.memory_space<vmem>>
      %dma_start3A_1007 = tpu.memref_squeeze %dma_start3A_1006 : memref<1x800x32xf32, #tpu.memory_space<vmem>> -> memref<800x32xf32, #tpu.memory_space<vmem>>
      %dma_start3A_1008 = arith.constant 300 : i32
      %dma_start3A_1009 = arith.constant 0 : i32
      %dma_start3A_1010 = tpu.memref_slice %dma_start3A_1007[%dma_start3A_1008, %dma_start3A_1009] : memref<800x32xf32, #tpu.memory_space<vmem>> -> memref<100x32xf32, #tpu.memory_space<vmem>>
      %dma_start3A_1011 = arith.constant 0 : i32
      %dma_start3A_1012 = tpu.memref_slice %arg6[%dma_start3A_1001, %dma_start3A_1002, %dma_start3A_1011] : memref<4x8x100xi32, #tpu.memory_space<vmem>> -> memref<1x1x100xi32, #tpu.memory_space<vmem>>
      %dma_start3A_1013 = tpu.memref_squeeze %dma_start3A_1012 : memref<1x1x100xi32, #tpu.memory_space<vmem>> -> memref<100xi32, #tpu.memory_space<vmem>>
      %dma_start3A_1014 = arith.constant 0 : i32
      %dma_start3A_1015 = arith.constant 0 : i32
      %dma_start3A_1016 = tpu.memref_slice %arg3[%dma_start3A_1014, %dma_start3A_1015] : memref<1000000x32xf32, #tpu.memory_space<hbm>> -> memref<1000000x32xf32, #tpu.memory_space<hbm>>
      tpu.enqueue_indirect_dma source(%dma_start3A_1016 : memref<1000000x32xf32, #tpu.memory_space<hbm>>) target(%dma_start3A_1010 : memref<100x32xf32, #tpu.memory_space<vmem>>) offsets(%dma_start3A_1013 : memref<100xi32, #tpu.memory_space<vmem>>) semaphore(%arg12 : memref<!tpu.dma_semaphore, #tpu.memory_space<semaphore_mem>>)
      %dma_start3A_1017 = arith.constant 3 : i32
      %dma_start3A_1018 = arith.constant 4 : i32
      %dma_start3A_1019 = arith.constant 3 : i32
      %dma_start3A_1020 = arith.constant 0 : i32
      %dma_start3A_1021 = arith.constant 0 : i32
      %dma_start3A_1022 = tpu.memref_slice %arg7[%dma_start3A_1019, %dma_start3A_1020, %dma_start3A_1021] : memref<4x800x32xf32, #tpu.memory_space<vmem>> -> memref<1x800x32xf32, #tpu.memory_space<vmem>>
      %dma_start3A_1023 = tpu.memref_squeeze %dma_start3A_1022 : memref<1x800x32xf32, #tpu.memory_space<vmem>> -> memref<800x32xf32, #tpu.memory_space<vmem>>
      %dma_start3A_1024 = arith.constant 400 : i32
      %dma_start3A_1025 = arith.constant 0 : i32
      %dma_start3A_1026 = tpu.memref_slice %dma_start3A_1023[%dma_start3A_1024, %dma_start3A_1025] : memref<800x32xf32, #tpu.memory_space<vmem>> -> memref<100x32xf32, #tpu.memory_space<vmem>>
      %dma_start3A_1027 = arith.constant 0 : i32
      %dma_start3A_1028 = tpu.memref_slice %arg6[%dma_start3A_1017, %dma_start3A_1018, %dma_start3A_1027] : memref<4x8x100xi32, #tpu.memory_space<vmem>> -> memref<1x1x100xi32, #tpu.memory_space<vmem>>
      %dma_start3A_1029 = tpu.memref_squeeze %dma_start3A_1028 : memref<1x1x100xi32, #tpu.memory_space<vmem>> -> memref<100xi32, #tpu.memory_space<vmem>>
      %dma_start3A_1030 = arith.constant 0 : i32
      %dma_start3A_1031 = arith.constant 0 : i32
      %dma_start3A_1032 = tpu.memref_slice %arg3[%dma_start3A_1030, %dma_start3A_1031] : memref<1000000x32xf32, #tpu.memory_space<hbm>> -> memref<1000000x32xf32, #tpu.memory_space<hbm>>
      tpu.enqueue_indirect_dma source(%dma_start3A_1032 : memref<1000000x32xf32, #tpu.memory_space<hbm>>) target(%dma_start3A_1026 : memref<100x32xf32, #tpu.memory_space<vmem>>) offsets(%dma_start3A_1029 : memref<100xi32, #tpu.memory_space<vmem>>) semaphore(%arg12 : memref<!tpu.dma_semaphore, #tpu.memory_space<semaphore_mem>>)
      %dma_start3A_1033 = arith.constant 3 : i32
      %dma_start3A_1034 = arith.constant 5 : i32
      %dma_start3A_1035 = arith.constant 3 : i32
      %dma_start3A_1036 = arith.constant 0 : i32
      %dma_start3A_1037 = arith.constant 0 : i32
      %dma_start3A_1038 = tpu.memref_slice %arg7[%dma_start3A_1035, %dma_start3A_1036, %dma_start3A_1037] : memref<4x800x32xf32, #tpu.memory_space<vmem>> -> memref<1x800x32xf32, #tpu.memory_space<vmem>>
      %dma_start3A_1039 = tpu.memref_squeeze %dma_start3A_1038 : memref<1x800x32xf32, #tpu.memory_space<vmem>> -> memref<800x32xf32, #tpu.memory_space<vmem>>
      %dma_start3A_1040 = arith.constant 500 : i32
      %dma_start3A_1041 = arith.constant 0 : i32
      %dma_start3A_1042 = tpu.memref_slice %dma_start3A_1039[%dma_start3A_1040, %dma_start3A_1041] : memref<800x32xf32, #tpu.memory_space<vmem>> -> memref<100x32xf32, #tpu.memory_space<vmem>>
      %dma_start3A_1043 = arith.constant 0 : i32
      %dma_start3A_1044 = tpu.memref_slice %arg6[%dma_start3A_1033, %dma_start3A_1034, %dma_start3A_1043] : memref<4x8x100xi32, #tpu.memory_space<vmem>> -> memref<1x1x100xi32, #tpu.memory_space<vmem>>
      %dma_start3A_1045 = tpu.memref_squeeze %dma_start3A_1044 : memref<1x1x100xi32, #tpu.memory_space<vmem>> -> memref<100xi32, #tpu.memory_space<vmem>>
      %dma_start3A_1046 = arith.constant 0 : i32
      %dma_start3A_1047 = arith.constant 0 : i32
      %dma_start3A_1048 = tpu.memref_slice %arg3[%dma_start3A_1046, %dma_start3A_1047] : memref<1000000x32xf32, #tpu.memory_space<hbm>> -> memref<1000000x32xf32, #tpu.memory_space<hbm>>
      tpu.enqueue_indirect_dma source(%dma_start3A_1048 : memref<1000000x32xf32, #tpu.memory_space<hbm>>) target(%dma_start3A_1042 : memref<100x32xf32, #tpu.memory_space<vmem>>) offsets(%dma_start3A_1045 : memref<100xi32, #tpu.memory_space<vmem>>) semaphore(%arg12 : memref<!tpu.dma_semaphore, #tpu.memory_space<semaphore_mem>>)
      %dma_start3A_1049 = arith.constant 3 : i32
      %dma_start3A_1050 = arith.constant 6 : i32
      %dma_start3A_1051 = arith.constant 3 : i32
      %dma_start3A_1052 = arith.constant 0 : i32
      %dma_start3A_1053 = arith.constant 0 : i32
      %dma_start3A_1054 = tpu.memref_slice %arg7[%dma_start3A_1051, %dma_start3A_1052, %dma_start3A_1053] : memref<4x800x32xf32, #tpu.memory_space<vmem>> -> memref<1x800x32xf32, #tpu.memory_space<vmem>>
      %dma_start3A_1055 = tpu.memref_squeeze %dma_start3A_1054 : memref<1x800x32xf32, #tpu.memory_space<vmem>> -> memref<800x32xf32, #tpu.memory_space<vmem>>
      %dma_start3A_1056 = arith.constant 600 : i32
      %dma_start3A_1057 = arith.constant 0 : i32
      %dma_start3A_1058 = tpu.memref_slice %dma_start3A_1055[%dma_start3A_1056, %dma_start3A_1057] : memref<800x32xf32, #tpu.memory_space<vmem>> -> memref<100x32xf32, #tpu.memory_space<vmem>>
      %dma_start3A_1059 = arith.constant 0 : i32
      %dma_start3A_1060 = tpu.memref_slice %arg6[%dma_start3A_1049, %dma_start3A_1050, %dma_start3A_1059] : memref<4x8x100xi32, #tpu.memory_space<vmem>> -> memref<1x1x100xi32, #tpu.memory_space<vmem>>
      %dma_start3A_1061 = tpu.memref_squeeze %dma_start3A_1060 : memref<1x1x100xi32, #tpu.memory_space<vmem>> -> memref<100xi32, #tpu.memory_space<vmem>>
      %dma_start3A_1062 = arith.constant 0 : i32
      %dma_start3A_1063 = arith.constant 0 : i32
      %dma_start3A_1064 = tpu.memref_slice %arg3[%dma_start3A_1062, %dma_start3A_1063] : memref<1000000x32xf32, #tpu.memory_space<hbm>> -> memref<1000000x32xf32, #tpu.memory_space<hbm>>
      tpu.enqueue_indirect_dma source(%dma_start3A_1064 : memref<1000000x32xf32, #tpu.memory_space<hbm>>) target(%dma_start3A_1058 : memref<100x32xf32, #tpu.memory_space<vmem>>) offsets(%dma_start3A_1061 : memref<100xi32, #tpu.memory_space<vmem>>) semaphore(%arg12 : memref<!tpu.dma_semaphore, #tpu.memory_space<semaphore_mem>>)
      %dma_start3A_1065 = arith.constant 3 : i32
      %dma_start3A_1066 = arith.constant 7 : i32
      %dma_start3A_1067 = arith.constant 3 : i32
      %dma_start3A_1068 = arith.constant 0 : i32
      %dma_start3A_1069 = arith.constant 0 : i32
      %dma_start3A_1070 = tpu.memref_slice %arg7[%dma_start3A_1067, %dma_start3A_1068, %dma_start3A_1069] : memref<4x800x32xf32, #tpu.memory_space<vmem>> -> memref<1x800x32xf32, #tpu.memory_space<vmem>>
      %dma_start3A_1071 = tpu.memref_squeeze %dma_start3A_1070 : memref<1x800x32xf32, #tpu.memory_space<vmem>> -> memref<800x32xf32, #tpu.memory_space<vmem>>
      %dma_start3A_1072 = arith.constant 700 : i32
      %dma_start3A_1073 = arith.constant 0 : i32
      %dma_start3A_1074 = tpu.memref_slice %dma_start3A_1071[%dma_start3A_1072, %dma_start3A_1073] : memref<800x32xf32, #tpu.memory_space<vmem>> -> memref<100x32xf32, #tpu.memory_space<vmem>>
      %dma_start3A_1075 = arith.constant 0 : i32
      %dma_start3A_1076 = tpu.memref_slice %arg6[%dma_start3A_1065, %dma_start3A_1066, %dma_start3A_1075] : memref<4x8x100xi32, #tpu.memory_space<vmem>> -> memref<1x1x100xi32, #tpu.memory_space<vmem>>
      %dma_start3A_1077 = tpu.memref_squeeze %dma_start3A_1076 : memref<1x1x100xi32, #tpu.memory_space<vmem>> -> memref<100xi32, #tpu.memory_space<vmem>>
      %dma_start3A_1078 = arith.constant 0 : i32
      %dma_start3A_1079 = arith.constant 0 : i32
      %dma_start3A_1080 = tpu.memref_slice %arg3[%dma_start3A_1078, %dma_start3A_1079] : memref<1000000x32xf32, #tpu.memory_space<hbm>> -> memref<1000000x32xf32, #tpu.memory_space<hbm>>
      tpu.enqueue_indirect_dma source(%dma_start3A_1080 : memref<1000000x32xf32, #tpu.memory_space<hbm>>) target(%dma_start3A_1074 : memref<100x32xf32, #tpu.memory_space<vmem>>) offsets(%dma_start3A_1077 : memref<100xi32, #tpu.memory_space<vmem>>) semaphore(%arg12 : memref<!tpu.dma_semaphore, #tpu.memory_space<semaphore_mem>>)
      %dma_wait3A_1081 = arith.constant 2 : i32
      %dma_wait3A_1082 = arith.constant 0 : i32
      %dma_wait3A_1083 = arith.constant 2 : i32
      %dma_wait3A_1084 = arith.constant 0 : i32
      %dma_wait3A_1085 = arith.constant 0 : i32
      %dma_wait3A_1086 = tpu.memref_slice %arg7[%dma_wait3A_1083, %dma_wait3A_1084, %dma_wait3A_1085] : memref<4x800x32xf32, #tpu.memory_space<vmem>> -> memref<1x800x32xf32, #tpu.memory_space<vmem>>
      %dma_wait3A_1087 = tpu.memref_squeeze %dma_wait3A_1086 : memref<1x800x32xf32, #tpu.memory_space<vmem>> -> memref<800x32xf32, #tpu.memory_space<vmem>>
      %dma_wait3A_1088 = arith.constant 0 : i32
      %dma_wait3A_1089 = arith.constant 0 : i32
      %dma_wait3A_1090 = tpu.memref_slice %dma_wait3A_1087[%dma_wait3A_1088, %dma_wait3A_1089] : memref<800x32xf32, #tpu.memory_space<vmem>> -> memref<100x32xf32, #tpu.memory_space<vmem>>
      %dma_wait3A_1091 = arith.constant 0 : i32
      %dma_wait3A_1092 = tpu.memref_slice %arg6[%dma_wait3A_1081, %dma_wait3A_1082, %dma_wait3A_1091] : memref<4x8x100xi32, #tpu.memory_space<vmem>> -> memref<1x1x100xi32, #tpu.memory_space<vmem>>
      %dma_wait3A_1093 = tpu.memref_squeeze %dma_wait3A_1092 : memref<1x1x100xi32, #tpu.memory_space<vmem>> -> memref<100xi32, #tpu.memory_space<vmem>>
      %dma_wait3A_1094 = arith.constant 0 : i32
      %dma_wait3A_1095 = arith.constant 0 : i32
      %dma_wait3A_1096 = tpu.memref_slice %arg3[%dma_wait3A_1094, %dma_wait3A_1095] : memref<1000000x32xf32, #tpu.memory_space<hbm>> -> memref<1000000x32xf32, #tpu.memory_space<hbm>>
      tpu.wait_indirect_dma semaphore(%arg11 : memref<!tpu.dma_semaphore, #tpu.memory_space<semaphore_mem>>) src(%dma_wait3A_1096 : memref<1000000x32xf32, #tpu.memory_space<hbm>>) dst(%dma_wait3A_1090 : memref<100x32xf32, #tpu.memory_space<vmem>>)
      %dma_wait3A_1097 = arith.constant 2 : i32
      %dma_wait3A_1098 = arith.constant 1 : i32
      %dma_wait3A_1099 = arith.constant 2 : i32
      %dma_wait3A_1100 = arith.constant 0 : i32
      %dma_wait3A_1101 = arith.constant 0 : i32
      %dma_wait3A_1102 = tpu.memref_slice %arg7[%dma_wait3A_1099, %dma_wait3A_1100, %dma_wait3A_1101] : memref<4x800x32xf32, #tpu.memory_space<vmem>> -> memref<1x800x32xf32, #tpu.memory_space<vmem>>
      %dma_wait3A_1103 = tpu.memref_squeeze %dma_wait3A_1102 : memref<1x800x32xf32, #tpu.memory_space<vmem>> -> memref<800x32xf32, #tpu.memory_space<vmem>>
      %dma_wait3A_1104 = arith.constant 100 : i32
      %dma_wait3A_1105 = arith.constant 0 : i32
      %dma_wait3A_1106 = tpu.memref_slice %dma_wait3A_1103[%dma_wait3A_1104, %dma_wait3A_1105] : memref<800x32xf32, #tpu.memory_space<vmem>> -> memref<100x32xf32, #tpu.memory_space<vmem>>
      %dma_wait3A_1107 = arith.constant 0 : i32
      %dma_wait3A_1108 = tpu.memref_slice %arg6[%dma_wait3A_1097, %dma_wait3A_1098, %dma_wait3A_1107] : memref<4x8x100xi32, #tpu.memory_space<vmem>> -> memref<1x1x100xi32, #tpu.memory_space<vmem>>
      %dma_wait3A_1109 = tpu.memref_squeeze %dma_wait3A_1108 : memref<1x1x100xi32, #tpu.memory_space<vmem>> -> memref<100xi32, #tpu.memory_space<vmem>>
      %dma_wait3A_1110 = arith.constant 0 : i32
      %dma_wait3A_1111 = arith.constant 0 : i32
      %dma_wait3A_1112 = tpu.memref_slice %arg3[%dma_wait3A_1110, %dma_wait3A_1111] : memref<1000000x32xf32, #tpu.memory_space<hbm>> -> memref<1000000x32xf32, #tpu.memory_space<hbm>>
      tpu.wait_indirect_dma semaphore(%arg11 : memref<!tpu.dma_semaphore, #tpu.memory_space<semaphore_mem>>) src(%dma_wait3A_1112 : memref<1000000x32xf32, #tpu.memory_space<hbm>>) dst(%dma_wait3A_1106 : memref<100x32xf32, #tpu.memory_space<vmem>>)
      %dma_wait3A_1113 = arith.constant 2 : i32
      %dma_wait3A_1114 = arith.constant 2 : i32
      %dma_wait3A_1115 = arith.constant 2 : i32
      %dma_wait3A_1116 = arith.constant 0 : i32
      %dma_wait3A_1117 = arith.constant 0 : i32
      %dma_wait3A_1118 = tpu.memref_slice %arg7[%dma_wait3A_1115, %dma_wait3A_1116, %dma_wait3A_1117] : memref<4x800x32xf32, #tpu.memory_space<vmem>> -> memref<1x800x32xf32, #tpu.memory_space<vmem>>
      %dma_wait3A_1119 = tpu.memref_squeeze %dma_wait3A_1118 : memref<1x800x32xf32, #tpu.memory_space<vmem>> -> memref<800x32xf32, #tpu.memory_space<vmem>>
      %dma_wait3A_1120 = arith.constant 200 : i32
      %dma_wait3A_1121 = arith.constant 0 : i32
      %dma_wait3A_1122 = tpu.memref_slice %dma_wait3A_1119[%dma_wait3A_1120, %dma_wait3A_1121] : memref<800x32xf32, #tpu.memory_space<vmem>> -> memref<100x32xf32, #tpu.memory_space<vmem>>
      %dma_wait3A_1123 = arith.constant 0 : i32
      %dma_wait3A_1124 = tpu.memref_slice %arg6[%dma_wait3A_1113, %dma_wait3A_1114, %dma_wait3A_1123] : memref<4x8x100xi32, #tpu.memory_space<vmem>> -> memref<1x1x100xi32, #tpu.memory_space<vmem>>
      %dma_wait3A_1125 = tpu.memref_squeeze %dma_wait3A_1124 : memref<1x1x100xi32, #tpu.memory_space<vmem>> -> memref<100xi32, #tpu.memory_space<vmem>>
      %dma_wait3A_1126 = arith.constant 0 : i32
      %dma_wait3A_1127 = arith.constant 0 : i32
      %dma_wait3A_1128 = tpu.memref_slice %arg3[%dma_wait3A_1126, %dma_wait3A_1127] : memref<1000000x32xf32, #tpu.memory_space<hbm>> -> memref<1000000x32xf32, #tpu.memory_space<hbm>>
      tpu.wait_indirect_dma semaphore(%arg11 : memref<!tpu.dma_semaphore, #tpu.memory_space<semaphore_mem>>) src(%dma_wait3A_1128 : memref<1000000x32xf32, #tpu.memory_space<hbm>>) dst(%dma_wait3A_1122 : memref<100x32xf32, #tpu.memory_space<vmem>>)
      %dma_wait3A_1129 = arith.constant 2 : i32
      %dma_wait3A_1130 = arith.constant 3 : i32
      %dma_wait3A_1131 = arith.constant 2 : i32
      %dma_wait3A_1132 = arith.constant 0 : i32
      %dma_wait3A_1133 = arith.constant 0 : i32
      %dma_wait3A_1134 = tpu.memref_slice %arg7[%dma_wait3A_1131, %dma_wait3A_1132, %dma_wait3A_1133] : memref<4x800x32xf32, #tpu.memory_space<vmem>> -> memref<1x800x32xf32, #tpu.memory_space<vmem>>
      %dma_wait3A_1135 = tpu.memref_squeeze %dma_wait3A_1134 : memref<1x800x32xf32, #tpu.memory_space<vmem>> -> memref<800x32xf32, #tpu.memory_space<vmem>>
      %dma_wait3A_1136 = arith.constant 300 : i32
      %dma_wait3A_1137 = arith.constant 0 : i32
      %dma_wait3A_1138 = tpu.memref_slice %dma_wait3A_1135[%dma_wait3A_1136, %dma_wait3A_1137] : memref<800x32xf32, #tpu.memory_space<vmem>> -> memref<100x32xf32, #tpu.memory_space<vmem>>
      %dma_wait3A_1139 = arith.constant 0 : i32
      %dma_wait3A_1140 = tpu.memref_slice %arg6[%dma_wait3A_1129, %dma_wait3A_1130, %dma_wait3A_1139] : memref<4x8x100xi32, #tpu.memory_space<vmem>> -> memref<1x1x100xi32, #tpu.memory_space<vmem>>
      %dma_wait3A_1141 = tpu.memref_squeeze %dma_wait3A_1140 : memref<1x1x100xi32, #tpu.memory_space<vmem>> -> memref<100xi32, #tpu.memory_space<vmem>>
      %dma_wait3A_1142 = arith.constant 0 : i32
      %dma_wait3A_1143 = arith.constant 0 : i32
      %dma_wait3A_1144 = tpu.memref_slice %arg3[%dma_wait3A_1142, %dma_wait3A_1143] : memref<1000000x32xf32, #tpu.memory_space<hbm>> -> memref<1000000x32xf32, #tpu.memory_space<hbm>>
      tpu.wait_indirect_dma semaphore(%arg11 : memref<!tpu.dma_semaphore, #tpu.memory_space<semaphore_mem>>) src(%dma_wait3A_1144 : memref<1000000x32xf32, #tpu.memory_space<hbm>>) dst(%dma_wait3A_1138 : memref<100x32xf32, #tpu.memory_space<vmem>>)
      %dma_wait3A_1145 = arith.constant 2 : i32
      %dma_wait3A_1146 = arith.constant 4 : i32
      %dma_wait3A_1147 = arith.constant 2 : i32
      %dma_wait3A_1148 = arith.constant 0 : i32
      %dma_wait3A_1149 = arith.constant 0 : i32
      %dma_wait3A_1150 = tpu.memref_slice %arg7[%dma_wait3A_1147, %dma_wait3A_1148, %dma_wait3A_1149] : memref<4x800x32xf32, #tpu.memory_space<vmem>> -> memref<1x800x32xf32, #tpu.memory_space<vmem>>
      %dma_wait3A_1151 = tpu.memref_squeeze %dma_wait3A_1150 : memref<1x800x32xf32, #tpu.memory_space<vmem>> -> memref<800x32xf32, #tpu.memory_space<vmem>>
      %dma_wait3A_1152 = arith.constant 400 : i32
      %dma_wait3A_1153 = arith.constant 0 : i32
      %dma_wait3A_1154 = tpu.memref_slice %dma_wait3A_1151[%dma_wait3A_1152, %dma_wait3A_1153] : memref<800x32xf32, #tpu.memory_space<vmem>> -> memref<100x32xf32, #tpu.memory_space<vmem>>
      %dma_wait3A_1155 = arith.constant 0 : i32
      %dma_wait3A_1156 = tpu.memref_slice %arg6[%dma_wait3A_1145, %dma_wait3A_1146, %dma_wait3A_1155] : memref<4x8x100xi32, #tpu.memory_space<vmem>> -> memref<1x1x100xi32, #tpu.memory_space<vmem>>
      %dma_wait3A_1157 = tpu.memref_squeeze %dma_wait3A_1156 : memref<1x1x100xi32, #tpu.memory_space<vmem>> -> memref<100xi32, #tpu.memory_space<vmem>>
      %dma_wait3A_1158 = arith.constant 0 : i32
      %dma_wait3A_1159 = arith.constant 0 : i32
      %dma_wait3A_1160 = tpu.memref_slice %arg3[%dma_wait3A_1158, %dma_wait3A_1159] : memref<1000000x32xf32, #tpu.memory_space<hbm>> -> memref<1000000x32xf32, #tpu.memory_space<hbm>>
      tpu.wait_indirect_dma semaphore(%arg11 : memref<!tpu.dma_semaphore, #tpu.memory_space<semaphore_mem>>) src(%dma_wait3A_1160 : memref<1000000x32xf32, #tpu.memory_space<hbm>>) dst(%dma_wait3A_1154 : memref<100x32xf32, #tpu.memory_space<vmem>>)
      %dma_wait3A_1161 = arith.constant 2 : i32
      %dma_wait3A_1162 = arith.constant 5 : i32
      %dma_wait3A_1163 = arith.constant 2 : i32
      %dma_wait3A_1164 = arith.constant 0 : i32
      %dma_wait3A_1165 = arith.constant 0 : i32
      %dma_wait3A_1166 = tpu.memref_slice %arg7[%dma_wait3A_1163, %dma_wait3A_1164, %dma_wait3A_1165] : memref<4x800x32xf32, #tpu.memory_space<vmem>> -> memref<1x800x32xf32, #tpu.memory_space<vmem>>
      %dma_wait3A_1167 = tpu.memref_squeeze %dma_wait3A_1166 : memref<1x800x32xf32, #tpu.memory_space<vmem>> -> memref<800x32xf32, #tpu.memory_space<vmem>>
      %dma_wait3A_1168 = arith.constant 500 : i32
      %dma_wait3A_1169 = arith.constant 0 : i32
      %dma_wait3A_1170 = tpu.memref_slice %dma_wait3A_1167[%dma_wait3A_1168, %dma_wait3A_1169] : memref<800x32xf32, #tpu.memory_space<vmem>> -> memref<100x32xf32, #tpu.memory_space<vmem>>
      %dma_wait3A_1171 = arith.constant 0 : i32
      %dma_wait3A_1172 = tpu.memref_slice %arg6[%dma_wait3A_1161, %dma_wait3A_1162, %dma_wait3A_1171] : memref<4x8x100xi32, #tpu.memory_space<vmem>> -> memref<1x1x100xi32, #tpu.memory_space<vmem>>
      %dma_wait3A_1173 = tpu.memref_squeeze %dma_wait3A_1172 : memref<1x1x100xi32, #tpu.memory_space<vmem>> -> memref<100xi32, #tpu.memory_space<vmem>>
      %dma_wait3A_1174 = arith.constant 0 : i32
      %dma_wait3A_1175 = arith.constant 0 : i32
      %dma_wait3A_1176 = tpu.memref_slice %arg3[%dma_wait3A_1174, %dma_wait3A_1175] : memref<1000000x32xf32, #tpu.memory_space<hbm>> -> memref<1000000x32xf32, #tpu.memory_space<hbm>>
      tpu.wait_indirect_dma semaphore(%arg11 : memref<!tpu.dma_semaphore, #tpu.memory_space<semaphore_mem>>) src(%dma_wait3A_1176 : memref<1000000x32xf32, #tpu.memory_space<hbm>>) dst(%dma_wait3A_1170 : memref<100x32xf32, #tpu.memory_space<vmem>>)
      %dma_wait3A_1177 = arith.constant 2 : i32
      %dma_wait3A_1178 = arith.constant 6 : i32
      %dma_wait3A_1179 = arith.constant 2 : i32
      %dma_wait3A_1180 = arith.constant 0 : i32
      %dma_wait3A_1181 = arith.constant 0 : i32
      %dma_wait3A_1182 = tpu.memref_slice %arg7[%dma_wait3A_1179, %dma_wait3A_1180, %dma_wait3A_1181] : memref<4x800x32xf32, #tpu.memory_space<vmem>> -> memref<1x800x32xf32, #tpu.memory_space<vmem>>
      %dma_wait3A_1183 = tpu.memref_squeeze %dma_wait3A_1182 : memref<1x800x32xf32, #tpu.memory_space<vmem>> -> memref<800x32xf32, #tpu.memory_space<vmem>>
      %dma_wait3A_1184 = arith.constant 600 : i32
      %dma_wait3A_1185 = arith.constant 0 : i32
      %dma_wait3A_1186 = tpu.memref_slice %dma_wait3A_1183[%dma_wait3A_1184, %dma_wait3A_1185] : memref<800x32xf32, #tpu.memory_space<vmem>> -> memref<100x32xf32, #tpu.memory_space<vmem>>
      %dma_wait3A_1187 = arith.constant 0 : i32
      %dma_wait3A_1188 = tpu.memref_slice %arg6[%dma_wait3A_1177, %dma_wait3A_1178, %dma_wait3A_1187] : memref<4x8x100xi32, #tpu.memory_space<vmem>> -> memref<1x1x100xi32, #tpu.memory_space<vmem>>
      %dma_wait3A_1189 = tpu.memref_squeeze %dma_wait3A_1188 : memref<1x1x100xi32, #tpu.memory_space<vmem>> -> memref<100xi32, #tpu.memory_space<vmem>>
      %dma_wait3A_1190 = arith.constant 0 : i32
      %dma_wait3A_1191 = arith.constant 0 : i32
      %dma_wait3A_1192 = tpu.memref_slice %arg3[%dma_wait3A_1190, %dma_wait3A_1191] : memref<1000000x32xf32, #tpu.memory_space<hbm>> -> memref<1000000x32xf32, #tpu.memory_space<hbm>>
      tpu.wait_indirect_dma semaphore(%arg11 : memref<!tpu.dma_semaphore, #tpu.memory_space<semaphore_mem>>) src(%dma_wait3A_1192 : memref<1000000x32xf32, #tpu.memory_space<hbm>>) dst(%dma_wait3A_1186 : memref<100x32xf32, #tpu.memory_space<vmem>>)
      %dma_wait3A_1193 = arith.constant 2 : i32
      %dma_wait3A_1194 = arith.constant 7 : i32
      %dma_wait3A_1195 = arith.constant 2 : i32
      %dma_wait3A_1196 = arith.constant 0 : i32
      %dma_wait3A_1197 = arith.constant 0 : i32
      %dma_wait3A_1198 = tpu.memref_slice %arg7[%dma_wait3A_1195, %dma_wait3A_1196, %dma_wait3A_1197] : memref<4x800x32xf32, #tpu.memory_space<vmem>> -> memref<1x800x32xf32, #tpu.memory_space<vmem>>
      %dma_wait3A_1199 = tpu.memref_squeeze %dma_wait3A_1198 : memref<1x800x32xf32, #tpu.memory_space<vmem>> -> memref<800x32xf32, #tpu.memory_space<vmem>>
      %dma_wait3A_1200 = arith.constant 700 : i32
      %dma_wait3A_1201 = arith.constant 0 : i32
      %dma_wait3A_1202 = tpu.memref_slice %dma_wait3A_1199[%dma_wait3A_1200, %dma_wait3A_1201] : memref<800x32xf32, #tpu.memory_space<vmem>> -> memref<100x32xf32, #tpu.memory_space<vmem>>
      %dma_wait3A_1203 = arith.constant 0 : i32
      %dma_wait3A_1204 = tpu.memref_slice %arg6[%dma_wait3A_1193, %dma_wait3A_1194, %dma_wait3A_1203] : memref<4x8x100xi32, #tpu.memory_space<vmem>> -> memref<1x1x100xi32, #tpu.memory_space<vmem>>
      %dma_wait3A_1205 = tpu.memref_squeeze %dma_wait3A_1204 : memref<1x1x100xi32, #tpu.memory_space<vmem>> -> memref<100xi32, #tpu.memory_space<vmem>>
      %dma_wait3A_1206 = arith.constant 0 : i32
      %dma_wait3A_1207 = arith.constant 0 : i32
      %dma_wait3A_1208 = tpu.memref_slice %arg3[%dma_wait3A_1206, %dma_wait3A_1207] : memref<1000000x32xf32, #tpu.memory_space<hbm>> -> memref<1000000x32xf32, #tpu.memory_space<hbm>>
      tpu.wait_indirect_dma semaphore(%arg11 : memref<!tpu.dma_semaphore, #tpu.memory_space<semaphore_mem>>) src(%dma_wait3A_1208 : memref<1000000x32xf32, #tpu.memory_space<hbm>>) dst(%dma_wait3A_1202 : memref<100x32xf32, #tpu.memory_space<vmem>>)
      %scan3A_1209 = arith.constant 0 : i32
      %scan3A_1210 = arith.constant 2 : i32
      %scan3A_1211 = arith.constant 0 : i32
      %scan3A_1212 = arith.constant 200 : i32
      %scan3A_1213 = arith.addi %scan3A_1211, %scan3A_1212 : i32
      %scan3A_1214 = arith.constant 1 : i32
      scf.for %scan3A_1420 = %scan3A_1211 to %scan3A_1213 step %scan3A_1214  : i32 {
        %get3A = arith.index_cast %scan3A_1420 : i32 to index
        %get3A_1421 = arith.constant 0 : index
        %get3A_1422 = tpu.vector_load %arg8[%get3A, %get3A_1421] {strides = array<i32>} : memref<200x32xf32, #tpu.memory_space<vmem>>, vector<1x16xf32>,
        %get3A_1423 = vector.shape_cast %get3A_1422 : vector<1x16xf32> to vector<16xf32>
        %get3A_1424 = arith.index_cast %scan3A_1420 : i32 to index
        %get3A_1425 = arith.constant 16 : index
        %get3A_1426 = tpu.vector_load %arg8[%get3A_1424, %get3A_1425] {strides = array<i32>} : memref<200x32xf32, #tpu.memory_space<vmem>>, vector<1x16xf32>,
        %get3A_1427 = vector.shape_cast %get3A_1426 : vector<1x16xf32> to vector<16xf32>
        %add3A_1428 = arith.constant 0 : i32
        %add3A_1429 = arith.addi %add3A_1428, %scan3A_1420 : i32
        %get3A_1430 = arith.constant 0 : i32
        %get3A_1431 = arith.constant 0 : i32
        %get3A_1432 = tpu.memref_slice %arg7[%scan3A_1210, %get3A_1430, %get3A_1431] : memref<4x800x32xf32, #tpu.memory_space<vmem>> -> memref<1x800x32xf32, #tpu.memory_space<vmem>>
        %get3A_1433 = tpu.memref_squeeze %get3A_1432 : memref<1x800x32xf32, #tpu.memory_space<vmem>> -> memref<800x32xf32, #tpu.memory_space<vmem>>
        %get3A_1434 = arith.index_cast %add3A_1429 : i32 to index
        %get3A_1435 = arith.constant 0 : index
        %get3A_1436 = tpu.vector_load %get3A_1433[%get3A_1434, %get3A_1435] {strides = array<i32>} : memref<800x32xf32, #tpu.memory_space<vmem>>, vector<1x16xf32>,
        %get3A_1437 = vector.shape_cast %get3A_1436 : vector<1x16xf32> to vector<16xf32>
        %add3A_1438 = arith.addf %get3A_1437, %get3A_1423 : vector<16xf32>
        %swap3A = arith.constant 0 : i32
        %swap3A_1439 = arith.constant 0 : i32
        %swap3A_1440 = tpu.memref_slice %arg7[%scan3A_1210, %swap3A, %swap3A_1439] : memref<4x800x32xf32, #tpu.memory_space<vmem>> -> memref<1x800x32xf32, #tpu.memory_space<vmem>>
        %swap3A_1441 = tpu.memref_squeeze %swap3A_1440 : memref<1x800x32xf32, #tpu.memory_space<vmem>> -> memref<800x32xf32, #tpu.memory_space<vmem>>
        %swap3A_1442 = arith.index_cast %add3A_1429 : i32 to index
        %swap3A_1443 = arith.constant 0 : index
        %swap3A_1444 = tpu.vector_load %swap3A_1441[%swap3A_1442, %swap3A_1443] {strides = array<i32>} : memref<800x32xf32, #tpu.memory_space<vmem>>, vector<1x16xf32>,
        %swap3A_1445 = vector.shape_cast %swap3A_1444 : vector<1x16xf32> to vector<16xf32>
        %swap3A_1446 = vector.shape_cast %add3A_1438 : vector<16xf32> to vector<1x16xf32>
        tpu.vector_store %swap3A_1441[%swap3A_1442, %swap3A_1443], %swap3A_1446 {strides = array<i32>} : memref<800x32xf32, #tpu.memory_space<vmem>>, vector<1x16xf32>,
        %get3A_1447 = arith.constant 0 : i32
        %get3A_1448 = arith.constant 0 : i32
        %get3A_1449 = tpu.memref_slice %arg7[%scan3A_1210, %get3A_1447, %get3A_1448] : memref<4x800x32xf32, #tpu.memory_space<vmem>> -> memref<1x800x32xf32, #tpu.memory_space<vmem>>
        %get3A_1450 = tpu.memref_squeeze %get3A_1449 : memref<1x800x32xf32, #tpu.memory_space<vmem>> -> memref<800x32xf32, #tpu.memory_space<vmem>>
        %get3A_1451 = arith.index_cast %add3A_1429 : i32 to index
        %get3A_1452 = arith.constant 16 : index
        %get3A_1453 = tpu.vector_load %get3A_1450[%get3A_1451, %get3A_1452] {strides = array<i32>} : memref<800x32xf32, #tpu.memory_space<vmem>>, vector<1x16xf32>,
        %get3A_1454 = vector.shape_cast %get3A_1453 : vector<1x16xf32> to vector<16xf32>
        %add3A_1455 = arith.addf %get3A_1454, %get3A_1427 : vector<16xf32>
        %swap3A_1456 = arith.constant 0 : i32
        %swap3A_1457 = arith.constant 0 : i32
        %swap3A_1458 = tpu.memref_slice %arg7[%scan3A_1210, %swap3A_1456, %swap3A_1457] : memref<4x800x32xf32, #tpu.memory_space<vmem>> -> memref<1x800x32xf32, #tpu.memory_space<vmem>>
        %swap3A_1459 = tpu.memref_squeeze %swap3A_1458 : memref<1x800x32xf32, #tpu.memory_space<vmem>> -> memref<800x32xf32, #tpu.memory_space<vmem>>
        %swap3A_1460 = arith.index_cast %add3A_1429 : i32 to index
        %swap3A_1461 = arith.constant 16 : index
        %swap3A_1462 = tpu.vector_load %swap3A_1459[%swap3A_1460, %swap3A_1461] {strides = array<i32>} : memref<800x32xf32, #tpu.memory_space<vmem>>, vector<1x16xf32>,
        %swap3A_1463 = vector.shape_cast %swap3A_1462 : vector<1x16xf32> to vector<16xf32>
        %swap3A_1464 = vector.shape_cast %add3A_1455 : vector<16xf32> to vector<1x16xf32>
        tpu.vector_store %swap3A_1459[%swap3A_1460, %swap3A_1461], %swap3A_1464 {strides = array<i32>} : memref<800x32xf32, #tpu.memory_space<vmem>>, vector<1x16xf32>,
        %add3A_1465 = arith.constant 200 : i32
        %add3A_1466 = arith.addi %add3A_1465, %scan3A_1420 : i32
        %get3A_1467 = arith.constant 0 : i32
        %get3A_1468 = arith.constant 0 : i32
        %get3A_1469 = tpu.memref_slice %arg7[%scan3A_1210, %get3A_1467, %get3A_1468] : memref<4x800x32xf32, #tpu.memory_space<vmem>> -> memref<1x800x32xf32, #tpu.memory_space<vmem>>
        %get3A_1470 = tpu.memref_squeeze %get3A_1469 : memref<1x800x32xf32, #tpu.memory_space<vmem>> -> memref<800x32xf32, #tpu.memory_space<vmem>>
        %get3A_1471 = arith.index_cast %add3A_1466 : i32 to index
        %get3A_1472 = arith.constant 0 : index
        %get3A_1473 = tpu.vector_load %get3A_1470[%get3A_1471, %get3A_1472] {strides = array<i32>} : memref<800x32xf32, #tpu.memory_space<vmem>>, vector<1x16xf32>,
        %get3A_1474 = vector.shape_cast %get3A_1473 : vector<1x16xf32> to vector<16xf32>
        %add3A_1475 = arith.addf %get3A_1474, %get3A_1423 : vector<16xf32>
        %swap3A_1476 = arith.constant 0 : i32
        %swap3A_1477 = arith.constant 0 : i32
        %swap3A_1478 = tpu.memref_slice %arg7[%scan3A_1210, %swap3A_1476, %swap3A_1477] : memref<4x800x32xf32, #tpu.memory_space<vmem>> -> memref<1x800x32xf32, #tpu.memory_space<vmem>>
        %swap3A_1479 = tpu.memref_squeeze %swap3A_1478 : memref<1x800x32xf32, #tpu.memory_space<vmem>> -> memref<800x32xf32, #tpu.memory_space<vmem>>
        %swap3A_1480 = arith.index_cast %add3A_1466 : i32 to index
        %swap3A_1481 = arith.constant 0 : index
        %swap3A_1482 = tpu.vector_load %swap3A_1479[%swap3A_1480, %swap3A_1481] {strides = array<i32>} : memref<800x32xf32, #tpu.memory_space<vmem>>, vector<1x16xf32>,
        %swap3A_1483 = vector.shape_cast %swap3A_1482 : vector<1x16xf32> to vector<16xf32>
        %swap3A_1484 = vector.shape_cast %add3A_1475 : vector<16xf32> to vector<1x16xf32>
        tpu.vector_store %swap3A_1479[%swap3A_1480, %swap3A_1481], %swap3A_1484 {strides = array<i32>} : memref<800x32xf32, #tpu.memory_space<vmem>>, vector<1x16xf32>,
        %get3A_1485 = arith.constant 0 : i32
        %get3A_1486 = arith.constant 0 : i32
        %get3A_1487 = tpu.memref_slice %arg7[%scan3A_1210, %get3A_1485, %get3A_1486] : memref<4x800x32xf32, #tpu.memory_space<vmem>> -> memref<1x800x32xf32, #tpu.memory_space<vmem>>
        %get3A_1488 = tpu.memref_squeeze %get3A_1487 : memref<1x800x32xf32, #tpu.memory_space<vmem>> -> memref<800x32xf32, #tpu.memory_space<vmem>>
        %get3A_1489 = arith.index_cast %add3A_1466 : i32 to index
        %get3A_1490 = arith.constant 16 : index
        %get3A_1491 = tpu.vector_load %get3A_1488[%get3A_1489, %get3A_1490] {strides = array<i32>} : memref<800x32xf32, #tpu.memory_space<vmem>>, vector<1x16xf32>,
        %get3A_1492 = vector.shape_cast %get3A_1491 : vector<1x16xf32> to vector<16xf32>
        %add3A_1493 = arith.addf %get3A_1492, %get3A_1427 : vector<16xf32>
        %swap3A_1494 = arith.constant 0 : i32
        %swap3A_1495 = arith.constant 0 : i32
        %swap3A_1496 = tpu.memref_slice %arg7[%scan3A_1210, %swap3A_1494, %swap3A_1495] : memref<4x800x32xf32, #tpu.memory_space<vmem>> -> memref<1x800x32xf32, #tpu.memory_space<vmem>>
        %swap3A_1497 = tpu.memref_squeeze %swap3A_1496 : memref<1x800x32xf32, #tpu.memory_space<vmem>> -> memref<800x32xf32, #tpu.memory_space<vmem>>
        %swap3A_1498 = arith.index_cast %add3A_1466 : i32 to index
        %swap3A_1499 = arith.constant 16 : index
        %swap3A_1500 = tpu.vector_load %swap3A_1497[%swap3A_1498, %swap3A_1499] {strides = array<i32>} : memref<800x32xf32, #tpu.memory_space<vmem>>, vector<1x16xf32>,
        %swap3A_1501 = vector.shape_cast %swap3A_1500 : vector<1x16xf32> to vector<16xf32>
        %swap3A_1502 = vector.shape_cast %add3A_1493 : vector<16xf32> to vector<1x16xf32>
        tpu.vector_store %swap3A_1497[%swap3A_1498, %swap3A_1499], %swap3A_1502 {strides = array<i32>} : memref<800x32xf32, #tpu.memory_space<vmem>>, vector<1x16xf32>,
        %add3A_1503 = arith.constant 400 : i32
        %add3A_1504 = arith.addi %add3A_1503, %scan3A_1420 : i32
        %get3A_1505 = arith.constant 0 : i32
        %get3A_1506 = arith.constant 0 : i32
        %get3A_1507 = tpu.memref_slice %arg7[%scan3A_1210, %get3A_1505, %get3A_1506] : memref<4x800x32xf32, #tpu.memory_space<vmem>> -> memref<1x800x32xf32, #tpu.memory_space<vmem>>
        %get3A_1508 = tpu.memref_squeeze %get3A_1507 : memref<1x800x32xf32, #tpu.memory_space<vmem>> -> memref<800x32xf32, #tpu.memory_space<vmem>>
        %get3A_1509 = arith.index_cast %add3A_1504 : i32 to index
        %get3A_1510 = arith.constant 0 : index
        %get3A_1511 = tpu.vector_load %get3A_1508[%get3A_1509, %get3A_1510] {strides = array<i32>} : memref<800x32xf32, #tpu.memory_space<vmem>>, vector<1x16xf32>,
        %get3A_1512 = vector.shape_cast %get3A_1511 : vector<1x16xf32> to vector<16xf32>
        %add3A_1513 = arith.addf %get3A_1512, %get3A_1423 : vector<16xf32>
        %swap3A_1514 = arith.constant 0 : i32
        %swap3A_1515 = arith.constant 0 : i32
        %swap3A_1516 = tpu.memref_slice %arg7[%scan3A_1210, %swap3A_1514, %swap3A_1515] : memref<4x800x32xf32, #tpu.memory_space<vmem>> -> memref<1x800x32xf32, #tpu.memory_space<vmem>>
        %swap3A_1517 = tpu.memref_squeeze %swap3A_1516 : memref<1x800x32xf32, #tpu.memory_space<vmem>> -> memref<800x32xf32, #tpu.memory_space<vmem>>
        %swap3A_1518 = arith.index_cast %add3A_1504 : i32 to index
        %swap3A_1519 = arith.constant 0 : index
        %swap3A_1520 = tpu.vector_load %swap3A_1517[%swap3A_1518, %swap3A_1519] {strides = array<i32>} : memref<800x32xf32, #tpu.memory_space<vmem>>, vector<1x16xf32>,
        %swap3A_1521 = vector.shape_cast %swap3A_1520 : vector<1x16xf32> to vector<16xf32>
        %swap3A_1522 = vector.shape_cast %add3A_1513 : vector<16xf32> to vector<1x16xf32>
        tpu.vector_store %swap3A_1517[%swap3A_1518, %swap3A_1519], %swap3A_1522 {strides = array<i32>} : memref<800x32xf32, #tpu.memory_space<vmem>>, vector<1x16xf32>,
        %get3A_1523 = arith.constant 0 : i32
        %get3A_1524 = arith.constant 0 : i32
        %get3A_1525 = tpu.memref_slice %arg7[%scan3A_1210, %get3A_1523, %get3A_1524] : memref<4x800x32xf32, #tpu.memory_space<vmem>> -> memref<1x800x32xf32, #tpu.memory_space<vmem>>
        %get3A_1526 = tpu.memref_squeeze %get3A_1525 : memref<1x800x32xf32, #tpu.memory_space<vmem>> -> memref<800x32xf32, #tpu.memory_space<vmem>>
        %get3A_1527 = arith.index_cast %add3A_1504 : i32 to index
        %get3A_1528 = arith.constant 16 : index
        %get3A_1529 = tpu.vector_load %get3A_1526[%get3A_1527, %get3A_1528] {strides = array<i32>} : memref<800x32xf32, #tpu.memory_space<vmem>>, vector<1x16xf32>,
        %get3A_1530 = vector.shape_cast %get3A_1529 : vector<1x16xf32> to vector<16xf32>
        %add3A_1531 = arith.addf %get3A_1530, %get3A_1427 : vector<16xf32>
        %swap3A_1532 = arith.constant 0 : i32
        %swap3A_1533 = arith.constant 0 : i32
        %swap3A_1534 = tpu.memref_slice %arg7[%scan3A_1210, %swap3A_1532, %swap3A_1533] : memref<4x800x32xf32, #tpu.memory_space<vmem>> -> memref<1x800x32xf32, #tpu.memory_space<vmem>>
        %swap3A_1535 = tpu.memref_squeeze %swap3A_1534 : memref<1x800x32xf32, #tpu.memory_space<vmem>> -> memref<800x32xf32, #tpu.memory_space<vmem>>
        %swap3A_1536 = arith.index_cast %add3A_1504 : i32 to index
        %swap3A_1537 = arith.constant 16 : index
        %swap3A_1538 = tpu.vector_load %swap3A_1535[%swap3A_1536, %swap3A_1537] {strides = array<i32>} : memref<800x32xf32, #tpu.memory_space<vmem>>, vector<1x16xf32>,
        %swap3A_1539 = vector.shape_cast %swap3A_1538 : vector<1x16xf32> to vector<16xf32>
        %swap3A_1540 = vector.shape_cast %add3A_1531 : vector<16xf32> to vector<1x16xf32>
        tpu.vector_store %swap3A_1535[%swap3A_1536, %swap3A_1537], %swap3A_1540 {strides = array<i32>} : memref<800x32xf32, #tpu.memory_space<vmem>>, vector<1x16xf32>,
        %add3A_1541 = arith.constant 600 : i32
        %add3A_1542 = arith.addi %add3A_1541, %scan3A_1420 : i32
        %get3A_1543 = arith.constant 0 : i32
        %get3A_1544 = arith.constant 0 : i32
        %get3A_1545 = tpu.memref_slice %arg7[%scan3A_1210, %get3A_1543, %get3A_1544] : memref<4x800x32xf32, #tpu.memory_space<vmem>> -> memref<1x800x32xf32, #tpu.memory_space<vmem>>
        %get3A_1546 = tpu.memref_squeeze %get3A_1545 : memref<1x800x32xf32, #tpu.memory_space<vmem>> -> memref<800x32xf32, #tpu.memory_space<vmem>>
        %get3A_1547 = arith.index_cast %add3A_1542 : i32 to index
        %get3A_1548 = arith.constant 0 : index
        %get3A_1549 = tpu.vector_load %get3A_1546[%get3A_1547, %get3A_1548] {strides = array<i32>} : memref<800x32xf32, #tpu.memory_space<vmem>>, vector<1x16xf32>,
        %get3A_1550 = vector.shape_cast %get3A_1549 : vector<1x16xf32> to vector<16xf32>
        %add3A_1551 = arith.addf %get3A_1550, %get3A_1423 : vector<16xf32>
        %swap3A_1552 = arith.constant 0 : i32
        %swap3A_1553 = arith.constant 0 : i32
        %swap3A_1554 = tpu.memref_slice %arg7[%scan3A_1210, %swap3A_1552, %swap3A_1553] : memref<4x800x32xf32, #tpu.memory_space<vmem>> -> memref<1x800x32xf32, #tpu.memory_space<vmem>>
        %swap3A_1555 = tpu.memref_squeeze %swap3A_1554 : memref<1x800x32xf32, #tpu.memory_space<vmem>> -> memref<800x32xf32, #tpu.memory_space<vmem>>
        %swap3A_1556 = arith.index_cast %add3A_1542 : i32 to index
        %swap3A_1557 = arith.constant 0 : index
        %swap3A_1558 = tpu.vector_load %swap3A_1555[%swap3A_1556, %swap3A_1557] {strides = array<i32>} : memref<800x32xf32, #tpu.memory_space<vmem>>, vector<1x16xf32>,
        %swap3A_1559 = vector.shape_cast %swap3A_1558 : vector<1x16xf32> to vector<16xf32>
        %swap3A_1560 = vector.shape_cast %add3A_1551 : vector<16xf32> to vector<1x16xf32>
        tpu.vector_store %swap3A_1555[%swap3A_1556, %swap3A_1557], %swap3A_1560 {strides = array<i32>} : memref<800x32xf32, #tpu.memory_space<vmem>>, vector<1x16xf32>,
        %get3A_1561 = arith.constant 0 : i32
        %get3A_1562 = arith.constant 0 : i32
        %get3A_1563 = tpu.memref_slice %arg7[%scan3A_1210, %get3A_1561, %get3A_1562] : memref<4x800x32xf32, #tpu.memory_space<vmem>> -> memref<1x800x32xf32, #tpu.memory_space<vmem>>
        %get3A_1564 = tpu.memref_squeeze %get3A_1563 : memref<1x800x32xf32, #tpu.memory_space<vmem>> -> memref<800x32xf32, #tpu.memory_space<vmem>>
        %get3A_1565 = arith.index_cast %add3A_1542 : i32 to index
        %get3A_1566 = arith.constant 16 : index
        %get3A_1567 = tpu.vector_load %get3A_1564[%get3A_1565, %get3A_1566] {strides = array<i32>} : memref<800x32xf32, #tpu.memory_space<vmem>>, vector<1x16xf32>,
        %get3A_1568 = vector.shape_cast %get3A_1567 : vector<1x16xf32> to vector<16xf32>
        %add3A_1569 = arith.addf %get3A_1568, %get3A_1427 : vector<16xf32>
        %swap3A_1570 = arith.constant 0 : i32
        %swap3A_1571 = arith.constant 0 : i32
        %swap3A_1572 = tpu.memref_slice %arg7[%scan3A_1210, %swap3A_1570, %swap3A_1571] : memref<4x800x32xf32, #tpu.memory_space<vmem>> -> memref<1x800x32xf32, #tpu.memory_space<vmem>>
        %swap3A_1573 = tpu.memref_squeeze %swap3A_1572 : memref<1x800x32xf32, #tpu.memory_space<vmem>> -> memref<800x32xf32, #tpu.memory_space<vmem>>
        %swap3A_1574 = arith.index_cast %add3A_1542 : i32 to index
        %swap3A_1575 = arith.constant 16 : index
        %swap3A_1576 = tpu.vector_load %swap3A_1573[%swap3A_1574, %swap3A_1575] {strides = array<i32>} : memref<800x32xf32, #tpu.memory_space<vmem>>, vector<1x16xf32>,
        %swap3A_1577 = vector.shape_cast %swap3A_1576 : vector<1x16xf32> to vector<16xf32>
        %swap3A_1578 = vector.shape_cast %add3A_1569 : vector<16xf32> to vector<1x16xf32>
        tpu.vector_store %swap3A_1573[%swap3A_1574, %swap3A_1575], %swap3A_1578 {strides = array<i32>} : memref<800x32xf32, #tpu.memory_space<vmem>>, vector<1x16xf32>,
      }
      %scan3A_1215 = arith.constant 200 : i32
      %mul3A_1216 = arith.constant 32 : i32
      %mul3A_1217 = arith.muli %add3A, %mul3A_1216 : i32
      %add3A_1218 = arith.addi %mul3A_1217, %add3A_921 : i32
      %mul3A_1219 = arith.constant 800 : i32
      %mul3A_1220 = arith.muli %add3A_1218, %mul3A_1219 : i32
      %dma_start3A_1221 = arith.constant 2 : i32
      %dma_start3A_1222 = arith.constant 0 : i32
      %dma_start3A_1223 = arith.constant 0 : i32
      %dma_start3A_1224 = tpu.memref_slice %arg7[%dma_start3A_1221, %dma_start3A_1222, %dma_start3A_1223] : memref<4x800x32xf32, #tpu.memory_space<vmem>> -> memref<1x800x32xf32, #tpu.memory_space<vmem>>
      %dma_start3A_1225 = tpu.memref_squeeze %dma_start3A_1224 : memref<1x800x32xf32, #tpu.memory_space<vmem>> -> memref<800x32xf32, #tpu.memory_space<vmem>>
      %dma_start3A_1226 = arith.constant 0 : i32
      %dma_start3A_1227 = tpu.memref_slice %arg5[%mul3A_1220, %dma_start3A_1226] : memref<819200x32xf32, #tpu.memory_space<hbm>> -> memref<800x32xf32, #tpu.memory_space<hbm>>
      %dma_start3A_1228 = arith.constant 0 : i32
      %dma_start3A_1229 = tpu.memref_slice %arg5[%mul3A_1220, %dma_start3A_1228] : memref<819200x32xf32, #tpu.memory_space<hbm>> -> memref<800x32xf32, #tpu.memory_space<hbm>>
      %dma_start3A_1230 = arith.constant 0 : i32
      %dma_start3A_1231 = arith.constant 0 : i32
      %dma_start3A_1232 = tpu.memref_slice %arg7[%dma_start3A_1221, %dma_start3A_1230, %dma_start3A_1231] : memref<4x800x32xf32, #tpu.memory_space<vmem>> -> memref<1x800x32xf32, #tpu.memory_space<vmem>>
      %dma_start3A_1233 = tpu.memref_squeeze %dma_start3A_1232 : memref<1x800x32xf32, #tpu.memory_space<vmem>> -> memref<800x32xf32, #tpu.memory_space<vmem>>
      tpu.enqueue_dma source(%dma_start3A_1233 : memref<800x32xf32, #tpu.memory_space<vmem>>) target(%dma_start3A_1229 : memref<800x32xf32, #tpu.memory_space<hbm>>) target_semaphore(%arg15 : memref<!tpu.dma_semaphore, #tpu.memory_space<semaphore_mem>>)
      %mul3A_1234 = arith.constant 4 : i32
      %mul3A_1235 = arith.muli %mul3A_1234, %scan3A_252 : i32
      %add3A_1236 = arith.constant 3 : i32
      %add3A_1237 = arith.addi %mul3A_1235, %add3A_1236 : i32
      %lt3A_1238 = arith.constant 7 : i32
      %lt3A_1239 = arith.cmpi slt, %scan3A_252, %lt3A_1238 : i32
      %convert_element_type3A_1240 = arith.extui %lt3A_1239 : i1 to i32
      %cond3A_1241 = arith.constant 0 : i32
      %cond3A_1242 = arith.cmpi ne, %convert_element_type3A_1240, %cond3A_1241 : i32
      scf.if %cond3A_1242 {
        %add3A_1420 = arith.constant 2 : i32
        %add3A_1421 = arith.addi %add3A_1237, %add3A_1420 : i32
        %mul3A_1422 = arith.constant 32 : i32
        %mul3A_1423 = arith.muli %add3A, %mul3A_1422 : i32
        %add3A_1424 = arith.addi %mul3A_1423, %add3A_1421 : i32
        %dma_start3A_1425 = arith.constant 1 : i32
        %dma_start3A_1426 = arith.constant 0 : i32
        %dma_start3A_1427 = arith.constant 0 : i32
        %dma_start3A_1428 = tpu.memref_slice %arg6[%dma_start3A_1425, %dma_start3A_1426, %dma_start3A_1427] : memref<4x8x100xi32, #tpu.memory_space<vmem>> -> memref<1x8x100xi32, #tpu.memory_space<vmem>>
        %dma_start3A_1429 = tpu.memref_squeeze %dma_start3A_1428 : memref<1x8x100xi32, #tpu.memory_space<vmem>> -> memref<8x100xi32, #tpu.memory_space<vmem>>
        %dma_start3A_1430 = arith.constant 0 : i32
        %dma_start3A_1431 = arith.constant 0 : i32
        %dma_start3A_1432 = tpu.memref_slice %arg2[%add3A_1424, %dma_start3A_1430, %dma_start3A_1431] : memref<1024x8x100xi32, #tpu.memory_space<hbm>> -> memref<1x8x100xi32, #tpu.memory_space<hbm>>
        %dma_start3A_1433 = tpu.memref_squeeze %dma_start3A_1432 : memref<1x8x100xi32, #tpu.memory_space<hbm>> -> memref<8x100xi32, #tpu.memory_space<hbm>>
        %dma_start3A_1434 = arith.constant 0 : i32
        %dma_start3A_1435 = arith.constant 0 : i32
        %dma_start3A_1436 = tpu.memref_slice %arg6[%dma_start3A_1425, %dma_start3A_1434, %dma_start3A_1435] : memref<4x8x100xi32, #tpu.memory_space<vmem>> -> memref<1x8x100xi32, #tpu.memory_space<vmem>>
        %dma_start3A_1437 = tpu.memref_squeeze %dma_start3A_1436 : memref<1x8x100xi32, #tpu.memory_space<vmem>> -> memref<8x100xi32, #tpu.memory_space<vmem>>
        %dma_start3A_1438 = arith.constant 0 : i32
        %dma_start3A_1439 = arith.constant 0 : i32
        %dma_start3A_1440 = tpu.memref_slice %arg2[%add3A_1424, %dma_start3A_1438, %dma_start3A_1439] : memref<1024x8x100xi32, #tpu.memory_space<hbm>> -> memref<1x8x100xi32, #tpu.memory_space<hbm>>
        %dma_start3A_1441 = tpu.memref_squeeze %dma_start3A_1440 : memref<1x8x100xi32, #tpu.memory_space<hbm>> -> memref<8x100xi32, #tpu.memory_space<hbm>>
        tpu.enqueue_dma source(%dma_start3A_1441 : memref<8x100xi32, #tpu.memory_space<hbm>>) target(%dma_start3A_1437 : memref<8x100xi32, #tpu.memory_space<vmem>>) target_semaphore(%arg18 : memref<!tpu.dma_semaphore, #tpu.memory_space<semaphore_mem>>)
      } else {
      }
      %sub3A = arith.constant 3 : i32
      %sub3A_1243 = arith.subi %add3A_1237, %sub3A : i32
      %mul3A_1244 = arith.constant 32 : i32
      %mul3A_1245 = arith.muli %add3A, %mul3A_1244 : i32
      %add3A_1246 = arith.addi %mul3A_1245, %sub3A_1243 : i32
      %mul3A_1247 = arith.constant 800 : i32
      %mul3A_1248 = arith.muli %add3A_1246, %mul3A_1247 : i32
      %dma_wait3A_1249 = arith.constant 0 : i32
      %dma_wait3A_1250 = arith.constant 0 : i32
      %dma_wait3A_1251 = arith.constant 0 : i32
      %dma_wait3A_1252 = tpu.memref_slice %arg7[%dma_wait3A_1249, %dma_wait3A_1250, %dma_wait3A_1251] : memref<4x800x32xf32, #tpu.memory_space<vmem>> -> memref<1x800x32xf32, #tpu.memory_space<vmem>>
      %dma_wait3A_1253 = tpu.memref_squeeze %dma_wait3A_1252 : memref<1x800x32xf32, #tpu.memory_space<vmem>> -> memref<800x32xf32, #tpu.memory_space<vmem>>
      %dma_wait3A_1254 = arith.constant 0 : i32
      %dma_wait3A_1255 = tpu.memref_slice %arg5[%mul3A_1248, %dma_wait3A_1254] : memref<819200x32xf32, #tpu.memory_space<hbm>> -> memref<800x32xf32, #tpu.memory_space<hbm>>
      %dma_wait3A_1256 = arith.constant 0 : i32
      %dma_wait3A_1257 = tpu.memref_slice %arg5[%mul3A_1248, %dma_wait3A_1256] : memref<819200x32xf32, #tpu.memory_space<hbm>> -> memref<800x32xf32, #tpu.memory_space<hbm>>
      %dma_wait3A_1258 = arith.constant 0 : i32
      %dma_wait3A_1259 = arith.constant 0 : i32
      %dma_wait3A_1260 = tpu.memref_slice %arg7[%dma_wait3A_1249, %dma_wait3A_1258, %dma_wait3A_1259] : memref<4x800x32xf32, #tpu.memory_space<vmem>> -> memref<1x800x32xf32, #tpu.memory_space<vmem>>
      %dma_wait3A_1261 = tpu.memref_squeeze %dma_wait3A_1260 : memref<1x800x32xf32, #tpu.memory_space<vmem>> -> memref<800x32xf32, #tpu.memory_space<vmem>>
      tpu.wait_dma2 semaphore(%arg13 : memref<!tpu.dma_semaphore, #tpu.memory_space<semaphore_mem>>) src(%dma_wait3A_1261 : memref<800x32xf32, #tpu.memory_space<vmem>>) dst(%dma_wait3A_1257 : memref<800x32xf32, #tpu.memory_space<hbm>>)
      %lt3A_1262 = arith.constant 7 : i32
      %lt3A_1263 = arith.cmpi slt, %scan3A_252, %lt3A_1262 : i32
      %convert_element_type3A_1264 = arith.extui %lt3A_1263 : i1 to i32
      %cond3A_1265 = arith.constant 0 : i32
      %cond3A_1266 = arith.cmpi ne, %convert_element_type3A_1264, %cond3A_1265 : i32
      scf.if %cond3A_1266 {
        %add3A_1420 = arith.constant 1 : i32
        %add3A_1421 = arith.addi %add3A_1237, %add3A_1420 : i32
        %mul3A_1422 = arith.constant 32 : i32
        %mul3A_1423 = arith.muli %add3A, %mul3A_1422 : i32
        %add3A_1424 = arith.addi %mul3A_1423, %add3A_1421 : i32
        %dma_wait3A_1425 = arith.constant 0 : i32
        %dma_wait3A_1426 = arith.constant 0 : i32
        %dma_wait3A_1427 = arith.constant 0 : i32
        %dma_wait3A_1428 = tpu.memref_slice %arg6[%dma_wait3A_1425, %dma_wait3A_1426, %dma_wait3A_1427] : memref<4x8x100xi32, #tpu.memory_space<vmem>> -> memref<1x8x100xi32, #tpu.memory_space<vmem>>
        %dma_wait3A_1429 = tpu.memref_squeeze %dma_wait3A_1428 : memref<1x8x100xi32, #tpu.memory_space<vmem>> -> memref<8x100xi32, #tpu.memory_space<vmem>>
        %dma_wait3A_1430 = arith.constant 0 : i32
        %dma_wait3A_1431 = arith.constant 0 : i32
        %dma_wait3A_1432 = tpu.memref_slice %arg2[%add3A_1424, %dma_wait3A_1430, %dma_wait3A_1431] : memref<1024x8x100xi32, #tpu.memory_space<hbm>> -> memref<1x8x100xi32, #tpu.memory_space<hbm>>
        %dma_wait3A_1433 = tpu.memref_squeeze %dma_wait3A_1432 : memref<1x8x100xi32, #tpu.memory_space<hbm>> -> memref<8x100xi32, #tpu.memory_space<hbm>>
        %dma_wait3A_1434 = arith.constant 0 : i32
        %dma_wait3A_1435 = arith.constant 0 : i32
        %dma_wait3A_1436 = tpu.memref_slice %arg6[%dma_wait3A_1425, %dma_wait3A_1434, %dma_wait3A_1435] : memref<4x8x100xi32, #tpu.memory_space<vmem>> -> memref<1x8x100xi32, #tpu.memory_space<vmem>>
        %dma_wait3A_1437 = tpu.memref_squeeze %dma_wait3A_1436 : memref<1x8x100xi32, #tpu.memory_space<vmem>> -> memref<8x100xi32, #tpu.memory_space<vmem>>
        %dma_wait3A_1438 = arith.constant 0 : i32
        %dma_wait3A_1439 = arith.constant 0 : i32
        %dma_wait3A_1440 = tpu.memref_slice %arg2[%add3A_1424, %dma_wait3A_1438, %dma_wait3A_1439] : memref<1024x8x100xi32, #tpu.memory_space<hbm>> -> memref<1x8x100xi32, #tpu.memory_space<hbm>>
        %dma_wait3A_1441 = tpu.memref_squeeze %dma_wait3A_1440 : memref<1x8x100xi32, #tpu.memory_space<hbm>> -> memref<8x100xi32, #tpu.memory_space<hbm>>
        tpu.wait_dma2 semaphore(%arg17 : memref<!tpu.dma_semaphore, #tpu.memory_space<semaphore_mem>>) src(%dma_wait3A_1441 : memref<8x100xi32, #tpu.memory_space<hbm>>) dst(%dma_wait3A_1437 : memref<8x100xi32, #tpu.memory_space<vmem>>)
        %dma_start3A_1442 = arith.constant 0 : i32
        %dma_start3A_1443 = arith.constant 0 : i32
        %dma_start3A_1444 = arith.constant 0 : i32
        %dma_start3A_1445 = arith.constant 0 : i32
        %dma_start3A_1446 = arith.constant 0 : i32
        %dma_start3A_1447 = tpu.memref_slice %arg7[%dma_start3A_1444, %dma_start3A_1445, %dma_start3A_1446] : memref<4x800x32xf32, #tpu.memory_space<vmem>> -> memref<1x800x32xf32, #tpu.memory_space<vmem>>
        %dma_start3A_1448 = tpu.memref_squeeze %dma_start3A_1447 : memref<1x800x32xf32, #tpu.memory_space<vmem>> -> memref<800x32xf32, #tpu.memory_space<vmem>>
        %dma_start3A_1449 = arith.constant 0 : i32
        %dma_start3A_1450 = arith.constant 0 : i32
        %dma_start3A_1451 = tpu.memref_slice %dma_start3A_1448[%dma_start3A_1449, %dma_start3A_1450] : memref<800x32xf32, #tpu.memory_space<vmem>> -> memref<100x32xf32, #tpu.memory_space<vmem>>
        %dma_start3A_1452 = arith.constant 0 : i32
        %dma_start3A_1453 = tpu.memref_slice %arg6[%dma_start3A_1442, %dma_start3A_1443, %dma_start3A_1452] : memref<4x8x100xi32, #tpu.memory_space<vmem>> -> memref<1x1x100xi32, #tpu.memory_space<vmem>>
        %dma_start3A_1454 = tpu.memref_squeeze %dma_start3A_1453 : memref<1x1x100xi32, #tpu.memory_space<vmem>> -> memref<100xi32, #tpu.memory_space<vmem>>
        %dma_start3A_1455 = arith.constant 0 : i32
        %dma_start3A_1456 = arith.constant 0 : i32
        %dma_start3A_1457 = tpu.memref_slice %arg3[%dma_start3A_1455, %dma_start3A_1456] : memref<1000000x32xf32, #tpu.memory_space<hbm>> -> memref<1000000x32xf32, #tpu.memory_space<hbm>>
        tpu.enqueue_indirect_dma source(%dma_start3A_1457 : memref<1000000x32xf32, #tpu.memory_space<hbm>>) target(%dma_start3A_1451 : memref<100x32xf32, #tpu.memory_space<vmem>>) offsets(%dma_start3A_1454 : memref<100xi32, #tpu.memory_space<vmem>>) semaphore(%arg9 : memref<!tpu.dma_semaphore, #tpu.memory_space<semaphore_mem>>)
        %dma_start3A_1458 = arith.constant 0 : i32
        %dma_start3A_1459 = arith.constant 1 : i32
        %dma_start3A_1460 = arith.constant 0 : i32
        %dma_start3A_1461 = arith.constant 0 : i32
        %dma_start3A_1462 = arith.constant 0 : i32
        %dma_start3A_1463 = tpu.memref_slice %arg7[%dma_start3A_1460, %dma_start3A_1461, %dma_start3A_1462] : memref<4x800x32xf32, #tpu.memory_space<vmem>> -> memref<1x800x32xf32, #tpu.memory_space<vmem>>
        %dma_start3A_1464 = tpu.memref_squeeze %dma_start3A_1463 : memref<1x800x32xf32, #tpu.memory_space<vmem>> -> memref<800x32xf32, #tpu.memory_space<vmem>>
        %dma_start3A_1465 = arith.constant 100 : i32
        %dma_start3A_1466 = arith.constant 0 : i32
        %dma_start3A_1467 = tpu.memref_slice %dma_start3A_1464[%dma_start3A_1465, %dma_start3A_1466] : memref<800x32xf32, #tpu.memory_space<vmem>> -> memref<100x32xf32, #tpu.memory_space<vmem>>
        %dma_start3A_1468 = arith.constant 0 : i32
        %dma_start3A_1469 = tpu.memref_slice %arg6[%dma_start3A_1458, %dma_start3A_1459, %dma_start3A_1468] : memref<4x8x100xi32, #tpu.memory_space<vmem>> -> memref<1x1x100xi32, #tpu.memory_space<vmem>>
        %dma_start3A_1470 = tpu.memref_squeeze %dma_start3A_1469 : memref<1x1x100xi32, #tpu.memory_space<vmem>> -> memref<100xi32, #tpu.memory_space<vmem>>
        %dma_start3A_1471 = arith.constant 0 : i32
        %dma_start3A_1472 = arith.constant 0 : i32
        %dma_start3A_1473 = tpu.memref_slice %arg3[%dma_start3A_1471, %dma_start3A_1472] : memref<1000000x32xf32, #tpu.memory_space<hbm>> -> memref<1000000x32xf32, #tpu.memory_space<hbm>>
        tpu.enqueue_indirect_dma source(%dma_start3A_1473 : memref<1000000x32xf32, #tpu.memory_space<hbm>>) target(%dma_start3A_1467 : memref<100x32xf32, #tpu.memory_space<vmem>>) offsets(%dma_start3A_1470 : memref<100xi32, #tpu.memory_space<vmem>>) semaphore(%arg9 : memref<!tpu.dma_semaphore, #tpu.memory_space<semaphore_mem>>)
        %dma_start3A_1474 = arith.constant 0 : i32
        %dma_start3A_1475 = arith.constant 2 : i32
        %dma_start3A_1476 = arith.constant 0 : i32
        %dma_start3A_1477 = arith.constant 0 : i32
        %dma_start3A_1478 = arith.constant 0 : i32
        %dma_start3A_1479 = tpu.memref_slice %arg7[%dma_start3A_1476, %dma_start3A_1477, %dma_start3A_1478] : memref<4x800x32xf32, #tpu.memory_space<vmem>> -> memref<1x800x32xf32, #tpu.memory_space<vmem>>
        %dma_start3A_1480 = tpu.memref_squeeze %dma_start3A_1479 : memref<1x800x32xf32, #tpu.memory_space<vmem>> -> memref<800x32xf32, #tpu.memory_space<vmem>>
        %dma_start3A_1481 = arith.constant 200 : i32
        %dma_start3A_1482 = arith.constant 0 : i32
        %dma_start3A_1483 = tpu.memref_slice %dma_start3A_1480[%dma_start3A_1481, %dma_start3A_1482] : memref<800x32xf32, #tpu.memory_space<vmem>> -> memref<100x32xf32, #tpu.memory_space<vmem>>
        %dma_start3A_1484 = arith.constant 0 : i32
        %dma_start3A_1485 = tpu.memref_slice %arg6[%dma_start3A_1474, %dma_start3A_1475, %dma_start3A_1484] : memref<4x8x100xi32, #tpu.memory_space<vmem>> -> memref<1x1x100xi32, #tpu.memory_space<vmem>>
        %dma_start3A_1486 = tpu.memref_squeeze %dma_start3A_1485 : memref<1x1x100xi32, #tpu.memory_space<vmem>> -> memref<100xi32, #tpu.memory_space<vmem>>
        %dma_start3A_1487 = arith.constant 0 : i32
        %dma_start3A_1488 = arith.constant 0 : i32
        %dma_start3A_1489 = tpu.memref_slice %arg3[%dma_start3A_1487, %dma_start3A_1488] : memref<1000000x32xf32, #tpu.memory_space<hbm>> -> memref<1000000x32xf32, #tpu.memory_space<hbm>>
        tpu.enqueue_indirect_dma source(%dma_start3A_1489 : memref<1000000x32xf32, #tpu.memory_space<hbm>>) target(%dma_start3A_1483 : memref<100x32xf32, #tpu.memory_space<vmem>>) offsets(%dma_start3A_1486 : memref<100xi32, #tpu.memory_space<vmem>>) semaphore(%arg9 : memref<!tpu.dma_semaphore, #tpu.memory_space<semaphore_mem>>)
        %dma_start3A_1490 = arith.constant 0 : i32
        %dma_start3A_1491 = arith.constant 3 : i32
        %dma_start3A_1492 = arith.constant 0 : i32
        %dma_start3A_1493 = arith.constant 0 : i32
        %dma_start3A_1494 = arith.constant 0 : i32
        %dma_start3A_1495 = tpu.memref_slice %arg7[%dma_start3A_1492, %dma_start3A_1493, %dma_start3A_1494] : memref<4x800x32xf32, #tpu.memory_space<vmem>> -> memref<1x800x32xf32, #tpu.memory_space<vmem>>
        %dma_start3A_1496 = tpu.memref_squeeze %dma_start3A_1495 : memref<1x800x32xf32, #tpu.memory_space<vmem>> -> memref<800x32xf32, #tpu.memory_space<vmem>>
        %dma_start3A_1497 = arith.constant 300 : i32
        %dma_start3A_1498 = arith.constant 0 : i32
        %dma_start3A_1499 = tpu.memref_slice %dma_start3A_1496[%dma_start3A_1497, %dma_start3A_1498] : memref<800x32xf32, #tpu.memory_space<vmem>> -> memref<100x32xf32, #tpu.memory_space<vmem>>
        %dma_start3A_1500 = arith.constant 0 : i32
        %dma_start3A_1501 = tpu.memref_slice %arg6[%dma_start3A_1490, %dma_start3A_1491, %dma_start3A_1500] : memref<4x8x100xi32, #tpu.memory_space<vmem>> -> memref<1x1x100xi32, #tpu.memory_space<vmem>>
        %dma_start3A_1502 = tpu.memref_squeeze %dma_start3A_1501 : memref<1x1x100xi32, #tpu.memory_space<vmem>> -> memref<100xi32, #tpu.memory_space<vmem>>
        %dma_start3A_1503 = arith.constant 0 : i32
        %dma_start3A_1504 = arith.constant 0 : i32
        %dma_start3A_1505 = tpu.memref_slice %arg3[%dma_start3A_1503, %dma_start3A_1504] : memref<1000000x32xf32, #tpu.memory_space<hbm>> -> memref<1000000x32xf32, #tpu.memory_space<hbm>>
        tpu.enqueue_indirect_dma source(%dma_start3A_1505 : memref<1000000x32xf32, #tpu.memory_space<hbm>>) target(%dma_start3A_1499 : memref<100x32xf32, #tpu.memory_space<vmem>>) offsets(%dma_start3A_1502 : memref<100xi32, #tpu.memory_space<vmem>>) semaphore(%arg9 : memref<!tpu.dma_semaphore, #tpu.memory_space<semaphore_mem>>)
        %dma_start3A_1506 = arith.constant 0 : i32
        %dma_start3A_1507 = arith.constant 4 : i32
        %dma_start3A_1508 = arith.constant 0 : i32
        %dma_start3A_1509 = arith.constant 0 : i32
        %dma_start3A_1510 = arith.constant 0 : i32
        %dma_start3A_1511 = tpu.memref_slice %arg7[%dma_start3A_1508, %dma_start3A_1509, %dma_start3A_1510] : memref<4x800x32xf32, #tpu.memory_space<vmem>> -> memref<1x800x32xf32, #tpu.memory_space<vmem>>
        %dma_start3A_1512 = tpu.memref_squeeze %dma_start3A_1511 : memref<1x800x32xf32, #tpu.memory_space<vmem>> -> memref<800x32xf32, #tpu.memory_space<vmem>>
        %dma_start3A_1513 = arith.constant 400 : i32
        %dma_start3A_1514 = arith.constant 0 : i32
        %dma_start3A_1515 = tpu.memref_slice %dma_start3A_1512[%dma_start3A_1513, %dma_start3A_1514] : memref<800x32xf32, #tpu.memory_space<vmem>> -> memref<100x32xf32, #tpu.memory_space<vmem>>
        %dma_start3A_1516 = arith.constant 0 : i32
        %dma_start3A_1517 = tpu.memref_slice %arg6[%dma_start3A_1506, %dma_start3A_1507, %dma_start3A_1516] : memref<4x8x100xi32, #tpu.memory_space<vmem>> -> memref<1x1x100xi32, #tpu.memory_space<vmem>>
        %dma_start3A_1518 = tpu.memref_squeeze %dma_start3A_1517 : memref<1x1x100xi32, #tpu.memory_space<vmem>> -> memref<100xi32, #tpu.memory_space<vmem>>
        %dma_start3A_1519 = arith.constant 0 : i32
        %dma_start3A_1520 = arith.constant 0 : i32
        %dma_start3A_1521 = tpu.memref_slice %arg3[%dma_start3A_1519, %dma_start3A_1520] : memref<1000000x32xf32, #tpu.memory_space<hbm>> -> memref<1000000x32xf32, #tpu.memory_space<hbm>>
        tpu.enqueue_indirect_dma source(%dma_start3A_1521 : memref<1000000x32xf32, #tpu.memory_space<hbm>>) target(%dma_start3A_1515 : memref<100x32xf32, #tpu.memory_space<vmem>>) offsets(%dma_start3A_1518 : memref<100xi32, #tpu.memory_space<vmem>>) semaphore(%arg9 : memref<!tpu.dma_semaphore, #tpu.memory_space<semaphore_mem>>)
        %dma_start3A_1522 = arith.constant 0 : i32
        %dma_start3A_1523 = arith.constant 5 : i32
        %dma_start3A_1524 = arith.constant 0 : i32
        %dma_start3A_1525 = arith.constant 0 : i32
        %dma_start3A_1526 = arith.constant 0 : i32
        %dma_start3A_1527 = tpu.memref_slice %arg7[%dma_start3A_1524, %dma_start3A_1525, %dma_start3A_1526] : memref<4x800x32xf32, #tpu.memory_space<vmem>> -> memref<1x800x32xf32, #tpu.memory_space<vmem>>
        %dma_start3A_1528 = tpu.memref_squeeze %dma_start3A_1527 : memref<1x800x32xf32, #tpu.memory_space<vmem>> -> memref<800x32xf32, #tpu.memory_space<vmem>>
        %dma_start3A_1529 = arith.constant 500 : i32
        %dma_start3A_1530 = arith.constant 0 : i32
        %dma_start3A_1531 = tpu.memref_slice %dma_start3A_1528[%dma_start3A_1529, %dma_start3A_1530] : memref<800x32xf32, #tpu.memory_space<vmem>> -> memref<100x32xf32, #tpu.memory_space<vmem>>
        %dma_start3A_1532 = arith.constant 0 : i32
        %dma_start3A_1533 = tpu.memref_slice %arg6[%dma_start3A_1522, %dma_start3A_1523, %dma_start3A_1532] : memref<4x8x100xi32, #tpu.memory_space<vmem>> -> memref<1x1x100xi32, #tpu.memory_space<vmem>>
        %dma_start3A_1534 = tpu.memref_squeeze %dma_start3A_1533 : memref<1x1x100xi32, #tpu.memory_space<vmem>> -> memref<100xi32, #tpu.memory_space<vmem>>
        %dma_start3A_1535 = arith.constant 0 : i32
        %dma_start3A_1536 = arith.constant 0 : i32
        %dma_start3A_1537 = tpu.memref_slice %arg3[%dma_start3A_1535, %dma_start3A_1536] : memref<1000000x32xf32, #tpu.memory_space<hbm>> -> memref<1000000x32xf32, #tpu.memory_space<hbm>>
        tpu.enqueue_indirect_dma source(%dma_start3A_1537 : memref<1000000x32xf32, #tpu.memory_space<hbm>>) target(%dma_start3A_1531 : memref<100x32xf32, #tpu.memory_space<vmem>>) offsets(%dma_start3A_1534 : memref<100xi32, #tpu.memory_space<vmem>>) semaphore(%arg9 : memref<!tpu.dma_semaphore, #tpu.memory_space<semaphore_mem>>)
        %dma_start3A_1538 = arith.constant 0 : i32
        %dma_start3A_1539 = arith.constant 6 : i32
        %dma_start3A_1540 = arith.constant 0 : i32
        %dma_start3A_1541 = arith.constant 0 : i32
        %dma_start3A_1542 = arith.constant 0 : i32
        %dma_start3A_1543 = tpu.memref_slice %arg7[%dma_start3A_1540, %dma_start3A_1541, %dma_start3A_1542] : memref<4x800x32xf32, #tpu.memory_space<vmem>> -> memref<1x800x32xf32, #tpu.memory_space<vmem>>
        %dma_start3A_1544 = tpu.memref_squeeze %dma_start3A_1543 : memref<1x800x32xf32, #tpu.memory_space<vmem>> -> memref<800x32xf32, #tpu.memory_space<vmem>>
        %dma_start3A_1545 = arith.constant 600 : i32
        %dma_start3A_1546 = arith.constant 0 : i32
        %dma_start3A_1547 = tpu.memref_slice %dma_start3A_1544[%dma_start3A_1545, %dma_start3A_1546] : memref<800x32xf32, #tpu.memory_space<vmem>> -> memref<100x32xf32, #tpu.memory_space<vmem>>
        %dma_start3A_1548 = arith.constant 0 : i32
        %dma_start3A_1549 = tpu.memref_slice %arg6[%dma_start3A_1538, %dma_start3A_1539, %dma_start3A_1548] : memref<4x8x100xi32, #tpu.memory_space<vmem>> -> memref<1x1x100xi32, #tpu.memory_space<vmem>>
        %dma_start3A_1550 = tpu.memref_squeeze %dma_start3A_1549 : memref<1x1x100xi32, #tpu.memory_space<vmem>> -> memref<100xi32, #tpu.memory_space<vmem>>
        %dma_start3A_1551 = arith.constant 0 : i32
        %dma_start3A_1552 = arith.constant 0 : i32
        %dma_start3A_1553 = tpu.memref_slice %arg3[%dma_start3A_1551, %dma_start3A_1552] : memref<1000000x32xf32, #tpu.memory_space<hbm>> -> memref<1000000x32xf32, #tpu.memory_space<hbm>>
        tpu.enqueue_indirect_dma source(%dma_start3A_1553 : memref<1000000x32xf32, #tpu.memory_space<hbm>>) target(%dma_start3A_1547 : memref<100x32xf32, #tpu.memory_space<vmem>>) offsets(%dma_start3A_1550 : memref<100xi32, #tpu.memory_space<vmem>>) semaphore(%arg9 : memref<!tpu.dma_semaphore, #tpu.memory_space<semaphore_mem>>)
        %dma_start3A_1554 = arith.constant 0 : i32
        %dma_start3A_1555 = arith.constant 7 : i32
        %dma_start3A_1556 = arith.constant 0 : i32
        %dma_start3A_1557 = arith.constant 0 : i32
        %dma_start3A_1558 = arith.constant 0 : i32
        %dma_start3A_1559 = tpu.memref_slice %arg7[%dma_start3A_1556, %dma_start3A_1557, %dma_start3A_1558] : memref<4x800x32xf32, #tpu.memory_space<vmem>> -> memref<1x800x32xf32, #tpu.memory_space<vmem>>
        %dma_start3A_1560 = tpu.memref_squeeze %dma_start3A_1559 : memref<1x800x32xf32, #tpu.memory_space<vmem>> -> memref<800x32xf32, #tpu.memory_space<vmem>>
        %dma_start3A_1561 = arith.constant 700 : i32
        %dma_start3A_1562 = arith.constant 0 : i32
        %dma_start3A_1563 = tpu.memref_slice %dma_start3A_1560[%dma_start3A_1561, %dma_start3A_1562] : memref<800x32xf32, #tpu.memory_space<vmem>> -> memref<100x32xf32, #tpu.memory_space<vmem>>
        %dma_start3A_1564 = arith.constant 0 : i32
        %dma_start3A_1565 = tpu.memref_slice %arg6[%dma_start3A_1554, %dma_start3A_1555, %dma_start3A_1564] : memref<4x8x100xi32, #tpu.memory_space<vmem>> -> memref<1x1x100xi32, #tpu.memory_space<vmem>>
        %dma_start3A_1566 = tpu.memref_squeeze %dma_start3A_1565 : memref<1x1x100xi32, #tpu.memory_space<vmem>> -> memref<100xi32, #tpu.memory_space<vmem>>
        %dma_start3A_1567 = arith.constant 0 : i32
        %dma_start3A_1568 = arith.constant 0 : i32
        %dma_start3A_1569 = tpu.memref_slice %arg3[%dma_start3A_1567, %dma_start3A_1568] : memref<1000000x32xf32, #tpu.memory_space<hbm>> -> memref<1000000x32xf32, #tpu.memory_space<hbm>>
        tpu.enqueue_indirect_dma source(%dma_start3A_1569 : memref<1000000x32xf32, #tpu.memory_space<hbm>>) target(%dma_start3A_1563 : memref<100x32xf32, #tpu.memory_space<vmem>>) offsets(%dma_start3A_1566 : memref<100xi32, #tpu.memory_space<vmem>>) semaphore(%arg9 : memref<!tpu.dma_semaphore, #tpu.memory_space<semaphore_mem>>)
      } else {
      }
      %dma_wait3A_1267 = arith.constant 3 : i32
      %dma_wait3A_1268 = arith.constant 0 : i32
      %dma_wait3A_1269 = arith.constant 3 : i32
      %dma_wait3A_1270 = arith.constant 0 : i32
      %dma_wait3A_1271 = arith.constant 0 : i32
      %dma_wait3A_1272 = tpu.memref_slice %arg7[%dma_wait3A_1269, %dma_wait3A_1270, %dma_wait3A_1271] : memref<4x800x32xf32, #tpu.memory_space<vmem>> -> memref<1x800x32xf32, #tpu.memory_space<vmem>>
      %dma_wait3A_1273 = tpu.memref_squeeze %dma_wait3A_1272 : memref<1x800x32xf32, #tpu.memory_space<vmem>> -> memref<800x32xf32, #tpu.memory_space<vmem>>
      %dma_wait3A_1274 = arith.constant 0 : i32
      %dma_wait3A_1275 = arith.constant 0 : i32
      %dma_wait3A_1276 = tpu.memref_slice %dma_wait3A_1273[%dma_wait3A_1274, %dma_wait3A_1275] : memref<800x32xf32, #tpu.memory_space<vmem>> -> memref<100x32xf32, #tpu.memory_space<vmem>>
      %dma_wait3A_1277 = arith.constant 0 : i32
      %dma_wait3A_1278 = tpu.memref_slice %arg6[%dma_wait3A_1267, %dma_wait3A_1268, %dma_wait3A_1277] : memref<4x8x100xi32, #tpu.memory_space<vmem>> -> memref<1x1x100xi32, #tpu.memory_space<vmem>>
      %dma_wait3A_1279 = tpu.memref_squeeze %dma_wait3A_1278 : memref<1x1x100xi32, #tpu.memory_space<vmem>> -> memref<100xi32, #tpu.memory_space<vmem>>
      %dma_wait3A_1280 = arith.constant 0 : i32
      %dma_wait3A_1281 = arith.constant 0 : i32
      %dma_wait3A_1282 = tpu.memref_slice %arg3[%dma_wait3A_1280, %dma_wait3A_1281] : memref<1000000x32xf32, #tpu.memory_space<hbm>> -> memref<1000000x32xf32, #tpu.memory_space<hbm>>
      tpu.wait_indirect_dma semaphore(%arg12 : memref<!tpu.dma_semaphore, #tpu.memory_space<semaphore_mem>>) src(%dma_wait3A_1282 : memref<1000000x32xf32, #tpu.memory_space<hbm>>) dst(%dma_wait3A_1276 : memref<100x32xf32, #tpu.memory_space<vmem>>)
      %dma_wait3A_1283 = arith.constant 3 : i32
      %dma_wait3A_1284 = arith.constant 1 : i32
      %dma_wait3A_1285 = arith.constant 3 : i32
      %dma_wait3A_1286 = arith.constant 0 : i32
      %dma_wait3A_1287 = arith.constant 0 : i32
      %dma_wait3A_1288 = tpu.memref_slice %arg7[%dma_wait3A_1285, %dma_wait3A_1286, %dma_wait3A_1287] : memref<4x800x32xf32, #tpu.memory_space<vmem>> -> memref<1x800x32xf32, #tpu.memory_space<vmem>>
      %dma_wait3A_1289 = tpu.memref_squeeze %dma_wait3A_1288 : memref<1x800x32xf32, #tpu.memory_space<vmem>> -> memref<800x32xf32, #tpu.memory_space<vmem>>
      %dma_wait3A_1290 = arith.constant 100 : i32
      %dma_wait3A_1291 = arith.constant 0 : i32
      %dma_wait3A_1292 = tpu.memref_slice %dma_wait3A_1289[%dma_wait3A_1290, %dma_wait3A_1291] : memref<800x32xf32, #tpu.memory_space<vmem>> -> memref<100x32xf32, #tpu.memory_space<vmem>>
      %dma_wait3A_1293 = arith.constant 0 : i32
      %dma_wait3A_1294 = tpu.memref_slice %arg6[%dma_wait3A_1283, %dma_wait3A_1284, %dma_wait3A_1293] : memref<4x8x100xi32, #tpu.memory_space<vmem>> -> memref<1x1x100xi32, #tpu.memory_space<vmem>>
      %dma_wait3A_1295 = tpu.memref_squeeze %dma_wait3A_1294 : memref<1x1x100xi32, #tpu.memory_space<vmem>> -> memref<100xi32, #tpu.memory_space<vmem>>
      %dma_wait3A_1296 = arith.constant 0 : i32
      %dma_wait3A_1297 = arith.constant 0 : i32
      %dma_wait3A_1298 = tpu.memref_slice %arg3[%dma_wait3A_1296, %dma_wait3A_1297] : memref<1000000x32xf32, #tpu.memory_space<hbm>> -> memref<1000000x32xf32, #tpu.memory_space<hbm>>
      tpu.wait_indirect_dma semaphore(%arg12 : memref<!tpu.dma_semaphore, #tpu.memory_space<semaphore_mem>>) src(%dma_wait3A_1298 : memref<1000000x32xf32, #tpu.memory_space<hbm>>) dst(%dma_wait3A_1292 : memref<100x32xf32, #tpu.memory_space<vmem>>)
      %dma_wait3A_1299 = arith.constant 3 : i32
      %dma_wait3A_1300 = arith.constant 2 : i32
      %dma_wait3A_1301 = arith.constant 3 : i32
      %dma_wait3A_1302 = arith.constant 0 : i32
      %dma_wait3A_1303 = arith.constant 0 : i32
      %dma_wait3A_1304 = tpu.memref_slice %arg7[%dma_wait3A_1301, %dma_wait3A_1302, %dma_wait3A_1303] : memref<4x800x32xf32, #tpu.memory_space<vmem>> -> memref<1x800x32xf32, #tpu.memory_space<vmem>>
      %dma_wait3A_1305 = tpu.memref_squeeze %dma_wait3A_1304 : memref<1x800x32xf32, #tpu.memory_space<vmem>> -> memref<800x32xf32, #tpu.memory_space<vmem>>
      %dma_wait3A_1306 = arith.constant 200 : i32
      %dma_wait3A_1307 = arith.constant 0 : i32
      %dma_wait3A_1308 = tpu.memref_slice %dma_wait3A_1305[%dma_wait3A_1306, %dma_wait3A_1307] : memref<800x32xf32, #tpu.memory_space<vmem>> -> memref<100x32xf32, #tpu.memory_space<vmem>>
      %dma_wait3A_1309 = arith.constant 0 : i32
      %dma_wait3A_1310 = tpu.memref_slice %arg6[%dma_wait3A_1299, %dma_wait3A_1300, %dma_wait3A_1309] : memref<4x8x100xi32, #tpu.memory_space<vmem>> -> memref<1x1x100xi32, #tpu.memory_space<vmem>>
      %dma_wait3A_1311 = tpu.memref_squeeze %dma_wait3A_1310 : memref<1x1x100xi32, #tpu.memory_space<vmem>> -> memref<100xi32, #tpu.memory_space<vmem>>
      %dma_wait3A_1312 = arith.constant 0 : i32
      %dma_wait3A_1313 = arith.constant 0 : i32
      %dma_wait3A_1314 = tpu.memref_slice %arg3[%dma_wait3A_1312, %dma_wait3A_1313] : memref<1000000x32xf32, #tpu.memory_space<hbm>> -> memref<1000000x32xf32, #tpu.memory_space<hbm>>
      tpu.wait_indirect_dma semaphore(%arg12 : memref<!tpu.dma_semaphore, #tpu.memory_space<semaphore_mem>>) src(%dma_wait3A_1314 : memref<1000000x32xf32, #tpu.memory_space<hbm>>) dst(%dma_wait3A_1308 : memref<100x32xf32, #tpu.memory_space<vmem>>)
      %dma_wait3A_1315 = arith.constant 3 : i32
      %dma_wait3A_1316 = arith.constant 3 : i32
      %dma_wait3A_1317 = arith.constant 3 : i32
      %dma_wait3A_1318 = arith.constant 0 : i32
      %dma_wait3A_1319 = arith.constant 0 : i32
      %dma_wait3A_1320 = tpu.memref_slice %arg7[%dma_wait3A_1317, %dma_wait3A_1318, %dma_wait3A_1319] : memref<4x800x32xf32, #tpu.memory_space<vmem>> -> memref<1x800x32xf32, #tpu.memory_space<vmem>>
      %dma_wait3A_1321 = tpu.memref_squeeze %dma_wait3A_1320 : memref<1x800x32xf32, #tpu.memory_space<vmem>> -> memref<800x32xf32, #tpu.memory_space<vmem>>
      %dma_wait3A_1322 = arith.constant 300 : i32
      %dma_wait3A_1323 = arith.constant 0 : i32
      %dma_wait3A_1324 = tpu.memref_slice %dma_wait3A_1321[%dma_wait3A_1322, %dma_wait3A_1323] : memref<800x32xf32, #tpu.memory_space<vmem>> -> memref<100x32xf32, #tpu.memory_space<vmem>>
      %dma_wait3A_1325 = arith.constant 0 : i32
      %dma_wait3A_1326 = tpu.memref_slice %arg6[%dma_wait3A_1315, %dma_wait3A_1316, %dma_wait3A_1325] : memref<4x8x100xi32, #tpu.memory_space<vmem>> -> memref<1x1x100xi32, #tpu.memory_space<vmem>>
      %dma_wait3A_1327 = tpu.memref_squeeze %dma_wait3A_1326 : memref<1x1x100xi32, #tpu.memory_space<vmem>> -> memref<100xi32, #tpu.memory_space<vmem>>
      %dma_wait3A_1328 = arith.constant 0 : i32
      %dma_wait3A_1329 = arith.constant 0 : i32
      %dma_wait3A_1330 = tpu.memref_slice %arg3[%dma_wait3A_1328, %dma_wait3A_1329] : memref<1000000x32xf32, #tpu.memory_space<hbm>> -> memref<1000000x32xf32, #tpu.memory_space<hbm>>
      tpu.wait_indirect_dma semaphore(%arg12 : memref<!tpu.dma_semaphore, #tpu.memory_space<semaphore_mem>>) src(%dma_wait3A_1330 : memref<1000000x32xf32, #tpu.memory_space<hbm>>) dst(%dma_wait3A_1324 : memref<100x32xf32, #tpu.memory_space<vmem>>)
      %dma_wait3A_1331 = arith.constant 3 : i32
      %dma_wait3A_1332 = arith.constant 4 : i32
      %dma_wait3A_1333 = arith.constant 3 : i32
      %dma_wait3A_1334 = arith.constant 0 : i32
      %dma_wait3A_1335 = arith.constant 0 : i32
      %dma_wait3A_1336 = tpu.memref_slice %arg7[%dma_wait3A_1333, %dma_wait3A_1334, %dma_wait3A_1335] : memref<4x800x32xf32, #tpu.memory_space<vmem>> -> memref<1x800x32xf32, #tpu.memory_space<vmem>>
      %dma_wait3A_1337 = tpu.memref_squeeze %dma_wait3A_1336 : memref<1x800x32xf32, #tpu.memory_space<vmem>> -> memref<800x32xf32, #tpu.memory_space<vmem>>
      %dma_wait3A_1338 = arith.constant 400 : i32
      %dma_wait3A_1339 = arith.constant 0 : i32
      %dma_wait3A_1340 = tpu.memref_slice %dma_wait3A_1337[%dma_wait3A_1338, %dma_wait3A_1339] : memref<800x32xf32, #tpu.memory_space<vmem>> -> memref<100x32xf32, #tpu.memory_space<vmem>>
      %dma_wait3A_1341 = arith.constant 0 : i32
      %dma_wait3A_1342 = tpu.memref_slice %arg6[%dma_wait3A_1331, %dma_wait3A_1332, %dma_wait3A_1341] : memref<4x8x100xi32, #tpu.memory_space<vmem>> -> memref<1x1x100xi32, #tpu.memory_space<vmem>>
      %dma_wait3A_1343 = tpu.memref_squeeze %dma_wait3A_1342 : memref<1x1x100xi32, #tpu.memory_space<vmem>> -> memref<100xi32, #tpu.memory_space<vmem>>
      %dma_wait3A_1344 = arith.constant 0 : i32
      %dma_wait3A_1345 = arith.constant 0 : i32
      %dma_wait3A_1346 = tpu.memref_slice %arg3[%dma_wait3A_1344, %dma_wait3A_1345] : memref<1000000x32xf32, #tpu.memory_space<hbm>> -> memref<1000000x32xf32, #tpu.memory_space<hbm>>
      tpu.wait_indirect_dma semaphore(%arg12 : memref<!tpu.dma_semaphore, #tpu.memory_space<semaphore_mem>>) src(%dma_wait3A_1346 : memref<1000000x32xf32, #tpu.memory_space<hbm>>) dst(%dma_wait3A_1340 : memref<100x32xf32, #tpu.memory_space<vmem>>)
      %dma_wait3A_1347 = arith.constant 3 : i32
      %dma_wait3A_1348 = arith.constant 5 : i32
      %dma_wait3A_1349 = arith.constant 3 : i32
      %dma_wait3A_1350 = arith.constant 0 : i32
      %dma_wait3A_1351 = arith.constant 0 : i32
      %dma_wait3A_1352 = tpu.memref_slice %arg7[%dma_wait3A_1349, %dma_wait3A_1350, %dma_wait3A_1351] : memref<4x800x32xf32, #tpu.memory_space<vmem>> -> memref<1x800x32xf32, #tpu.memory_space<vmem>>
      %dma_wait3A_1353 = tpu.memref_squeeze %dma_wait3A_1352 : memref<1x800x32xf32, #tpu.memory_space<vmem>> -> memref<800x32xf32, #tpu.memory_space<vmem>>
      %dma_wait3A_1354 = arith.constant 500 : i32
      %dma_wait3A_1355 = arith.constant 0 : i32
      %dma_wait3A_1356 = tpu.memref_slice %dma_wait3A_1353[%dma_wait3A_1354, %dma_wait3A_1355] : memref<800x32xf32, #tpu.memory_space<vmem>> -> memref<100x32xf32, #tpu.memory_space<vmem>>
      %dma_wait3A_1357 = arith.constant 0 : i32
      %dma_wait3A_1358 = tpu.memref_slice %arg6[%dma_wait3A_1347, %dma_wait3A_1348, %dma_wait3A_1357] : memref<4x8x100xi32, #tpu.memory_space<vmem>> -> memref<1x1x100xi32, #tpu.memory_space<vmem>>
      %dma_wait3A_1359 = tpu.memref_squeeze %dma_wait3A_1358 : memref<1x1x100xi32, #tpu.memory_space<vmem>> -> memref<100xi32, #tpu.memory_space<vmem>>
      %dma_wait3A_1360 = arith.constant 0 : i32
      %dma_wait3A_1361 = arith.constant 0 : i32
      %dma_wait3A_1362 = tpu.memref_slice %arg3[%dma_wait3A_1360, %dma_wait3A_1361] : memref<1000000x32xf32, #tpu.memory_space<hbm>> -> memref<1000000x32xf32, #tpu.memory_space<hbm>>
      tpu.wait_indirect_dma semaphore(%arg12 : memref<!tpu.dma_semaphore, #tpu.memory_space<semaphore_mem>>) src(%dma_wait3A_1362 : memref<1000000x32xf32, #tpu.memory_space<hbm>>) dst(%dma_wait3A_1356 : memref<100x32xf32, #tpu.memory_space<vmem>>)
      %dma_wait3A_1363 = arith.constant 3 : i32
      %dma_wait3A_1364 = arith.constant 6 : i32
      %dma_wait3A_1365 = arith.constant 3 : i32
      %dma_wait3A_1366 = arith.constant 0 : i32
      %dma_wait3A_1367 = arith.constant 0 : i32
      %dma_wait3A_1368 = tpu.memref_slice %arg7[%dma_wait3A_1365, %dma_wait3A_1366, %dma_wait3A_1367] : memref<4x800x32xf32, #tpu.memory_space<vmem>> -> memref<1x800x32xf32, #tpu.memory_space<vmem>>
      %dma_wait3A_1369 = tpu.memref_squeeze %dma_wait3A_1368 : memref<1x800x32xf32, #tpu.memory_space<vmem>> -> memref<800x32xf32, #tpu.memory_space<vmem>>
      %dma_wait3A_1370 = arith.constant 600 : i32
      %dma_wait3A_1371 = arith.constant 0 : i32
      %dma_wait3A_1372 = tpu.memref_slice %dma_wait3A_1369[%dma_wait3A_1370, %dma_wait3A_1371] : memref<800x32xf32, #tpu.memory_space<vmem>> -> memref<100x32xf32, #tpu.memory_space<vmem>>
      %dma_wait3A_1373 = arith.constant 0 : i32
      %dma_wait3A_1374 = tpu.memref_slice %arg6[%dma_wait3A_1363, %dma_wait3A_1364, %dma_wait3A_1373] : memref<4x8x100xi32, #tpu.memory_space<vmem>> -> memref<1x1x100xi32, #tpu.memory_space<vmem>>
      %dma_wait3A_1375 = tpu.memref_squeeze %dma_wait3A_1374 : memref<1x1x100xi32, #tpu.memory_space<vmem>> -> memref<100xi32, #tpu.memory_space<vmem>>
      %dma_wait3A_1376 = arith.constant 0 : i32
      %dma_wait3A_1377 = arith.constant 0 : i32
      %dma_wait3A_1378 = tpu.memref_slice %arg3[%dma_wait3A_1376, %dma_wait3A_1377] : memref<1000000x32xf32, #tpu.memory_space<hbm>> -> memref<1000000x32xf32, #tpu.memory_space<hbm>>
      tpu.wait_indirect_dma semaphore(%arg12 : memref<!tpu.dma_semaphore, #tpu.memory_space<semaphore_mem>>) src(%dma_wait3A_1378 : memref<1000000x32xf32, #tpu.memory_space<hbm>>) dst(%dma_wait3A_1372 : memref<100x32xf32, #tpu.memory_space<vmem>>)
      %dma_wait3A_1379 = arith.constant 3 : i32
      %dma_wait3A_1380 = arith.constant 7 : i32
      %dma_wait3A_1381 = arith.constant 3 : i32
      %dma_wait3A_1382 = arith.constant 0 : i32
      %dma_wait3A_1383 = arith.constant 0 : i32
      %dma_wait3A_1384 = tpu.memref_slice %arg7[%dma_wait3A_1381, %dma_wait3A_1382, %dma_wait3A_1383] : memref<4x800x32xf32, #tpu.memory_space<vmem>> -> memref<1x800x32xf32, #tpu.memory_space<vmem>>
      %dma_wait3A_1385 = tpu.memref_squeeze %dma_wait3A_1384 : memref<1x800x32xf32, #tpu.memory_space<vmem>> -> memref<800x32xf32, #tpu.memory_space<vmem>>
      %dma_wait3A_1386 = arith.constant 700 : i32
      %dma_wait3A_1387 = arith.constant 0 : i32
      %dma_wait3A_1388 = tpu.memref_slice %dma_wait3A_1385[%dma_wait3A_1386, %dma_wait3A_1387] : memref<800x32xf32, #tpu.memory_space<vmem>> -> memref<100x32xf32, #tpu.memory_space<vmem>>
      %dma_wait3A_1389 = arith.constant 0 : i32
      %dma_wait3A_1390 = tpu.memref_slice %arg6[%dma_wait3A_1379, %dma_wait3A_1380, %dma_wait3A_1389] : memref<4x8x100xi32, #tpu.memory_space<vmem>> -> memref<1x1x100xi32, #tpu.memory_space<vmem>>
      %dma_wait3A_1391 = tpu.memref_squeeze %dma_wait3A_1390 : memref<1x1x100xi32, #tpu.memory_space<vmem>> -> memref<100xi32, #tpu.memory_space<vmem>>
      %dma_wait3A_1392 = arith.constant 0 : i32
      %dma_wait3A_1393 = arith.constant 0 : i32
      %dma_wait3A_1394 = tpu.memref_slice %arg3[%dma_wait3A_1392, %dma_wait3A_1393] : memref<1000000x32xf32, #tpu.memory_space<hbm>> -> memref<1000000x32xf32, #tpu.memory_space<hbm>>
      tpu.wait_indirect_dma semaphore(%arg12 : memref<!tpu.dma_semaphore, #tpu.memory_space<semaphore_mem>>) src(%dma_wait3A_1394 : memref<1000000x32xf32, #tpu.memory_space<hbm>>) dst(%dma_wait3A_1388 : memref<100x32xf32, #tpu.memory_space<vmem>>)
      %scan3A_1395 = arith.constant 0 : i32
      %scan3A_1396 = arith.constant 3 : i32
      %scan3A_1397 = arith.constant 0 : i32
      %scan3A_1398 = arith.constant 200 : i32
      %scan3A_1399 = arith.addi %scan3A_1397, %scan3A_1398 : i32
      %scan3A_1400 = arith.constant 1 : i32
      scf.for %scan3A_1420 = %scan3A_1397 to %scan3A_1399 step %scan3A_1400  : i32 {
        %get3A = arith.index_cast %scan3A_1420 : i32 to index
        %get3A_1421 = arith.constant 0 : index
        %get3A_1422 = tpu.vector_load %arg8[%get3A, %get3A_1421] {strides = array<i32>} : memref<200x32xf32, #tpu.memory_space<vmem>>, vector<1x16xf32>,
        %get3A_1423 = vector.shape_cast %get3A_1422 : vector<1x16xf32> to vector<16xf32>
        %get3A_1424 = arith.index_cast %scan3A_1420 : i32 to index
        %get3A_1425 = arith.constant 16 : index
        %get3A_1426 = tpu.vector_load %arg8[%get3A_1424, %get3A_1425] {strides = array<i32>} : memref<200x32xf32, #tpu.memory_space<vmem>>, vector<1x16xf32>,
        %get3A_1427 = vector.shape_cast %get3A_1426 : vector<1x16xf32> to vector<16xf32>
        %add3A_1428 = arith.constant 0 : i32
        %add3A_1429 = arith.addi %add3A_1428, %scan3A_1420 : i32
        %get3A_1430 = arith.constant 0 : i32
        %get3A_1431 = arith.constant 0 : i32
        %get3A_1432 = tpu.memref_slice %arg7[%scan3A_1396, %get3A_1430, %get3A_1431] : memref<4x800x32xf32, #tpu.memory_space<vmem>> -> memref<1x800x32xf32, #tpu.memory_space<vmem>>
        %get3A_1433 = tpu.memref_squeeze %get3A_1432 : memref<1x800x32xf32, #tpu.memory_space<vmem>> -> memref<800x32xf32, #tpu.memory_space<vmem>>
        %get3A_1434 = arith.index_cast %add3A_1429 : i32 to index
        %get3A_1435 = arith.constant 0 : index
        %get3A_1436 = tpu.vector_load %get3A_1433[%get3A_1434, %get3A_1435] {strides = array<i32>} : memref<800x32xf32, #tpu.memory_space<vmem>>, vector<1x16xf32>,
        %get3A_1437 = vector.shape_cast %get3A_1436 : vector<1x16xf32> to vector<16xf32>
        %add3A_1438 = arith.addf %get3A_1437, %get3A_1423 : vector<16xf32>
        %swap3A = arith.constant 0 : i32
        %swap3A_1439 = arith.constant 0 : i32
        %swap3A_1440 = tpu.memref_slice %arg7[%scan3A_1396, %swap3A, %swap3A_1439] : memref<4x800x32xf32, #tpu.memory_space<vmem>> -> memref<1x800x32xf32, #tpu.memory_space<vmem>>
        %swap3A_1441 = tpu.memref_squeeze %swap3A_1440 : memref<1x800x32xf32, #tpu.memory_space<vmem>> -> memref<800x32xf32, #tpu.memory_space<vmem>>
        %swap3A_1442 = arith.index_cast %add3A_1429 : i32 to index
        %swap3A_1443 = arith.constant 0 : index
        %swap3A_1444 = tpu.vector_load %swap3A_1441[%swap3A_1442, %swap3A_1443] {strides = array<i32>} : memref<800x32xf32, #tpu.memory_space<vmem>>, vector<1x16xf32>,
        %swap3A_1445 = vector.shape_cast %swap3A_1444 : vector<1x16xf32> to vector<16xf32>
        %swap3A_1446 = vector.shape_cast %add3A_1438 : vector<16xf32> to vector<1x16xf32>
        tpu.vector_store %swap3A_1441[%swap3A_1442, %swap3A_1443], %swap3A_1446 {strides = array<i32>} : memref<800x32xf32, #tpu.memory_space<vmem>>, vector<1x16xf32>,
        %get3A_1447 = arith.constant 0 : i32
        %get3A_1448 = arith.constant 0 : i32
        %get3A_1449 = tpu.memref_slice %arg7[%scan3A_1396, %get3A_1447, %get3A_1448] : memref<4x800x32xf32, #tpu.memory_space<vmem>> -> memref<1x800x32xf32, #tpu.memory_space<vmem>>
        %get3A_1450 = tpu.memref_squeeze %get3A_1449 : memref<1x800x32xf32, #tpu.memory_space<vmem>> -> memref<800x32xf32, #tpu.memory_space<vmem>>
        %get3A_1451 = arith.index_cast %add3A_1429 : i32 to index
        %get3A_1452 = arith.constant 16 : index
        %get3A_1453 = tpu.vector_load %get3A_1450[%get3A_1451, %get3A_1452] {strides = array<i32>} : memref<800x32xf32, #tpu.memory_space<vmem>>, vector<1x16xf32>,
        %get3A_1454 = vector.shape_cast %get3A_1453 : vector<1x16xf32> to vector<16xf32>
        %add3A_1455 = arith.addf %get3A_1454, %get3A_1427 : vector<16xf32>
        %swap3A_1456 = arith.constant 0 : i32
        %swap3A_1457 = arith.constant 0 : i32
        %swap3A_1458 = tpu.memref_slice %arg7[%scan3A_1396, %swap3A_1456, %swap3A_1457] : memref<4x800x32xf32, #tpu.memory_space<vmem>> -> memref<1x800x32xf32, #tpu.memory_space<vmem>>
        %swap3A_1459 = tpu.memref_squeeze %swap3A_1458 : memref<1x800x32xf32, #tpu.memory_space<vmem>> -> memref<800x32xf32, #tpu.memory_space<vmem>>
        %swap3A_1460 = arith.index_cast %add3A_1429 : i32 to index
        %swap3A_1461 = arith.constant 16 : index
        %swap3A_1462 = tpu.vector_load %swap3A_1459[%swap3A_1460, %swap3A_1461] {strides = array<i32>} : memref<800x32xf32, #tpu.memory_space<vmem>>, vector<1x16xf32>,
        %swap3A_1463 = vector.shape_cast %swap3A_1462 : vector<1x16xf32> to vector<16xf32>
        %swap3A_1464 = vector.shape_cast %add3A_1455 : vector<16xf32> to vector<1x16xf32>
        tpu.vector_store %swap3A_1459[%swap3A_1460, %swap3A_1461], %swap3A_1464 {strides = array<i32>} : memref<800x32xf32, #tpu.memory_space<vmem>>, vector<1x16xf32>,
        %add3A_1465 = arith.constant 200 : i32
        %add3A_1466 = arith.addi %add3A_1465, %scan3A_1420 : i32
        %get3A_1467 = arith.constant 0 : i32
        %get3A_1468 = arith.constant 0 : i32
        %get3A_1469 = tpu.memref_slice %arg7[%scan3A_1396, %get3A_1467, %get3A_1468] : memref<4x800x32xf32, #tpu.memory_space<vmem>> -> memref<1x800x32xf32, #tpu.memory_space<vmem>>
        %get3A_1470 = tpu.memref_squeeze %get3A_1469 : memref<1x800x32xf32, #tpu.memory_space<vmem>> -> memref<800x32xf32, #tpu.memory_space<vmem>>
        %get3A_1471 = arith.index_cast %add3A_1466 : i32 to index
        %get3A_1472 = arith.constant 0 : index
        %get3A_1473 = tpu.vector_load %get3A_1470[%get3A_1471, %get3A_1472] {strides = array<i32>} : memref<800x32xf32, #tpu.memory_space<vmem>>, vector<1x16xf32>,
        %get3A_1474 = vector.shape_cast %get3A_1473 : vector<1x16xf32> to vector<16xf32>
        %add3A_1475 = arith.addf %get3A_1474, %get3A_1423 : vector<16xf32>
        %swap3A_1476 = arith.constant 0 : i32
        %swap3A_1477 = arith.constant 0 : i32
        %swap3A_1478 = tpu.memref_slice %arg7[%scan3A_1396, %swap3A_1476, %swap3A_1477] : memref<4x800x32xf32, #tpu.memory_space<vmem>> -> memref<1x800x32xf32, #tpu.memory_space<vmem>>
        %swap3A_1479 = tpu.memref_squeeze %swap3A_1478 : memref<1x800x32xf32, #tpu.memory_space<vmem>> -> memref<800x32xf32, #tpu.memory_space<vmem>>
        %swap3A_1480 = arith.index_cast %add3A_1466 : i32 to index
        %swap3A_1481 = arith.constant 0 : index
        %swap3A_1482 = tpu.vector_load %swap3A_1479[%swap3A_1480, %swap3A_1481] {strides = array<i32>} : memref<800x32xf32, #tpu.memory_space<vmem>>, vector<1x16xf32>,
        %swap3A_1483 = vector.shape_cast %swap3A_1482 : vector<1x16xf32> to vector<16xf32>
        %swap3A_1484 = vector.shape_cast %add3A_1475 : vector<16xf32> to vector<1x16xf32>
        tpu.vector_store %swap3A_1479[%swap3A_1480, %swap3A_1481], %swap3A_1484 {strides = array<i32>} : memref<800x32xf32, #tpu.memory_space<vmem>>, vector<1x16xf32>,
        %get3A_1485 = arith.constant 0 : i32
        %get3A_1486 = arith.constant 0 : i32
        %get3A_1487 = tpu.memref_slice %arg7[%scan3A_1396, %get3A_1485, %get3A_1486] : memref<4x800x32xf32, #tpu.memory_space<vmem>> -> memref<1x800x32xf32, #tpu.memory_space<vmem>>
        %get3A_1488 = tpu.memref_squeeze %get3A_1487 : memref<1x800x32xf32, #tpu.memory_space<vmem>> -> memref<800x32xf32, #tpu.memory_space<vmem>>
        %get3A_1489 = arith.index_cast %add3A_1466 : i32 to index
        %get3A_1490 = arith.constant 16 : index
        %get3A_1491 = tpu.vector_load %get3A_1488[%get3A_1489, %get3A_1490] {strides = array<i32>} : memref<800x32xf32, #tpu.memory_space<vmem>>, vector<1x16xf32>,
        %get3A_1492 = vector.shape_cast %get3A_1491 : vector<1x16xf32> to vector<16xf32>
        %add3A_1493 = arith.addf %get3A_1492, %get3A_1427 : vector<16xf32>
        %swap3A_1494 = arith.constant 0 : i32
        %swap3A_1495 = arith.constant 0 : i32
        %swap3A_1496 = tpu.memref_slice %arg7[%scan3A_1396, %swap3A_1494, %swap3A_1495] : memref<4x800x32xf32, #tpu.memory_space<vmem>> -> memref<1x800x32xf32, #tpu.memory_space<vmem>>
        %swap3A_1497 = tpu.memref_squeeze %swap3A_1496 : memref<1x800x32xf32, #tpu.memory_space<vmem>> -> memref<800x32xf32, #tpu.memory_space<vmem>>
        %swap3A_1498 = arith.index_cast %add3A_1466 : i32 to index
        %swap3A_1499 = arith.constant 16 : index
        %swap3A_1500 = tpu.vector_load %swap3A_1497[%swap3A_1498, %swap3A_1499] {strides = array<i32>} : memref<800x32xf32, #tpu.memory_space<vmem>>, vector<1x16xf32>,
        %swap3A_1501 = vector.shape_cast %swap3A_1500 : vector<1x16xf32> to vector<16xf32>
        %swap3A_1502 = vector.shape_cast %add3A_1493 : vector<16xf32> to vector<1x16xf32>
        tpu.vector_store %swap3A_1497[%swap3A_1498, %swap3A_1499], %swap3A_1502 {strides = array<i32>} : memref<800x32xf32, #tpu.memory_space<vmem>>, vector<1x16xf32>,
        %add3A_1503 = arith.constant 400 : i32
        %add3A_1504 = arith.addi %add3A_1503, %scan3A_1420 : i32
        %get3A_1505 = arith.constant 0 : i32
        %get3A_1506 = arith.constant 0 : i32
        %get3A_1507 = tpu.memref_slice %arg7[%scan3A_1396, %get3A_1505, %get3A_1506] : memref<4x800x32xf32, #tpu.memory_space<vmem>> -> memref<1x800x32xf32, #tpu.memory_space<vmem>>
        %get3A_1508 = tpu.memref_squeeze %get3A_1507 : memref<1x800x32xf32, #tpu.memory_space<vmem>> -> memref<800x32xf32, #tpu.memory_space<vmem>>
        %get3A_1509 = arith.index_cast %add3A_1504 : i32 to index
        %get3A_1510 = arith.constant 0 : index
        %get3A_1511 = tpu.vector_load %get3A_1508[%get3A_1509, %get3A_1510] {strides = array<i32>} : memref<800x32xf32, #tpu.memory_space<vmem>>, vector<1x16xf32>,
        %get3A_1512 = vector.shape_cast %get3A_1511 : vector<1x16xf32> to vector<16xf32>
        %add3A_1513 = arith.addf %get3A_1512, %get3A_1423 : vector<16xf32>
        %swap3A_1514 = arith.constant 0 : i32
        %swap3A_1515 = arith.constant 0 : i32
        %swap3A_1516 = tpu.memref_slice %arg7[%scan3A_1396, %swap3A_1514, %swap3A_1515] : memref<4x800x32xf32, #tpu.memory_space<vmem>> -> memref<1x800x32xf32, #tpu.memory_space<vmem>>
        %swap3A_1517 = tpu.memref_squeeze %swap3A_1516 : memref<1x800x32xf32, #tpu.memory_space<vmem>> -> memref<800x32xf32, #tpu.memory_space<vmem>>
        %swap3A_1518 = arith.index_cast %add3A_1504 : i32 to index
        %swap3A_1519 = arith.constant 0 : index
        %swap3A_1520 = tpu.vector_load %swap3A_1517[%swap3A_1518, %swap3A_1519] {strides = array<i32>} : memref<800x32xf32, #tpu.memory_space<vmem>>, vector<1x16xf32>,
        %swap3A_1521 = vector.shape_cast %swap3A_1520 : vector<1x16xf32> to vector<16xf32>
        %swap3A_1522 = vector.shape_cast %add3A_1513 : vector<16xf32> to vector<1x16xf32>
        tpu.vector_store %swap3A_1517[%swap3A_1518, %swap3A_1519], %swap3A_1522 {strides = array<i32>} : memref<800x32xf32, #tpu.memory_space<vmem>>, vector<1x16xf32>,
        %get3A_1523 = arith.constant 0 : i32
        %get3A_1524 = arith.constant 0 : i32
        %get3A_1525 = tpu.memref_slice %arg7[%scan3A_1396, %get3A_1523, %get3A_1524] : memref<4x800x32xf32, #tpu.memory_space<vmem>> -> memref<1x800x32xf32, #tpu.memory_space<vmem>>
        %get3A_1526 = tpu.memref_squeeze %get3A_1525 : memref<1x800x32xf32, #tpu.memory_space<vmem>> -> memref<800x32xf32, #tpu.memory_space<vmem>>
        %get3A_1527 = arith.index_cast %add3A_1504 : i32 to index
        %get3A_1528 = arith.constant 16 : index
        %get3A_1529 = tpu.vector_load %get3A_1526[%get3A_1527, %get3A_1528] {strides = array<i32>} : memref<800x32xf32, #tpu.memory_space<vmem>>, vector<1x16xf32>,
        %get3A_1530 = vector.shape_cast %get3A_1529 : vector<1x16xf32> to vector<16xf32>
        %add3A_1531 = arith.addf %get3A_1530, %get3A_1427 : vector<16xf32>
        %swap3A_1532 = arith.constant 0 : i32
        %swap3A_1533 = arith.constant 0 : i32
        %swap3A_1534 = tpu.memref_slice %arg7[%scan3A_1396, %swap3A_1532, %swap3A_1533] : memref<4x800x32xf32, #tpu.memory_space<vmem>> -> memref<1x800x32xf32, #tpu.memory_space<vmem>>
        %swap3A_1535 = tpu.memref_squeeze %swap3A_1534 : memref<1x800x32xf32, #tpu.memory_space<vmem>> -> memref<800x32xf32, #tpu.memory_space<vmem>>
        %swap3A_1536 = arith.index_cast %add3A_1504 : i32 to index
        %swap3A_1537 = arith.constant 16 : index
        %swap3A_1538 = tpu.vector_load %swap3A_1535[%swap3A_1536, %swap3A_1537] {strides = array<i32>} : memref<800x32xf32, #tpu.memory_space<vmem>>, vector<1x16xf32>,
        %swap3A_1539 = vector.shape_cast %swap3A_1538 : vector<1x16xf32> to vector<16xf32>
        %swap3A_1540 = vector.shape_cast %add3A_1531 : vector<16xf32> to vector<1x16xf32>
        tpu.vector_store %swap3A_1535[%swap3A_1536, %swap3A_1537], %swap3A_1540 {strides = array<i32>} : memref<800x32xf32, #tpu.memory_space<vmem>>, vector<1x16xf32>,
        %add3A_1541 = arith.constant 600 : i32
        %add3A_1542 = arith.addi %add3A_1541, %scan3A_1420 : i32
        %get3A_1543 = arith.constant 0 : i32
        %get3A_1544 = arith.constant 0 : i32
        %get3A_1545 = tpu.memref_slice %arg7[%scan3A_1396, %get3A_1543, %get3A_1544] : memref<4x800x32xf32, #tpu.memory_space<vmem>> -> memref<1x800x32xf32, #tpu.memory_space<vmem>>
        %get3A_1546 = tpu.memref_squeeze %get3A_1545 : memref<1x800x32xf32, #tpu.memory_space<vmem>> -> memref<800x32xf32, #tpu.memory_space<vmem>>
        %get3A_1547 = arith.index_cast %add3A_1542 : i32 to index
        %get3A_1548 = arith.constant 0 : index
        %get3A_1549 = tpu.vector_load %get3A_1546[%get3A_1547, %get3A_1548] {strides = array<i32>} : memref<800x32xf32, #tpu.memory_space<vmem>>, vector<1x16xf32>,
        %get3A_1550 = vector.shape_cast %get3A_1549 : vector<1x16xf32> to vector<16xf32>
        %add3A_1551 = arith.addf %get3A_1550, %get3A_1423 : vector<16xf32>
        %swap3A_1552 = arith.constant 0 : i32
        %swap3A_1553 = arith.constant 0 : i32
        %swap3A_1554 = tpu.memref_slice %arg7[%scan3A_1396, %swap3A_1552, %swap3A_1553] : memref<4x800x32xf32, #tpu.memory_space<vmem>> -> memref<1x800x32xf32, #tpu.memory_space<vmem>>
        %swap3A_1555 = tpu.memref_squeeze %swap3A_1554 : memref<1x800x32xf32, #tpu.memory_space<vmem>> -> memref<800x32xf32, #tpu.memory_space<vmem>>
        %swap3A_1556 = arith.index_cast %add3A_1542 : i32 to index
        %swap3A_1557 = arith.constant 0 : index
        %swap3A_1558 = tpu.vector_load %swap3A_1555[%swap3A_1556, %swap3A_1557] {strides = array<i32>} : memref<800x32xf32, #tpu.memory_space<vmem>>, vector<1x16xf32>,
        %swap3A_1559 = vector.shape_cast %swap3A_1558 : vector<1x16xf32> to vector<16xf32>
        %swap3A_1560 = vector.shape_cast %add3A_1551 : vector<16xf32> to vector<1x16xf32>
        tpu.vector_store %swap3A_1555[%swap3A_1556, %swap3A_1557], %swap3A_1560 {strides = array<i32>} : memref<800x32xf32, #tpu.memory_space<vmem>>, vector<1x16xf32>,
        %get3A_1561 = arith.constant 0 : i32
        %get3A_1562 = arith.constant 0 : i32
        %get3A_1563 = tpu.memref_slice %arg7[%scan3A_1396, %get3A_1561, %get3A_1562] : memref<4x800x32xf32, #tpu.memory_space<vmem>> -> memref<1x800x32xf32, #tpu.memory_space<vmem>>
        %get3A_1564 = tpu.memref_squeeze %get3A_1563 : memref<1x800x32xf32, #tpu.memory_space<vmem>> -> memref<800x32xf32, #tpu.memory_space<vmem>>
        %get3A_1565 = arith.index_cast %add3A_1542 : i32 to index
        %get3A_1566 = arith.constant 16 : index
        %get3A_1567 = tpu.vector_load %get3A_1564[%get3A_1565, %get3A_1566] {strides = array<i32>} : memref<800x32xf32, #tpu.memory_space<vmem>>, vector<1x16xf32>,
        %get3A_1568 = vector.shape_cast %get3A_1567 : vector<1x16xf32> to vector<16xf32>
        %add3A_1569 = arith.addf %get3A_1568, %get3A_1427 : vector<16xf32>
        %swap3A_1570 = arith.constant 0 : i32
        %swap3A_1571 = arith.constant 0 : i32
        %swap3A_1572 = tpu.memref_slice %arg7[%scan3A_1396, %swap3A_1570, %swap3A_1571] : memref<4x800x32xf32, #tpu.memory_space<vmem>> -> memref<1x800x32xf32, #tpu.memory_space<vmem>>
        %swap3A_1573 = tpu.memref_squeeze %swap3A_1572 : memref<1x800x32xf32, #tpu.memory_space<vmem>> -> memref<800x32xf32, #tpu.memory_space<vmem>>
        %swap3A_1574 = arith.index_cast %add3A_1542 : i32 to index
        %swap3A_1575 = arith.constant 16 : index
        %swap3A_1576 = tpu.vector_load %swap3A_1573[%swap3A_1574, %swap3A_1575] {strides = array<i32>} : memref<800x32xf32, #tpu.memory_space<vmem>>, vector<1x16xf32>,
        %swap3A_1577 = vector.shape_cast %swap3A_1576 : vector<1x16xf32> to vector<16xf32>
        %swap3A_1578 = vector.shape_cast %add3A_1569 : vector<16xf32> to vector<1x16xf32>
        tpu.vector_store %swap3A_1573[%swap3A_1574, %swap3A_1575], %swap3A_1578 {strides = array<i32>} : memref<800x32xf32, #tpu.memory_space<vmem>>, vector<1x16xf32>,
      }
      %scan3A_1401 = arith.constant 200 : i32
      %mul3A_1402 = arith.constant 32 : i32
      %mul3A_1403 = arith.muli %add3A, %mul3A_1402 : i32
      %add3A_1404 = arith.addi %mul3A_1403, %add3A_1237 : i32
      %mul3A_1405 = arith.constant 800 : i32
      %mul3A_1406 = arith.muli %add3A_1404, %mul3A_1405 : i32
      %dma_start3A_1407 = arith.constant 3 : i32
      %dma_start3A_1408 = arith.constant 0 : i32
      %dma_start3A_1409 = arith.constant 0 : i32
      %dma_start3A_1410 = tpu.memref_slice %arg7[%dma_start3A_1407, %dma_start3A_1408, %dma_start3A_1409] : memref<4x800x32xf32, #tpu.memory_space<vmem>> -> memref<1x800x32xf32, #tpu.memory_space<vmem>>
      %dma_start3A_1411 = tpu.memref_squeeze %dma_start3A_1410 : memref<1x800x32xf32, #tpu.memory_space<vmem>> -> memref<800x32xf32, #tpu.memory_space<vmem>>
      %dma_start3A_1412 = arith.constant 0 : i32
      %dma_start3A_1413 = tpu.memref_slice %arg5[%mul3A_1406, %dma_start3A_1412] : memref<819200x32xf32, #tpu.memory_space<hbm>> -> memref<800x32xf32, #tpu.memory_space<hbm>>
      %dma_start3A_1414 = arith.constant 0 : i32
      %dma_start3A_1415 = tpu.memref_slice %arg5[%mul3A_1406, %dma_start3A_1414] : memref<819200x32xf32, #tpu.memory_space<hbm>> -> memref<800x32xf32, #tpu.memory_space<hbm>>
      %dma_start3A_1416 = arith.constant 0 : i32
      %dma_start3A_1417 = arith.constant 0 : i32
      %dma_start3A_1418 = tpu.memref_slice %arg7[%dma_start3A_1407, %dma_start3A_1416, %dma_start3A_1417] : memref<4x800x32xf32, #tpu.memory_space<vmem>> -> memref<1x800x32xf32, #tpu.memory_space<vmem>>
      %dma_start3A_1419 = tpu.memref_squeeze %dma_start3A_1418 : memref<1x800x32xf32, #tpu.memory_space<vmem>> -> memref<800x32xf32, #tpu.memory_space<vmem>>
      tpu.enqueue_dma source(%dma_start3A_1419 : memref<800x32xf32, #tpu.memory_space<vmem>>) target(%dma_start3A_1415 : memref<800x32xf32, #tpu.memory_space<hbm>>) target_semaphore(%arg16 : memref<!tpu.dma_semaphore, #tpu.memory_space<semaphore_mem>>)
    }
    %scan3A_194 = arith.constant 8 : i32
    %mul3A_195 = arith.constant 32 : i32
    %mul3A_196 = arith.muli %add3A, %mul3A_195 : i32
    %add3A_197 = arith.constant 29 : i32
    %add3A_198 = arith.addi %mul3A_196, %add3A_197 : i32
    %mul3A_199 = arith.constant 800 : i32
    %mul3A_200 = arith.muli %add3A_198, %mul3A_199 : i32
    %dma_wait3A_201 = arith.constant 1 : i32
    %dma_wait3A_202 = arith.constant 0 : i32
    %dma_wait3A_203 = arith.constant 0 : i32
    %dma_wait3A_204 = tpu.memref_slice %arg7[%dma_wait3A_201, %dma_wait3A_202, %dma_wait3A_203] : memref<4x800x32xf32, #tpu.memory_space<vmem>> -> memref<1x800x32xf32, #tpu.memory_space<vmem>>
    %dma_wait3A_205 = tpu.memref_squeeze %dma_wait3A_204 : memref<1x800x32xf32, #tpu.memory_space<vmem>> -> memref<800x32xf32, #tpu.memory_space<vmem>>
    %dma_wait3A_206 = arith.constant 0 : i32
    %dma_wait3A_207 = tpu.memref_slice %arg5[%mul3A_200, %dma_wait3A_206] : memref<819200x32xf32, #tpu.memory_space<hbm>> -> memref<800x32xf32, #tpu.memory_space<hbm>>
    %dma_wait3A_208 = arith.constant 0 : i32
    %dma_wait3A_209 = tpu.memref_slice %arg5[%mul3A_200, %dma_wait3A_208] : memref<819200x32xf32, #tpu.memory_space<hbm>> -> memref<800x32xf32, #tpu.memory_space<hbm>>
    %dma_wait3A_210 = arith.constant 0 : i32
    %dma_wait3A_211 = arith.constant 0 : i32
    %dma_wait3A_212 = tpu.memref_slice %arg7[%dma_wait3A_201, %dma_wait3A_210, %dma_wait3A_211] : memref<4x800x32xf32, #tpu.memory_space<vmem>> -> memref<1x800x32xf32, #tpu.memory_space<vmem>>
    %dma_wait3A_213 = tpu.memref_squeeze %dma_wait3A_212 : memref<1x800x32xf32, #tpu.memory_space<vmem>> -> memref<800x32xf32, #tpu.memory_space<vmem>>
    tpu.wait_dma2 semaphore(%arg14 : memref<!tpu.dma_semaphore, #tpu.memory_space<semaphore_mem>>) src(%dma_wait3A_213 : memref<800x32xf32, #tpu.memory_space<vmem>>) dst(%dma_wait3A_209 : memref<800x32xf32, #tpu.memory_space<hbm>>)
    %mul3A_214 = arith.constant 32 : i32
    %mul3A_215 = arith.muli %add3A, %mul3A_214 : i32
    %add3A_216 = arith.constant 30 : i32
    %add3A_217 = arith.addi %mul3A_215, %add3A_216 : i32
    %mul3A_218 = arith.constant 800 : i32
    %mul3A_219 = arith.muli %add3A_217, %mul3A_218 : i32
    %dma_wait3A_220 = arith.constant 2 : i32
    %dma_wait3A_221 = arith.constant 0 : i32
    %dma_wait3A_222 = arith.constant 0 : i32
    %dma_wait3A_223 = tpu.memref_slice %arg7[%dma_wait3A_220, %dma_wait3A_221, %dma_wait3A_222] : memref<4x800x32xf32, #tpu.memory_space<vmem>> -> memref<1x800x32xf32, #tpu.memory_space<vmem>>
    %dma_wait3A_224 = tpu.memref_squeeze %dma_wait3A_223 : memref<1x800x32xf32, #tpu.memory_space<vmem>> -> memref<800x32xf32, #tpu.memory_space<vmem>>
    %dma_wait3A_225 = arith.constant 0 : i32
    %dma_wait3A_226 = tpu.memref_slice %arg5[%mul3A_219, %dma_wait3A_225] : memref<819200x32xf32, #tpu.memory_space<hbm>> -> memref<800x32xf32, #tpu.memory_space<hbm>>
    %dma_wait3A_227 = arith.constant 0 : i32
    %dma_wait3A_228 = tpu.memref_slice %arg5[%mul3A_219, %dma_wait3A_227] : memref<819200x32xf32, #tpu.memory_space<hbm>> -> memref<800x32xf32, #tpu.memory_space<hbm>>
    %dma_wait3A_229 = arith.constant 0 : i32
    %dma_wait3A_230 = arith.constant 0 : i32
    %dma_wait3A_231 = tpu.memref_slice %arg7[%dma_wait3A_220, %dma_wait3A_229, %dma_wait3A_230] : memref<4x800x32xf32, #tpu.memory_space<vmem>> -> memref<1x800x32xf32, #tpu.memory_space<vmem>>
    %dma_wait3A_232 = tpu.memref_squeeze %dma_wait3A_231 : memref<1x800x32xf32, #tpu.memory_space<vmem>> -> memref<800x32xf32, #tpu.memory_space<vmem>>
    tpu.wait_dma2 semaphore(%arg15 : memref<!tpu.dma_semaphore, #tpu.memory_space<semaphore_mem>>) src(%dma_wait3A_232 : memref<800x32xf32, #tpu.memory_space<vmem>>) dst(%dma_wait3A_228 : memref<800x32xf32, #tpu.memory_space<hbm>>)
    %mul3A_233 = arith.constant 32 : i32
    %mul3A_234 = arith.muli %add3A, %mul3A_233 : i32
    %add3A_235 = arith.constant 31 : i32
    %add3A_236 = arith.addi %mul3A_234, %add3A_235 : i32
    %mul3A_237 = arith.constant 800 : i32
    %mul3A_238 = arith.muli %add3A_236, %mul3A_237 : i32
    %dma_wait3A_239 = arith.constant 3 : i32
    %dma_wait3A_240 = arith.constant 0 : i32
    %dma_wait3A_241 = arith.constant 0 : i32
    %dma_wait3A_242 = tpu.memref_slice %arg7[%dma_wait3A_239, %dma_wait3A_240, %dma_wait3A_241] : memref<4x800x32xf32, #tpu.memory_space<vmem>> -> memref<1x800x32xf32, #tpu.memory_space<vmem>>
    %dma_wait3A_243 = tpu.memref_squeeze %dma_wait3A_242 : memref<1x800x32xf32, #tpu.memory_space<vmem>> -> memref<800x32xf32, #tpu.memory_space<vmem>>
    %dma_wait3A_244 = arith.constant 0 : i32
    %dma_wait3A_245 = tpu.memref_slice %arg5[%mul3A_238, %dma_wait3A_244] : memref<819200x32xf32, #tpu.memory_space<hbm>> -> memref<800x32xf32, #tpu.memory_space<hbm>>
    %dma_wait3A_246 = arith.constant 0 : i32
    %dma_wait3A_247 = tpu.memref_slice %arg5[%mul3A_238, %dma_wait3A_246] : memref<819200x32xf32, #tpu.memory_space<hbm>> -> memref<800x32xf32, #tpu.memory_space<hbm>>
    %dma_wait3A_248 = arith.constant 0 : i32
    %dma_wait3A_249 = arith.constant 0 : i32
    %dma_wait3A_250 = tpu.memref_slice %arg7[%dma_wait3A_239, %dma_wait3A_248, %dma_wait3A_249] : memref<4x800x32xf32, #tpu.memory_space<vmem>> -> memref<1x800x32xf32, #tpu.memory_space<vmem>>
    %dma_wait3A_251 = tpu.memref_squeeze %dma_wait3A_250 : memref<1x800x32xf32, #tpu.memory_space<vmem>> -> memref<800x32xf32, #tpu.memory_space<vmem>>
    tpu.wait_dma2 semaphore(%arg16 : memref<!tpu.dma_semaphore, #tpu.memory_space<semaphore_mem>>) src(%dma_wait3A_251 : memref<800x32xf32, #tpu.memory_space<vmem>>) dst(%dma_wait3A_247 : memref<800x32xf32, #tpu.memory_space<hbm>>)
    return
  }
}

</mosaic_0001>

<sc_bundles>
// kernel: kernel.3.cloned.1.call-start
scs
__scs_entry_jumppad:
0x0: {  	(pc) =	sbr.rel $0x88, $3  }
0x1: {  	(tag) =	ssettag $0x0;
	lr =	simm.s32 $0x1  }
0x2: {  	[smem:$0x3F9E] =	sst lr;
	_ =	strace $0xD0000000  }
0x3: {  	_ = 	snop  }
0x4: {  	_ = 	snop  }
0x5: {  	_ = 	snop  }
0x6: {  	_ = 	snop  }
0x7: {  	_ = 	snop  }
__scs_overlays_trampoline_lowered:
0x8: {  	[smem:$0x3FAD] =	sst s0  }
0x9: {  	[smem:$0x3FAE] =	sst s1  }
0xa: {  	[smem:$0x3FAF] =	sst s2  }
0xb: {  	[smem:$0x3FB0] =	sst s3  }
0xc: {  	[smem:$0x3FB1] =	sst s4  }
0xd: {  	[smem:$0x3FB2] =	sst s5  }
0xe: {  	[smem:$0x3FB3] =	sst s6  }
0xf: {  	[smem:$0x3FB4] =	sst s7  }
0x10: {  	[smem:$0x3FB5] =	sst s8  }
0x11: {  	[smem:$0x3FB6] =	sst s9;
	s0 =	simm.s32 @!p0 $0x0  }
0x12: {  	s1 =	sld [smem:$0x3F9C];
	s0 =	simm.s32 @p0 $0x1  }
0x13: {  	[smem:$0x3FB7] =	sst s0;
	s0 =	simm.s32 @!p1 $0x0  }
0x14: {  	s2 =	sld [smem:$0x3F9B];
	s0 =	simm.s32 @p1 $0x1  }
0x15: {  	[smem:$0x3FB8] =	sst s0;
	s0 =	simm.s32 @!p2 $0x0  }
0x16: {  	s3 =	sld [smem:$0x3FDB];
	s0 =	simm.s32 @p2 $0x1  }
0x17: {  	s4 =	simm.s32 $0x1BF5;
	[smem:$0x3FBA] =	sst s0  }
0x18: {  	s0 =	sld [smem:$0x3F9D];
	_ =	swait.ge [sflag:s4], $0x0  }
0x19: {  	s7 =	sld [smem:$0x3F9E]  }
0x1a: {  	s8 =	sadd.s32 $0xFFFFE003, lr  }
0x1b: {  	s9 =	sadd.s32 $0xFFFFFEF7, lr;
	s5 =	simm.s32 $0xFFFFFFFF;
	p2 =	slt.u32 s8, $0xFFFFF086  }
0x1c: {  	p1 =	slt.u32 s9, $0xF7A;
	s5 =	simm.s32 @!p2 $0x0  }
0x1d: {  	s5 =	simm.s32 @p1 $0x1;
	p0 =	seq.s32 s7, s2  }
0x1e: {  	s7 =	smul.u32 @!p0 $0xF7A, s2;
	p2 =	seq.s32 @!p0 s5, $0x0  }
0x1f: {  	s9 =	smul.u32 $0xF7A, s1;
	s8 =	simm.s32 @!p0 $0x1BF5;
	p2 =	por !p2, p0  }
0x20: {  	[sflag:s8] =	ssyncset.s32 @!p0 $0xFFFFF086;
	s6 =	sadd.s32 @!p0 s3, s7;
	s7 =	simm.s32 @!p0 $0x108  }
0x21: {  	s3 =	sadd.s32 s3, s9;
	s6 =	sadd.s32 @!p0 $0x88, s6;
	s7 =	simm.s32 @p2 $0x1082  }
0x22: {  	[simem:s7], [sflag:s8] =	dma.local @!p0 [hbm:s6], $0xF7A  }
0x23: {  	s9 =	sor.u32 $0xD0000000, s2;
	s6 =	simm.s32 $0x108;
	_ =	swait.ge @!p0 [sflag:s8], $0x0  }
0x24: {  	s3 =	sadd.s32 $0x88, s3;
	s6 =	simm.s32 @!p1 $0x1082;
	[sflag:s4] =	ssyncset.s32 $0xFFFFF086  }
0x25: {  	[simem:s6], [sflag:s4] =	dma.local [hbm:s3], $0xF7A  }
0x26: {  	[smem:$0x3F9E] =	sst s1;
	(tag) =	ssettag s2;
	_ =	strace s9  }
0x27: {  	s1 =	sld [smem:$0x3FAE]  }
0x28: {  	s2 =	sld [smem:$0x3FAF]  }
0x29: {  	s4 =	sld [smem:$0x3FB1]  }
0x2a: {  	p0 =	seq.s32 s5, $0x0;
	s5 =	sld [smem:$0x3FB2]  }
0x2b: {  	s6 =	sld [smem:$0x3FB3]  }
0x2c: {  	s7 =	sld [smem:$0x3FB4]  }
0x2d: {  	s3 =	simm.s32 $0x108;
	s8 =	sld [smem:$0x3FB5]  }
0x2e: {  	s3 =	simm.s32 @!p0 $0x1082;
	s9 =	sld [smem:$0x3FB6]  }
0x2f: {  	lr =	sadd.s32 s0, s3;
	s0 =	sld [smem:$0x3FAD]  }
0x30: {  	s3 =	sld [smem:$0x3FB0]  }
0x31: {  	[smem:$0x3FB9] =	sst s10  }
0x32: {  	s10 =	sld [smem:$0x3FB7];
	_ =	sdelay $0x3  }
0x33: {  	p0 =	seq.s32 s10, $0x1;
	s10 =	sld [smem:$0x3FB9];
	_ =	sdelay $0x3  }
0x34: {  	[smem:$0x3FB9] =	sst s10  }
0x35: {  	s10 =	sld [smem:$0x3FB8];
	_ =	sdelay $0x3  }
0x36: {  	p1 =	seq.s32 s10, $0x1;
	s10 =	sld [smem:$0x3FB9];
	_ =	sdelay $0x3  }
0x37: {  	[smem:$0x3FB9] =	sst s10  }
0x38: {  	s10 =	sld [smem:$0x3FBA]  }
0x39: {  	_ = 	snop;
	(pc) =	sbr.ind lr, $3  }
0x3a: {  	_ = 	snop  }
0x3b: {  	_ = 	snop  }
0x3c: {  	p2 =	seq.s32 s10, $0x1;
	s10 =	sld [smem:$0x3FB9]  }
0x3d: {  	_ =	shalt  }
0x3e: {  	_ =	shalt  }
0x3f: {  	_ =	shalt  }
0x40: {  	_ =	shalt  }
0x41: {  	_ =	shalt  }
0x42: {  	_ =	shalt  }
0x43: {  	_ =	shalt  }
0x44: {  	_ =	shalt  }
0x45: {  	_ =	shalt  }
0x46: {  	_ =	shalt  }
0x47: {  	_ =	shalt  }
0x48: {  	_ =	shalt  }
0x49: {  	_ =	shalt  }
0x4a: {  	_ =	shalt  }
0x4b: {  	_ =	shalt  }
0x4c: {  	_ =	shalt  }
0x4d: {  	_ =	shalt  }
0x4e: {  	_ =	shalt  }
0x4f: {  	_ =	shalt  }
0x50: {  	_ =	shalt  }
0x51: {  	_ =	shalt  }
0x52: {  	_ =	shalt  }
0x53: {  	_ =	shalt  }
0x54: {  	_ =	shalt  }
0x55: {  	_ =	shalt  }
0x56: {  	_ =	shalt  }
0x57: {  	_ =	shalt  }
0x58: {  	_ =	shalt  }
0x59: {  	_ =	shalt  }
0x5a: {  	_ =	shalt  }
0x5b: {  	_ =	shalt  }
0x5c: {  	_ =	shalt  }
0x5d: {  	_ =	shalt  }
0x5e: {  	_ =	shalt  }
0x5f: {  	_ =	shalt  }
0x60: {  	_ =	shalt  }
0x61: {  	_ =	shalt  }
0x62: {  	_ =	shalt  }
0x63: {  	_ =	shalt  }
0x64: {  	_ =	shalt  }
0x65: {  	_ =	shalt  }
0x66: {  	_ =	shalt  }
0x67: {  	_ =	shalt  }
0x68: {  	_ =	shalt  }
0x69: {  	_ =	shalt  }
0x6a: {  	_ =	shalt  }
0x6b: {  	_ =	shalt  }
0x6c: {  	_ =	shalt  }
0x6d: {  	_ =	shalt  }
0x6e: {  	_ =	shalt  }
0x6f: {  	_ =	shalt  }
0x70: {  	_ =	shalt  }
0x71: {  	_ =	shalt  }
0x72: {  	_ =	shalt  }
0x73: {  	_ =	shalt  }
0x74: {  	_ =	shalt  }
0x75: {  	_ =	shalt  }
0x76: {  	_ =	shalt  }
0x77: {  	_ =	shalt  }
0x78: {  	_ =	shalt  }
0x79: {  	_ =	shalt  }
0x7a: {  	_ =	shalt  }
0x7b: {  	_ =	shalt  }
0x7c: {  	_ =	shalt  }
0x7d: {  	_ =	shalt  }
0x7e: {  	_ =	shalt  }
0x7f: {  	_ =	shalt  }
0x80: {  	_ =	shalt  }
0x81: {  	_ =	shalt  }
0x82: {  	_ =	shalt  }
0x83: {  	_ =	shalt  }
0x84: {  	_ =	shalt  }
0x85: {  	_ =	shalt  }
0x86: {  	_ =	shalt  }
0x87: {  	_ =	shalt  }
.Lfunc_end0:
.L_simem_size_0:
called_computation.1_lowered:
.L_overlay_start_0:
0x88: {  	s2 =	sld [smem:$0x3FD9]  }
0x89: {  	s3 =	sld [smem:$0x3FFE];
	_ =	sdelay $0x1  }
0x8a: {  	s1 =	srdreg.scid  }
0x8b: {  	s0 =	sand.u32 $0x1, s1  }
0x8c: {  	s17 =	sshll.u32 s0, $0xA;
	s2 =	sadd.s32 s3, s2  }
0x8d: {  	s2 =	sadd.s32 s2, s17  }
0x8e: {  	[smem:$0x3FC5] =	sst s2  }
0x8f: {  	_ = 	snop  }
0x90: {  	s2 =	sld [smem:$0x3FD0];
	(tm) =	ssettm $0x1  }
0x91: {  	s18 =	sld [smem:$0x3FFB];
	_ =	sdelay $0x3  }
0x92: {  	_ =	strace s18  }
0x93: {  	s3 =	sld [smem:$0x3FFC];
	_ =	sdelay $0x3  }
0x94: {  	_ =	strace s3  }
0x95: {  	s3 =	sld [smem:$0x3FFD];
	_ =	sdelay $0x3  }
0x96: {  	_ =	strace s3  }
0x97: {  	_ =	strace $0x8FFFFFFF  }
0x98: {  	s19 =	sld [smem:$0x3FDB];
	_ =	sdelay $0x1  }
0x99: {  	s4 =	simm.s32 $_scs_section_size  }
0x9a: {  	s5 =	simm.s32 $_size__tile_overlayer_lowered;
	s6 =	simm.s32 $_tile_overlayer_lowered  }
0x9b: {  	s22 =	simm.s32 $0x1BFF;
	s21 =	sshll.u32 s6, $0x1;
	s3 =	sadd.s32 s4, s19  }
0x9c: {  	s7 =	simm.s32 $0x0;
	s20 =	sshll.u32 s5, $0x1;
	s5 =	sadd.s32 s21, s3  }
0x9d: {  	[timem:s7], [sflag:s22] =	dma.local [hbm:s5], s20  }
0x9e: {  	_ =	swait.ge [sflag:s22], s20  }
0x9f: {  	s4 =	ssub.s32 $0x0, s20;
	[sflag:s22] =	ssyncset.done $0x0  }
0xa0: {  	[sflag:s22] =	ssyncadd.s32 s4;
	_ =	sdelay $0x1  }
0xa1: {  	s23 =	simm.s32 $0x1B8B  }
0xa2: {  	_ =	swait.ge [sflag:s23], $0x1  }
0xa3: {  	[sflag:s23] =	ssyncset.done $0x0  }
0xa4: {  	s25 =	simm.s32 $0x1B8E;
	s24 =	sld [smem:$0x3FFE];
	[sflag:s23] =	ssyncadd.s32 $0xFFFFFFFF  }
0xa5: {  	s26 =	simm.s32 $execute0_lowered;
	[smem:$0x3FD2] =	sst s25  }
0xa6: {  	s5 =	sshll.u32 s26, $0x1;
	_ =	strace $0x80000046;
	[dreg:$0x1] =	wrdreg $0xFFFFFFFF  }
0xa7: {  	s28 =	simm.s32 $_size_execute0_lowered;
	s3 =	sadd.s32 s3, s5;
	[dreg:$0x0] =	wrdreg $0x0  }
0xa8: {  	s5 =	sshll.u32 s28, $0x1;
	[dreg:$0x2] =	wrdreg s3  }
0xa9: {  	[dreg:$0x3] =	wrdreg s5  }
0xaa: {  	[dreg:$0x4] =	wrdreg $0xC0  }
0xab: {  	_ =	task [dreg:s7], $0x5FFFF  }
0xac: {  	[dreg:$0x1] =	wrdreg $0xFFFFFFFF  }
0xad: {  	[dreg:$0x0] =	wrdreg $0x60  }
0xae: {  	[dreg:$0x2] =	wrdreg s24  }
0xaf: {  	[dreg:$0x3] =	wrdreg s2  }
0xb0: {  	[dreg:$0x4] =	wrdreg $0x9  }
0xb1: {  	_ =	task.clear_ibuf [dreg:s7], $0x5FFFF;
	_ =	strace $0x90000046  }
0xb2: {  	s29 =	simm.s32 $0x9;
	_ =	strace $0x80000048  }
0xb3: {  	_ =	swait.ge [sflag:s29], $0x1  }
0xb4: {  	[sflag:s29] =	ssyncadd.s32 $0xFFFFFFFF  }
0xb5: {  	_ =	strace $0x90000048  }
0xb6: {  	_ =	sfence  }
0xb7: {  	s30 =	sld [smem:$0x0];
	_ =	sdelay $0x2  }
0xb8: {  	s31 =	sshll.u32 s1, $0xD;
	s1 =	sshrl.u32 s1, $0x2  }
0xb9: {  	s3 =	sand.u32 $0x4000, s31;
	s1 =	sadd.s32 s1, s30  }
0xba: {  	s0 =	sor.u32 s3, s0;
	s1 =	sshll.u32 s1, $0x11  }
0xbb: {  	s0 =	sor.u32 s1, s0  }
0xbc: {  	s0 =	sadd.s32 $0x8F2B, s0  }
0xbd: {  	[sflag:s0] =	ssyncadd.remote.s32 $0x1  }
0xbe: {  	_ =	sfence.sel $0xFFFF  }
0xbf: {  	[dreg:$0x0] =	wrdreg $0xFFFFFFFF;
	(pc) =	sbr.abs _section_cstart, $3  }
0xc0: {  	[dreg:$0x1] =	wrdreg $0xFFFFFFFF  }
0xc1: {  	_ =	task.clear_ibuf [dreg:s7], $0x2FFFF;
	_ =	strace $0x9FFFFFFF  }
0xc2: {  	(tm) =	ssettm $0x7FFFFFFF  }
0xc3: {  	_ =	shalt  }
tec
execute0_lowered:
.L_overlay_start_1:
0x0: {  	(tag) =	ssettag $0x1  }
0x1: {  	s0 =	srdreg.scid;
	s1 =	rddreg [dreg:$0x0]  }
0x2: {  	s3 =	stileid.u32;
	s2 =	rddreg [dreg:$0x1];
	s17 =	simm.s32 $0x64  }
0x3: {  	s13 =	simm.s32 $0x680;
	s19 =	simm.s32 $0xA;
	s20 =	simm.s32 $0x7100  }
0x4: {  	s12 =	simm.s32 $0x1;
	s14 =	simm.s32 $0xB;
	s16 =	simm.s32 $0xD500  }
0x5: {  	s9 =	simm.s32 $0xC;
	s15 =	simm.s32 $0x13900;
	s21 =	simm.s32 $0x19080  }
0x6: {  	s22 =	simm.s32 $0x3;
	s18 =	simm.s32 $0x4;
	s23 =	simm.s32 $0x8  }
0x7: {  	s24 =	simm.s32 $0x0;
	s0 =	sand.u32 $0x1, s0;
	s4 =	sshll.u32 s3, $0x6  }
0x8: {  	s3 =	simm.s32 $0x0;
	s6 =	sadd.s32 $0xF43000, s1;
	s5 =	sshll.u32 s0, $0x5  }
0x9: {  	[smem:$0x7FF] =	sst s3;
	s0 =	ssub.s32 $0x2, s0;
	s4 =	sor.u32 s5, s4  }
0xa: {  	_ =	strace $0x80000047;
	s5 =	sadd.s32 $0xC00, s1;
	s8 =	sshrl.u32 s0, $0x1  }
0xb: {  	s1 =	sadd.s32 $0x1AC00, s1;
	s7 =	smul.u32 $0x68, s4;
	s0 =	ssub.s32 s0, s8  }
0xc: {  	[dreg:$0x4] =	wrdreg s1;
	s10 =	sor.u32 $0x4, s4;
	s0 =	smax.u32 s0, $0x1  }
0xd: {  	s11 =	sor.u32 $0x5, s4;
	s7 =	sadd.s32 s5, s7;
	[dreg:$0x6] =	wrdreg s0  }
0xe: {  	s8 =	simm.s32 $0x2;
	[dreg:$0x3] =	wrdreg s7;
	s31 =	sadd.s32 $0x68, s7  }
0xf: {  	s0 =	simm.s32 $0xC98;
	s7 =	simm.s32 $0x9C0;
	[dreg:$0x5] =	wrdreg s31  }
.LBB2_1:
0x10: {  	[dreg:$0x7] =	wrdreg s24  }
0x11: {  	s1 =	rddreg [dreg:$0x4];
	s30 =	simm.s32 $0x19D00;
	s31 =	simm.s32 $0xD  }
0x12: {  	[tilespmem:s30], [sflag:$0xD] =	stream.linear.gather [hbm4b:s1+s3], $0x1900, $0x38;
	[tilespmem:$0x1B600] =	vst v63  }
0x13: {  	_ =	swait.ge [sflag:s31], $0x1900  }
0x14: {  	[sflag:s31] =	ssyncset.done $0x0  }
0x15: {  	s24 =	rddreg [dreg:$0x3];
	[sflag:s31] =	ssyncadd.s32 $0xFFFFE700  }
0x16: {  	[tilespmem:s3], [sflag:$0x9] =	stream.linear.gather [hbm4b:s24+s3], $0x340, $0x38;
	[tilespmem:$0x1B600] =	vst v63  }
0x17: {  	s26 =	simm.s32 $0x340;
	s28 =	simm.s32 $0x9;
	s25 =	rddreg [dreg:$0x5]  }
0x18: {  	[tilespmem:s26], [sflag:$0xA] =	stream.linear.gather [hbm4b:s25+s3], $0x340, $0x38;
	[tilespmem:$0x1B600] =	vst v63  }
0x19: {  	_ =	swait.ge [sflag:s28], $0x340  }
0x1a: {  	[sflag:s28] =	ssyncset.done $0x0  }
0x1b: {  	s29 =	simm.s32 $0xD00;
	[sflag:s28] =	ssyncadd.s32 $0xFFFFFCC0  }
0x1c: {  	[tilespmem:s29], [sflag:$0x1] =	stream.indirect.gather [hbm4b:s6+s17], $0x20, s3, s17, $0xb8;
	[tilespmem:$0x1B600] =	vst v63  }
0x1d: {  	s30 =	simm.s32 $0x68;
	s31 =	simm.s32 $0x1980  }
0x1e: {  	[tilespmem:s31], [sflag:$0x1] =	stream.indirect.gather [hbm4b:s6+s17], $0x20, s30, s17, $0xb8;
	[tilespmem:$0x1B600] =	vst v63  }
0x1f: {  	s25 =	simm.s32 $0xD0;
	s26 =	simm.s32 $0x2600  }
0x20: {  	[tilespmem:s26], [sflag:$0x1] =	stream.indirect.gather [hbm4b:s6+s17], $0x20, s25, s17, $0xb8;
	[tilespmem:$0x1B600] =	vst v63  }
0x21: {  	s28 =	simm.s32 $0x138;
	s29 =	simm.s32 $0x3280  }
0x22: {  	[tilespmem:s29], [sflag:$0x1] =	stream.indirect.gather [hbm4b:s6+s17], $0x20, s28, s17, $0xb8;
	[tilespmem:$0x1B600] =	vst v63  }
0x23: {  	s30 =	simm.s32 $0x1A0;
	s31 =	simm.s32 $0x3F00  }
0x24: {  	[tilespmem:s31], [sflag:$0x1] =	stream.indirect.gather [hbm4b:s6+s17], $0x20, s30, s17, $0xb8;
	[tilespmem:$0x1B600] =	vst v63  }
0x25: {  	s25 =	simm.s32 $0x208;
	s26 =	simm.s32 $0x4B80  }
0x26: {  	[tilespmem:s26], [sflag:$0x1] =	stream.indirect.gather [hbm4b:s6+s17], $0x20, s25, s17, $0xb8;
	[tilespmem:$0x1B600] =	vst v63  }
0x27: {  	s28 =	simm.s32 $0x270;
	s29 =	simm.s32 $0x5800  }
0x28: {  	[tilespmem:s29], [sflag:$0x1] =	stream.indirect.gather [hbm4b:s6+s17], $0x20, s28, s17, $0xb8;
	[tilespmem:$0x1B600] =	vst v63  }
0x29: {  	s24 =	simm.s32 $0x0;
	s30 =	simm.s32 $0x2D8;
	s31 =	simm.s32 $0x6480  }
0x2a: {  	[tilespmem:s31], [sflag:$0x1] =	stream.indirect.gather [hbm4b:s6+s17], $0x20, s30, s17, $0xb8;
	[tilespmem:$0x1B600] =	vst v63  }
.LBB2_2:
0x2b: {  	s26 =	sshll.u32 s24, $0x2  }
0x2c: {  	s25 =	sor.u32 s26, s4  }
0x2d: {  	s28 =	sor.u32 $0x2, s25  }
0x2e: {  	s29 =	smul.u32 $0x68, s28;
	_ =	sdelay $0x1  }
0x2f: {  	p0 =	seq.s32 s24, $0x0;
	s29 =	sadd.s32 s5, s29  }
0x30: {  	[tilespmem:s13], [sflag:$0xB] =	stream.linear.gather [hbm4b:s29+s3], $0x340, $0x38;
	[tilespmem:$0x1B600] =	vst v63  }
0x31: {  	s29 =	simm.s32 @!p0 $0x6  }
0x32: {  	_ =	swait.ge @!p0 [sflag:s29], $0x6400  }
0x33: {  	[sflag:s29] =	ssyncset.done @!p0 $0x0  }
0x34: {  	[sflag:s29] =	ssyncadd.s32 @!p0 $0xFFFF9C00  }
0x35: {  	_ =	swait.ge [sflag:s19], $0x340  }
0x36: {  	[sflag:s19] =	ssyncset.done $0x0  }
0x37: {  	s1 =	simm.s32 $0x340;
	[sflag:s19] =	ssyncadd.s32 $0xFFFFFCC0  }
0x38: {  	[tilespmem:s20], [sflag:$0x2] =	stream.indirect.gather [hbm4b:s6+s17], $0x20, s1, s17, $0xb8;
	[tilespmem:$0x1B600] =	vst v63  }
0x39: {  	s31 =	simm.s32 $0x3A8;
	s29 =	simm.s32 $0x7D80  }
0x3a: {  	[tilespmem:s29], [sflag:$0x2] =	stream.indirect.gather [hbm4b:s6+s17], $0x20, s31, s17, $0xb8;
	[tilespmem:$0x1B600] =	vst v63  }
0x3b: {  	s31 =	simm.s32 $0x410;
	s29 =	simm.s32 $0x8A00  }
0x3c: {  	[tilespmem:s29], [sflag:$0x2] =	stream.indirect.gather [hbm4b:s6+s17], $0x20, s31, s17, $0xb8;
	[tilespmem:$0x1B600] =	vst v63  }
0x3d: {  	s31 =	simm.s32 $0x478;
	s29 =	simm.s32 $0x9680  }
0x3e: {  	[tilespmem:s29], [sflag:$0x2] =	stream.indirect.gather [hbm4b:s6+s17], $0x20, s31, s17, $0xb8;
	[tilespmem:$0x1B600] =	vst v63  }
0x3f: {  	s31 =	simm.s32 $0x4E0;
	s29 =	simm.s32 $0xA300  }
0x40: {  	[tilespmem:s29], [sflag:$0x2] =	stream.indirect.gather [hbm4b:s6+s17], $0x20, s31, s17, $0xb8;
	[tilespmem:$0x1B600] =	vst v63  }
0x41: {  	s31 =	simm.s32 $0x548;
	s29 =	simm.s32 $0xAF80  }
0x42: {  	[tilespmem:s29], [sflag:$0x2] =	stream.indirect.gather [hbm4b:s6+s17], $0x20, s31, s17, $0xb8;
	[tilespmem:$0x1B600] =	vst v63  }
0x43: {  	s31 =	simm.s32 $0x5B0;
	s29 =	simm.s32 $0xBC00  }
0x44: {  	[tilespmem:s29], [sflag:$0x2] =	stream.indirect.gather [hbm4b:s6+s17], $0x20, s31, s17, $0xb8;
	[tilespmem:$0x1B600] =	vst v63  }
0x45: {  	s31 =	simm.s32 $0x618;
	s29 =	simm.s32 $0xC880  }
0x46: {  	[tilespmem:s29], [sflag:$0x2] =	stream.indirect.gather [hbm4b:s6+s17], $0x20, s31, s17, $0xb8;
	[tilespmem:$0x1B600] =	vst v63  }
0x47: {  	_ =	swait.ge [sflag:s12], $0xC80  }
0x48: {  	[sflag:s12] =	ssyncset.done $0x0  }
0x49: {  	[sflag:s12] =	ssyncadd.s32 $0xFFFFF380  }
0x4a: {  	_ =	swait.ge [sflag:s12], $0xC80  }
0x4b: {  	[sflag:s12] =	ssyncset.done $0x0  }
0x4c: {  	[sflag:s12] =	ssyncadd.s32 $0xFFFFF380  }
0x4d: {  	_ =	swait.ge [sflag:s12], $0xC80  }
0x4e: {  	[sflag:s12] =	ssyncset.done $0x0  }
0x4f: {  	[sflag:s12] =	ssyncadd.s32 $0xFFFFF380  }
0x50: {  	_ =	swait.ge [sflag:s12], $0xC80  }
0x51: {  	[sflag:s12] =	ssyncset.done $0x0  }
0x52: {  	[sflag:s12] =	ssyncadd.s32 $0xFFFFF380  }
0x53: {  	_ =	swait.ge [sflag:s12], $0xC80  }
0x54: {  	[sflag:s12] =	ssyncset.done $0x0  }
0x55: {  	[sflag:s12] =	ssyncadd.s32 $0xFFFFF380  }
0x56: {  	_ =	swait.ge [sflag:s12], $0xC80  }
0x57: {  	[sflag:s12] =	ssyncset.done $0x0  }
0x58: {  	[sflag:s12] =	ssyncadd.s32 $0xFFFFF380  }
0x59: {  	_ =	swait.ge [sflag:s12], $0xC80  }
0x5a: {  	[sflag:s12] =	ssyncset.done $0x0  }
0x5b: {  	[sflag:s12] =	ssyncadd.s32 $0xFFFFF380  }
0x5c: {  	_ =	swait.ge [sflag:s12], $0xC80  }
0x5d: {  	[sflag:s12] =	ssyncset.done $0x0  }
0x5e: {  	s29 =	simm.s32 $0x0;
	[sflag:s12] =	ssyncadd.s32 $0xFFFFF380  }
0x5f: {  	v1 =	vld [tilespmem:s29+$0x19D00]  }
0x60: {  	v0 =	vld [tilespmem:s29+$0x19D10]  }
0x61: {  	v5 =	vld [tilespmem:s29+$0xD00]  }
0x62: {  	v7 =	vld [tilespmem:s29+$0xD10]  }
0x63: {  	v6 =	vld [tilespmem:s29+$0x2600]  }
0x64: {  	v3 =	vld [tilespmem:s29+$0x2610]  }
0x65: {  	v2 =	vld [tilespmem:s29+$0x3F00]  }
0x66: {  	v4 =	vld [tilespmem:s29+$0x3F10];
	v8 =	vadd.f32 v5, v1  }
0x67: {  	s30 =	simm.s32 $0x80;
	v7 =	vadd.f32 v7, v0;
	v5 =	vld [tilespmem:s29+$0x5800]  }
.LBB2_3:
0x68: {  	s31 =	sshra.s32 s30, $0x2;
	p1 =	sne.s32 s30, $0x6380;
	[tilespmem:s29+$0xD00] =	vst v8;
	v6 =	vadd.f32 v6, v1;
	v8 =	vld [tilespmem:s29+$0x5810]  }
0x69: {  	v9 =	vld [tilespmem:s31+$0x19D00];
	[tilespmem:s29+$0xD10] =	vst v7;
	v3 =	vadd.f32 v3, v0  }
0x6a: {  	v7 =	vld [tilespmem:s31+$0x19D10];
	[tilespmem:s29+$0x2600] =	vst v6;
	v2 =	vadd.f32 v2, v1  }
0x6b: {  	v10 =	vld [tilespmem:s31+$0xD00];
	[tilespmem:s29+$0x2610] =	vst v3;
	v3 =	vadd.f32 v4, v0  }
0x6c: {  	v11 =	vld [tilespmem:s31+$0xD10];
	[tilespmem:s29+$0x3F00] =	vst v2;
	v2 =	vadd.f32 v5, v1  }
.Ltmp0:
0x6d: {  	v6 =	vld [tilespmem:s31+$0x2600];
	[tilespmem:s29+$0x3F10] =	vst v3;
	v4 =	vadd.f32 v8, v0;
	(pc) =	sbr.rel @p1 .LBB2_3-.Ltmp0, $4  }
0x6e: {  	v3 =	vld [tilespmem:s31+$0x2610];
	[tilespmem:s29+$0x5800] =	vst v2;
	v1 =	vmov v9  }
0x6f: {  	v2 =	vld [tilespmem:s31+$0x3F00];
	[tilespmem:s29+$0x5810] =	vst v4;
	v0 =	vmov v7;
	s29 =	smov.u32 s31  }
0x70: {  	v8 =	vadd.f32 v10, v1;
	v4 =	vld [tilespmem:s29+$0x3F10]  }
0x71: {  	s30 =	sadd.s32 $0x80, s30;
	v7 =	vadd.f32 v11, v0;
	v5 =	vld [tilespmem:s29+$0x5800]  }
0x72: {  	[tilespmem:s29+$0xD00] =	vst v8;
	v6 =	vadd.f32 v6, v1;
	v8 =	vld [tilespmem:s29+$0x5810]  }
0x73: {  	[tilespmem:s29+$0xD10] =	vst v7;
	v3 =	vadd.f32 v3, v0  }
0x74: {  	[tilespmem:s29+$0x2600] =	vst v6;
	v2 =	vadd.f32 v2, v1  }
0x75: {  	[tilespmem:s29+$0x2610] =	vst v3;
	v3 =	vadd.f32 v4, v0  }
0x76: {  	s30 =	sadd.s32 s4, s26;
	[tilespmem:s29+$0x3F00] =	vst v2;
	v1 =	vadd.f32 v5, v1  }
0x77: {  	s31 =	smul.u32 $0xC80, s30;
	[tilespmem:s29+$0x3F10] =	vst v3;
	v0 =	vadd.f32 v8, v0  }
0x78: {  	s25 =	sor.u32 $0x3, s25;
	[tilespmem:s29+$0x5800] =	vst v1  }
0x79: {  	s1 =	simm.s32 $0xD00;
	[tilespmem:s29+$0x5810] =	vst v0;
	s29 =	sadd.s32 s2, s31;
	s31 =	smul.u32 $0x68, s25  }
0x7a: {  	[hbm4b:s29+s3] =	stream.linear.scatter [tilespmem:s1], [sflag:$0x5], $0x6400, $0x38;
	[tilespmem:$0x1B600] =	vst v63  }
0x7b: {  	s29 =	sadd.s32 s5, s31  }
0x7c: {  	[tilespmem:s7], [sflag:$0xC] =	stream.linear.gather [hbm4b:s29+s3], $0x340, $0x38;
	[tilespmem:$0x1B600] =	vst v63  }
0x7d: {  	s29 =	simm.s32 @!p0 $0x7  }
0x7e: {  	_ =	swait.ge @!p0 [sflag:s29], $0x6400  }
0x7f: {  	[sflag:s29] =	ssyncset.done @!p0 $0x0  }
0x80: {  	[sflag:s29] =	ssyncadd.s32 @!p0 $0xFFFF9C00  }
0x81: {  	_ =	swait.ge [sflag:s14], $0x340  }
0x82: {  	[sflag:s14] =	ssyncset.done $0x0  }
0x83: {  	[sflag:s14] =	ssyncadd.s32 $0xFFFFFCC0  }
0x84: {  	[tilespmem:s16], [sflag:$0x3] =	stream.indirect.gather [hbm4b:s6+s17], $0x20, s13, s17, $0xb8;
	[tilespmem:$0x1B600] =	vst v63  }
0x85: {  	s1 =	simm.s32 $0x6E8;
	s29 =	simm.s32 $0xE180  }
0x86: {  	[tilespmem:s29], [sflag:$0x3] =	stream.indirect.gather [hbm4b:s6+s17], $0x20, s1, s17, $0xb8;
	[tilespmem:$0x1B600] =	vst v63  }
0x87: {  	s1 =	simm.s32 $0x750;
	s29 =	simm.s32 $0xEE00  }
0x88: {  	[tilespmem:s29], [sflag:$0x3] =	stream.indirect.gather [hbm4b:s6+s17], $0x20, s1, s17, $0xb8;
	[tilespmem:$0x1B600] =	vst v63  }
0x89: {  	s1 =	simm.s32 $0x7B8;
	s29 =	simm.s32 $0xFA80  }
0x8a: {  	[tilespmem:s29], [sflag:$0x3] =	stream.indirect.gather [hbm4b:s6+s17], $0x20, s1, s17, $0xb8;
	[tilespmem:$0x1B600] =	vst v63  }
0x8b: {  	s1 =	simm.s32 $0x820;
	s29 =	simm.s32 $0x10700  }
0x8c: {  	[tilespmem:s29], [sflag:$0x3] =	stream.indirect.gather [hbm4b:s6+s17], $0x20, s1, s17, $0xb8;
	[tilespmem:$0x1B600] =	vst v63  }
0x8d: {  	s1 =	simm.s32 $0x888;
	s29 =	simm.s32 $0x11380  }
0x8e: {  	[tilespmem:s29], [sflag:$0x3] =	stream.indirect.gather [hbm4b:s6+s17], $0x20, s1, s17, $0xb8;
	[tilespmem:$0x1B600] =	vst v63  }
0x8f: {  	s1 =	simm.s32 $0x8F0;
	s29 =	simm.s32 $0x12000  }
0x90: {  	[tilespmem:s29], [sflag:$0x3] =	stream.indirect.gather [hbm4b:s6+s17], $0x20, s1, s17, $0xb8;
	[tilespmem:$0x1B600] =	vst v63  }
0x91: {  	s1 =	simm.s32 $0x958;
	s29 =	simm.s32 $0x12C80  }
0x92: {  	[tilespmem:s29], [sflag:$0x3] =	stream.indirect.gather [hbm4b:s6+s17], $0x20, s1, s17, $0xb8;
	[tilespmem:$0x1B600] =	vst v63  }
0x93: {  	_ =	swait.ge [sflag:s8], $0xC80  }
0x94: {  	[sflag:s8] =	ssyncset.done $0x0  }
0x95: {  	[sflag:s8] =	ssyncadd.s32 $0xFFFFF380  }
0x96: {  	_ =	swait.ge [sflag:s8], $0xC80  }
0x97: {  	[sflag:s8] =	ssyncset.done $0x0  }
0x98: {  	[sflag:s8] =	ssyncadd.s32 $0xFFFFF380  }
0x99: {  	_ =	swait.ge [sflag:s8], $0xC80  }
0x9a: {  	[sflag:s8] =	ssyncset.done $0x0  }
0x9b: {  	[sflag:s8] =	ssyncadd.s32 $0xFFFFF380  }
0x9c: {  	_ =	swait.ge [sflag:s8], $0xC80  }
0x9d: {  	[sflag:s8] =	ssyncset.done $0x0  }
0x9e: {  	[sflag:s8] =	ssyncadd.s32 $0xFFFFF380  }
0x9f: {  	_ =	swait.ge [sflag:s8], $0xC80  }
0xa0: {  	[sflag:s8] =	ssyncset.done $0x0  }
0xa1: {  	[sflag:s8] =	ssyncadd.s32 $0xFFFFF380  }
0xa2: {  	_ =	swait.ge [sflag:s8], $0xC80  }
0xa3: {  	[sflag:s8] =	ssyncset.done $0x0  }
0xa4: {  	[sflag:s8] =	ssyncadd.s32 $0xFFFFF380  }
0xa5: {  	_ =	swait.ge [sflag:s8], $0xC80  }
0xa6: {  	[sflag:s8] =	ssyncset.done $0x0  }
0xa7: {  	[sflag:s8] =	ssyncadd.s32 $0xFFFFF380  }
0xa8: {  	_ =	swait.ge [sflag:s8], $0xC80  }
0xa9: {  	[sflag:s8] =	ssyncset.done $0x0  }
0xaa: {  	s29 =	simm.s32 $0x0;
	[sflag:s8] =	ssyncadd.s32 $0xFFFFF380  }
0xab: {  	v1 =	vld [tilespmem:s29+$0x19D00]  }
0xac: {  	v0 =	vld [tilespmem:s29+$0x19D10]  }
0xad: {  	v5 =	vld [tilespmem:s29+$0x7100]  }
0xae: {  	v7 =	vld [tilespmem:s29+$0x7110]  }
0xaf: {  	v6 =	vld [tilespmem:s29+$0x8A00]  }
0xb0: {  	v3 =	vld [tilespmem:s29+$0x8A10]  }
0xb1: {  	v2 =	vld [tilespmem:s29+$0xA300]  }
0xb2: {  	v4 =	vld [tilespmem:s29+$0xA310];
	v8 =	vadd.f32 v5, v1  }
0xb3: {  	s30 =	sadd.s32 $0x1, s30;
	s31 =	simm.s32 $0x80;
	v7 =	vadd.f32 v7, v0;
	v5 =	vld [tilespmem:s29+$0xBC00]  }
.LBB2_5:
0xb4: {  	s1 =	sshra.s32 s31, $0x2;
	p0 =	sne.s32 s31, $0x6380;
	[tilespmem:s29+$0x7100] =	vst v8;
	v6 =	vadd.f32 v6, v1;
	v8 =	vld [tilespmem:s29+$0xBC10]  }
0xb5: {  	v9 =	vld [tilespmem:s1+$0x19D00];
	[tilespmem:s29+$0x7110] =	vst v7;
	v3 =	vadd.f32 v3, v0  }
0xb6: {  	v7 =	vld [tilespmem:s1+$0x19D10];
	[tilespmem:s29+$0x8A00] =	vst v6;
	v2 =	vadd.f32 v2, v1  }
0xb7: {  	v10 =	vld [tilespmem:s1+$0x7100];
	[tilespmem:s29+$0x8A10] =	vst v3;
	v3 =	vadd.f32 v4, v0  }
0xb8: {  	v11 =	vld [tilespmem:s1+$0x7110];
	[tilespmem:s29+$0xA300] =	vst v2;
	v2 =	vadd.f32 v5, v1  }
.Ltmp1:
0xb9: {  	v6 =	vld [tilespmem:s1+$0x8A00];
	[tilespmem:s29+$0xA310] =	vst v3;
	v4 =	vadd.f32 v8, v0;
	(pc) =	sbr.rel @p0 .LBB2_5-.Ltmp1, $4  }
0xba: {  	v3 =	vld [tilespmem:s1+$0x8A10];
	[tilespmem:s29+$0xBC00] =	vst v2;
	v1 =	vmov v9  }
0xbb: {  	v2 =	vld [tilespmem:s1+$0xA300];
	[tilespmem:s29+$0xBC10] =	vst v4;
	v0 =	vmov v7;
	s29 =	smov.u32 s1  }
0xbc: {  	v8 =	vadd.f32 v10, v1;
	v4 =	vld [tilespmem:s29+$0xA310]  }
0xbd: {  	s31 =	sadd.s32 $0x80, s31;
	v7 =	vadd.f32 v11, v0;
	v5 =	vld [tilespmem:s29+$0xBC00]  }
0xbe: {  	[tilespmem:s29+$0x7100] =	vst v8;
	v6 =	vadd.f32 v6, v1;
	v8 =	vld [tilespmem:s29+$0xBC10]  }
0xbf: {  	[tilespmem:s29+$0x7110] =	vst v7;
	v3 =	vadd.f32 v3, v0  }
0xc0: {  	[tilespmem:s29+$0x8A00] =	vst v6;
	v2 =	vadd.f32 v2, v1  }
0xc1: {  	[tilespmem:s29+$0x8A10] =	vst v3;
	v3 =	vadd.f32 v4, v0  }
0xc2: {  	[tilespmem:s29+$0xA300] =	vst v2;
	v1 =	vadd.f32 v5, v1  }
0xc3: {  	s1 =	smul.u32 $0xC80, s30;
	p0 =	seq.s32 s24, $0x7;
	[tilespmem:s29+$0xA310] =	vst v3;
	v0 =	vadd.f32 v8, v0  }
0xc4: {  	s30 =	sadd.s32 @!p0 s26, s10;
	[tilespmem:s29+$0xBC00] =	vst v1  }
0xc5: {  	p1 =	seq.s32 @!p0 s24, $0x0;
	s1 =	sadd.s32 s2, s1;
	[tilespmem:s29+$0xBC10] =	vst v0;
	s29 =	smul.u32 @!p0 $0x68, s30  }
0xc6: {  	[hbm4b:s1+s3] =	stream.linear.scatter [tilespmem:s20], [sflag:$0x6], $0x6400, $0x38;
	[tilespmem:$0x1B600] =	vst v63  }
0xc7: {  	p1 =	por p0, !p1;
	s1 =	sadd.s32 @!p0 s5, s29;
	s29 =	simm.s32 @!p0 $0x0  }
0xc8: {  	[tilespmem:s29], [sflag:$0x9] =	stream.linear.gather @!p0 [hbm4b:s1+s29], $0x340, $0x38;
	[tilespmem:$0x1B600] =	vst v63  }
0xc9: {  	_ =	swait.ge @p1 [sflag:s23], $0x6400  }
0xca: {  	[sflag:s23] =	ssyncset.done @p1 $0x0  }
0xcb: {  	[sflag:s23] =	ssyncadd.s32 @p1 $0xFFFF9C00  }
0xcc: {  	_ =	swait.ge [sflag:s9], $0x340  }
0xcd: {  	[sflag:s9] =	ssyncset.done $0x0  }
0xce: {  	[sflag:s9] =	ssyncadd.s32 $0xFFFFFCC0  }
0xcf: {  	[tilespmem:s15], [sflag:$0x4] =	stream.indirect.gather [hbm4b:s6+s17], $0x20, s7, s17, $0xb8;
	[tilespmem:$0x1B600] =	vst v63  }
0xd0: {  	s31 =	simm.s32 $0xA28;
	s29 =	simm.s32 $0x14580  }
0xd1: {  	[tilespmem:s29], [sflag:$0x4] =	stream.indirect.gather [hbm4b:s6+s17], $0x20, s31, s17, $0xb8;
	[tilespmem:$0x1B600] =	vst v63  }
0xd2: {  	s31 =	simm.s32 $0xA90;
	s29 =	simm.s32 $0x15200  }
0xd3: {  	[tilespmem:s29], [sflag:$0x4] =	stream.indirect.gather [hbm4b:s6+s17], $0x20, s31, s17, $0xb8;
	[tilespmem:$0x1B600] =	vst v63  }
0xd4: {  	s31 =	simm.s32 $0xAF8;
	s29 =	simm.s32 $0x15E80  }
0xd5: {  	[tilespmem:s29], [sflag:$0x4] =	stream.indirect.gather [hbm4b:s6+s17], $0x20, s31, s17, $0xb8;
	[tilespmem:$0x1B600] =	vst v63  }
0xd6: {  	s31 =	simm.s32 $0xB60;
	s29 =	simm.s32 $0x16B00  }
0xd7: {  	[tilespmem:s29], [sflag:$0x4] =	stream.indirect.gather [hbm4b:s6+s17], $0x20, s31, s17, $0xb8;
	[tilespmem:$0x1B600] =	vst v63  }
0xd8: {  	s31 =	simm.s32 $0xBC8;
	s29 =	simm.s32 $0x17780  }
0xd9: {  	[tilespmem:s29], [sflag:$0x4] =	stream.indirect.gather [hbm4b:s6+s17], $0x20, s31, s17, $0xb8;
	[tilespmem:$0x1B600] =	vst v63  }
0xda: {  	s31 =	simm.s32 $0xC30;
	s29 =	simm.s32 $0x18400  }
0xdb: {  	[tilespmem:s29], [sflag:$0x4] =	stream.indirect.gather [hbm4b:s6+s17], $0x20, s31, s17, $0xb8;
	[tilespmem:$0x1B600] =	vst v63  }
0xdc: {  	_ = 	snop  }
0xdd: {  	[tilespmem:s21], [sflag:$0x4] =	stream.indirect.gather [hbm4b:s6+s17], $0x20, s0, s17, $0xb8;
	[tilespmem:$0x1B600] =	vst v63  }
0xde: {  	_ =	swait.ge [sflag:s22], $0xC80  }
0xdf: {  	[sflag:s22] =	ssyncset.done $0x0  }
0xe0: {  	[sflag:s22] =	ssyncadd.s32 $0xFFFFF380  }
0xe1: {  	_ =	swait.ge [sflag:s22], $0xC80  }
0xe2: {  	[sflag:s22] =	ssyncset.done $0x0  }
0xe3: {  	[sflag:s22] =	ssyncadd.s32 $0xFFFFF380  }
0xe4: {  	_ =	swait.ge [sflag:s22], $0xC80  }
0xe5: {  	[sflag:s22] =	ssyncset.done $0x0  }
0xe6: {  	[sflag:s22] =	ssyncadd.s32 $0xFFFFF380  }
0xe7: {  	_ =	swait.ge [sflag:s22], $0xC80  }
0xe8: {  	[sflag:s22] =	ssyncset.done $0x0  }
0xe9: {  	[sflag:s22] =	ssyncadd.s32 $0xFFFFF380  }
0xea: {  	_ =	swait.ge [sflag:s22], $0xC80  }
0xeb: {  	[sflag:s22] =	ssyncset.done $0x0  }
0xec: {  	[sflag:s22] =	ssyncadd.s32 $0xFFFFF380  }
0xed: {  	_ =	swait.ge [sflag:s22], $0xC80  }
0xee: {  	[sflag:s22] =	ssyncset.done $0x0  }
0xef: {  	[sflag:s22] =	ssyncadd.s32 $0xFFFFF380  }
0xf0: {  	_ =	swait.ge [sflag:s22], $0xC80  }
0xf1: {  	[sflag:s22] =	ssyncset.done $0x0  }
0xf2: {  	[sflag:s22] =	ssyncadd.s32 $0xFFFFF380  }
0xf3: {  	_ =	swait.ge [sflag:s22], $0xC80  }
0xf4: {  	[sflag:s22] =	ssyncset.done $0x0  }
0xf5: {  	s29 =	simm.s32 $0x0;
	[sflag:s22] =	ssyncadd.s32 $0xFFFFF380  }
0xf6: {  	v1 =	vld [tilespmem:s29+$0x19D00]  }
0xf7: {  	v0 =	vld [tilespmem:s29+$0x19D10]  }
0xf8: {  	v5 =	vld [tilespmem:s29+$0xD500]  }
0xf9: {  	v7 =	vld [tilespmem:s29+$0xD510]  }
0xfa: {  	v6 =	vld [tilespmem:s29+$0xEE00]  }
0xfb: {  	v3 =	vld [tilespmem:s29+$0xEE10]  }
0xfc: {  	v2 =	vld [tilespmem:s29+$0x10700]  }
0xfd: {  	v4 =	vld [tilespmem:s29+$0x10710];
	v8 =	vadd.f32 v5, v1  }
0xfe: {  	s30 =	simm.s32 $0x80;
	v7 =	vadd.f32 v7, v0;
	v5 =	vld [tilespmem:s29+$0x12000]  }
.LBB2_7:
0xff: {  	s1 =	sshra.s32 s30, $0x2;
	p1 =	sne.s32 s30, $0x6380;
	[tilespmem:s29+$0xD500] =	vst v8;
	v6 =	vadd.f32 v6, v1;
	v8 =	vld [tilespmem:s29+$0x12010]  }
0x100: {  	v9 =	vld [tilespmem:s1+$0x19D00];
	[tilespmem:s29+$0xD510] =	vst v7;
	v3 =	vadd.f32 v3, v0  }
0x101: {  	v7 =	vld [tilespmem:s1+$0x19D10];
	[tilespmem:s29+$0xEE00] =	vst v6;
	v2 =	vadd.f32 v2, v1  }
0x102: {  	v10 =	vld [tilespmem:s1+$0xD500];
	[tilespmem:s29+$0xEE10] =	vst v3;
	v3 =	vadd.f32 v4, v0  }
0x103: {  	v11 =	vld [tilespmem:s1+$0xD510];
	[tilespmem:s29+$0x10700] =	vst v2;
	v2 =	vadd.f32 v5, v1  }
.Ltmp2:
0x104: {  	v6 =	vld [tilespmem:s1+$0xEE00];
	[tilespmem:s29+$0x10710] =	vst v3;
	v4 =	vadd.f32 v8, v0;
	(pc) =	sbr.rel @p1 .LBB2_7-.Ltmp2, $4  }
0x105: {  	v3 =	vld [tilespmem:s1+$0xEE10];
	[tilespmem:s29+$0x12000] =	vst v2;
	v1 =	vmov v9  }
0x106: {  	v2 =	vld [tilespmem:s1+$0x10700];
	[tilespmem:s29+$0x12010] =	vst v4;
	v0 =	vmov v7;
	s29 =	smov.u32 s1  }
0x107: {  	v8 =	vadd.f32 v10, v1;
	v4 =	vld [tilespmem:s29+$0x10710]  }
0x108: {  	s30 =	sadd.s32 $0x80, s30;
	v7 =	vadd.f32 v11, v0;
	v5 =	vld [tilespmem:s29+$0x12000]  }
0x109: {  	[tilespmem:s29+$0xD500] =	vst v8;
	v6 =	vadd.f32 v6, v1;
	v8 =	vld [tilespmem:s29+$0x12010]  }
0x10a: {  	[tilespmem:s29+$0xD510] =	vst v7;
	v3 =	vadd.f32 v3, v0  }
0x10b: {  	[tilespmem:s29+$0xEE00] =	vst v6;
	v2 =	vadd.f32 v2, v1  }
0x10c: {  	[tilespmem:s29+$0xEE10] =	vst v3;
	v3 =	vadd.f32 v4, v0  }
0x10d: {  	[tilespmem:s29+$0x10700] =	vst v2;
	v1 =	vadd.f32 v5, v1  }
0x10e: {  	s1 =	smul.u32 $0xC80, s28;
	[tilespmem:s29+$0x10710] =	vst v3;
	v0 =	vadd.f32 v8, v0  }
0x10f: {  	[tilespmem:s29+$0x12000] =	vst v1  }
0x110: {  	s1 =	sadd.s32 s2, s1;
	[tilespmem:s29+$0x12010] =	vst v0  }
0x111: {  	[hbm4b:s1+s3] =	stream.linear.scatter [tilespmem:s16], [sflag:$0x7], $0x6400, $0x38;
	[tilespmem:$0x1B600] =	vst v63  }
0x112: {  	s26 =	sadd.s32 @!p0 s26, s11;
	s1 =	simm.s32 @p0 $0x5  }
0x113: {  	s26 =	smul.u32 @!p0 $0x68, s26;
	_ =	swait.ge @p0 [sflag:s1], $0x6400  }
0x114: {  	s28 =	simm.s32 @!p0 $0x340;
	[sflag:s1] =	ssyncset.done @p0 $0x0  }
0x115: {  	[sflag:s1] =	ssyncadd.s32 @p0 $0xFFFF9C00;
	s1 =	sadd.s32 @!p0 s5, s26;
	s26 =	simm.s32 @!p0 $0x0  }
0x116: {  	[tilespmem:s28], [sflag:$0xA] =	stream.linear.gather @!p0 [hbm4b:s1+s26], $0x340, $0x38;
	[tilespmem:$0x1B600] =	vst v63  }
0x117: {  	s1 =	simm.s32 @!p0 $0x5  }
0x118: {  	_ =	swait.ge @!p0 [sflag:s1], $0x6400  }
0x119: {  	[sflag:s1] =	ssyncset.done @!p0 $0x0  }
0x11a: {  	[sflag:s1] =	ssyncadd.s32 @!p0 $0xFFFF9C00;
	s1 =	simm.s32 @!p0 $0x9  }
0x11b: {  	_ =	swait.ge @!p0 [sflag:s1], $0x340  }
0x11c: {  	[sflag:s1] =	ssyncset.done @!p0 $0x0  }
0x11d: {  	s28 =	simm.s32 @!p0 $0xD00;
	[sflag:s1] =	ssyncadd.s32 @!p0 $0xFFFFFCC0;
	s1 =	simm.s32 @!p0 $0x64  }
0x11e: {  	[tilespmem:s28], [sflag:$0x1] =	stream.indirect.gather @!p0 [hbm4b:s6+s1], $0x20, s26, s1, $0xb8;
	[tilespmem:$0x1B600] =	vst v63  }
0x11f: {  	s26 =	simm.s32 @!p0 $0x68;
	s28 =	simm.s32 @!p0 $0x1980  }
0x120: {  	[tilespmem:s28], [sflag:$0x1] =	stream.indirect.gather @!p0 [hbm4b:s6+s1], $0x20, s26, s1, $0xb8;
	[tilespmem:$0x1B600] =	vst v63  }
0x121: {  	s26 =	simm.s32 @!p0 $0xD0;
	s28 =	simm.s32 @!p0 $0x2600  }
0x122: {  	[tilespmem:s28], [sflag:$0x1] =	stream.indirect.gather @!p0 [hbm4b:s6+s1], $0x20, s26, s1, $0xb8;
	[tilespmem:$0x1B600] =	vst v63  }
0x123: {  	s26 =	simm.s32 @!p0 $0x138;
	s28 =	simm.s32 @!p0 $0x3280  }
0x124: {  	[tilespmem:s28], [sflag:$0x1] =	stream.indirect.gather @!p0 [hbm4b:s6+s1], $0x20, s26, s1, $0xb8;
	[tilespmem:$0x1B600] =	vst v63  }
0x125: {  	s26 =	simm.s32 @!p0 $0x1A0;
	s28 =	simm.s32 @!p0 $0x3F00  }
0x126: {  	[tilespmem:s28], [sflag:$0x1] =	stream.indirect.gather @!p0 [hbm4b:s6+s1], $0x20, s26, s1, $0xb8;
	[tilespmem:$0x1B600] =	vst v63  }
0x127: {  	s26 =	simm.s32 @!p0 $0x208;
	s28 =	simm.s32 @!p0 $0x4B80  }
0x128: {  	[tilespmem:s28], [sflag:$0x1] =	stream.indirect.gather @!p0 [hbm4b:s6+s1], $0x20, s26, s1, $0xb8;
	[tilespmem:$0x1B600] =	vst v63  }
0x129: {  	s26 =	simm.s32 @!p0 $0x270;
	s28 =	simm.s32 @!p0 $0x5800  }
0x12a: {  	[tilespmem:s28], [sflag:$0x1] =	stream.indirect.gather @!p0 [hbm4b:s6+s1], $0x20, s26, s1, $0xb8;
	[tilespmem:$0x1B600] =	vst v63  }
0x12b: {  	s26 =	simm.s32 @!p0 $0x2D8;
	s28 =	simm.s32 @!p0 $0x6480  }
0x12c: {  	[tilespmem:s28], [sflag:$0x1] =	stream.indirect.gather @!p0 [hbm4b:s6+s1], $0x20, s26, s1, $0xb8;
	[tilespmem:$0x1B600] =	vst v63  }
0x12d: {  	_ =	swait.ge [sflag:s18], $0xC80  }
0x12e: {  	[sflag:s18] =	ssyncset.done $0x0  }
0x12f: {  	[sflag:s18] =	ssyncadd.s32 $0xFFFFF380  }
0x130: {  	_ =	swait.ge [sflag:s18], $0xC80  }
0x131: {  	[sflag:s18] =	ssyncset.done $0x0  }
0x132: {  	[sflag:s18] =	ssyncadd.s32 $0xFFFFF380  }
0x133: {  	_ =	swait.ge [sflag:s18], $0xC80  }
0x134: {  	[sflag:s18] =	ssyncset.done $0x0  }
0x135: {  	[sflag:s18] =	ssyncadd.s32 $0xFFFFF380  }
0x136: {  	_ =	swait.ge [sflag:s18], $0xC80  }
0x137: {  	[sflag:s18] =	ssyncset.done $0x0  }
0x138: {  	[sflag:s18] =	ssyncadd.s32 $0xFFFFF380  }
0x139: {  	_ =	swait.ge [sflag:s18], $0xC80  }
0x13a: {  	[sflag:s18] =	ssyncset.done $0x0  }
0x13b: {  	[sflag:s18] =	ssyncadd.s32 $0xFFFFF380  }
0x13c: {  	_ =	swait.ge [sflag:s18], $0xC80  }
0x13d: {  	[sflag:s18] =	ssyncset.done $0x0  }
0x13e: {  	[sflag:s18] =	ssyncadd.s32 $0xFFFFF380  }
0x13f: {  	_ =	swait.ge [sflag:s18], $0xC80  }
0x140: {  	[sflag:s18] =	ssyncset.done $0x0  }
0x141: {  	[sflag:s18] =	ssyncadd.s32 $0xFFFFF380  }
0x142: {  	_ =	swait.ge [sflag:s18], $0xC80  }
0x143: {  	[sflag:s18] =	ssyncset.done $0x0  }
0x144: {  	s26 =	simm.s32 $0x0;
	[sflag:s18] =	ssyncadd.s32 $0xFFFFF380  }
0x145: {  	v1 =	vld [tilespmem:s26+$0x19D00]  }
0x146: {  	v0 =	vld [tilespmem:s26+$0x19D10]  }
0x147: {  	v5 =	vld [tilespmem:s26+$0x13900]  }
0x148: {  	v7 =	vld [tilespmem:s26+$0x13910]  }
0x149: {  	v6 =	vld [tilespmem:s26+$0x15200]  }
0x14a: {  	v3 =	vld [tilespmem:s26+$0x15210]  }
0x14b: {  	v2 =	vld [tilespmem:s26+$0x16B00]  }
0x14c: {  	v4 =	vld [tilespmem:s26+$0x16B10];
	v8 =	vadd.f32 v5, v1  }
0x14d: {  	s28 =	simm.s32 $0x80;
	v7 =	vadd.f32 v7, v0;
	v5 =	vld [tilespmem:s26+$0x18400]  }
.LBB2_9:
0x14e: {  	s1 =	sshra.s32 s28, $0x2;
	p0 =	sne.s32 s28, $0x6380;
	[tilespmem:s26+$0x13900] =	vst v8;
	v6 =	vadd.f32 v6, v1;
	v8 =	vld [tilespmem:s26+$0x18410]  }
0x14f: {  	v9 =	vld [tilespmem:s1+$0x19D00];
	[tilespmem:s26+$0x13910] =	vst v7;
	v3 =	vadd.f32 v3, v0  }
0x150: {  	v7 =	vld [tilespmem:s1+$0x19D10];
	[tilespmem:s26+$0x15200] =	vst v6;
	v2 =	vadd.f32 v2, v1  }
0x151: {  	v10 =	vld [tilespmem:s1+$0x13900];
	[tilespmem:s26+$0x15210] =	vst v3;
	v3 =	vadd.f32 v4, v0  }
0x152: {  	v11 =	vld [tilespmem:s1+$0x13910];
	[tilespmem:s26+$0x16B00] =	vst v2;
	v2 =	vadd.f32 v5, v1  }
.Ltmp3:
0x153: {  	v6 =	vld [tilespmem:s1+$0x15200];
	[tilespmem:s26+$0x16B10] =	vst v3;
	v4 =	vadd.f32 v8, v0;
	(pc) =	sbr.rel @p0 .LBB2_9-.Ltmp3, $4  }
0x154: {  	v3 =	vld [tilespmem:s1+$0x15210];
	[tilespmem:s26+$0x18400] =	vst v2;
	v1 =	vmov v9  }
0x155: {  	v2 =	vld [tilespmem:s1+$0x16B00];
	[tilespmem:s26+$0x18410] =	vst v4;
	v0 =	vmov v7;
	s26 =	smov.u32 s1  }
0x156: {  	v8 =	vadd.f32 v10, v1;
	v4 =	vld [tilespmem:s26+$0x16B10]  }
0x157: {  	s28 =	sadd.s32 $0x80, s28;
	v7 =	vadd.f32 v11, v0;
	v5 =	vld [tilespmem:s26+$0x18400]  }
0x158: {  	[tilespmem:s26+$0x13900] =	vst v8;
	v6 =	vadd.f32 v6, v1;
	v60 =	vld [tilespmem:s26+$0x18410]  }
0x159: {  	[tilespmem:s26+$0x13910] =	vst v7;
	v3 =	vadd.f32 v3, v0  }
0x15a: {  	s24 =	sadd.s32 $0x1, s24;
	[tilespmem:s26+$0x15200] =	vst v6;
	v2 =	vadd.f32 v2, v1  }
0x15b: {  	p0 =	sne.s32 s24, $0x8;
	[tilespmem:s26+$0x15210] =	vst v3;
	v61 =	vadd.f32 v4, v0  }
.Ltmp4:
0x15c: {  	[tilespmem:s26+$0x16B00] =	vst v2;
	v62 =	vadd.f32 v5, v1;
	(pc) =	sbr.rel @p0 .LBB2_2-.Ltmp4, $4  }
0x15d: {  	s1 =	smul.u32 $0xC80, s25;
	[tilespmem:s26+$0x16B10] =	vst v61;
	v63 =	vadd.f32 v60, v0  }
0x15e: {  	[tilespmem:s26+$0x18400] =	vst v62  }
0x15f: {  	s1 =	sadd.s32 s2, s1;
	[tilespmem:s26+$0x18410] =	vst v63  }
0x160: {  	[hbm4b:s1+s3] =	stream.linear.scatter [tilespmem:s15], [sflag:$0x8], $0x6400, $0x38;
	[tilespmem:$0x1B600] =	vst v63  }
0x161: {  	s1 =	simm.s32 $0x6  }
0x162: {  	_ =	swait.ge [sflag:s1], $0x6400  }
0x163: {  	[sflag:s1] =	ssyncset.done $0x0  }
0x164: {  	s30 =	simm.s32 $0x7;
	[sflag:s1] =	ssyncadd.s32 $0xFFFF9C00  }
0x165: {  	_ =	swait.ge [sflag:s30], $0x6400  }
0x166: {  	[sflag:s30] =	ssyncset.done $0x0  }
0x167: {  	[sflag:s30] =	ssyncadd.s32 $0xFFFF9C00  }
0x168: {  	_ =	swait.ge [sflag:s23], $0x6400  }
0x169: {  	s24 =	rddreg [dreg:$0x7]  }
0x16a: {  	s31 =	rddreg [dreg:$0x6];
	s24 =	sadd.s32 $0x1, s24  }
0x16b: {  	p0 =	sne.s32 s24, s31  }
.Ltmp5:
0x16c: {  	_ = 	snop;
	(pc) =	sbr.rel @p0 .LBB2_1-.Ltmp5, $3  }
0x16d: {  	_ =	sdelay $0x1  }
0x16e: {  	[sflag:s23] =	ssyncset.done $0x0  }
0x16f: {  	[sflag:s23] =	ssyncadd.s32 $0xFFFF9C00  }
0x170: {  	_ =	sfence.sel $0x180000  }
0x171: {  	[bflag:$0x0] =	sbarrier.arrive $0xFFFF  }
0x172: {  	_ =	strace $0x90000047  }
0x173: {  	s0 =	stileid.u32;
	[bflag:$0x2] =	sbarrier.arrive $0xFFFF  }
0x174: {  	p0 =	sne.s32 s0, $0x0;
	s0 =	rddreg [dreg:$0x2]  }
0x175: {  	s0 =	sadd.s32 @!p0 $0x100000, s0  }
0x176: {  	[sflag:s0] =	ssyncadd.tile.s32 @!p0 $0x1;
	_ =	shalt  }
.Lfunc_end2:
_tile_overlayer_lowered:
.L_overlay_start_2:
0x177: {  	(tag) =	ssettag $0x2  }
0x178: {  	s0 =	rddreg [dreg:$0x0];
	s2 =	stileid.u32  }
0x179: {  	s1 =	rddreg [dreg:$0x1];
	p0 =	sne.s32 s2, $0x0  }
0x17a: {  	s3 =	rddreg [dreg:$0x2];
	[bflag:$0x3] =	sbarrier.arrive $0xFFFF;
	s2 =	simm.s32 @!p0 $0x1C0D  }
0x17b: {  	[timem:s3], [sflag:s2] =	dma.local @!p0 [hbm:s0], s1  }
0x17c: {  	s0 =	simm.s32 @!p0 $0xD  }
0x17d: {  	_ =	swait.ge @!p0 [sflag:s0], s1  }
0x17e: {  	s1 =	ssub.s32 @!p0 $0x0, s1;
	[sflag:s0] =	ssyncset.done @!p0 $0x0  }
0x17f: {  	[sflag:s0] =	ssyncadd.s32 @!p0 s1  }
0x180: {  	[bflag:$0x3] =	sbarrier.arrive $0xFFFF  }
0x181: {  	_ =	shalt  }

// kernel: sparse-core-data-format-call.cloned.1.call-start
scs
called_computation_lowered:
.L_overlay_start_0:
0x0: {  	s2 =	sld [smem:$0x3FD9]  }
0x1: {  	s3 =	sld [smem:$0x3FFE];
	_ =	sdelay $0x1  }
0x2: {  	s1 =	srdreg.scid  }
0x3: {  	s0 =	sand.u32 $0x1, s1  }
0x4: {  	s18 =	sshll.u32 s0, $0xA;
	s2 =	sadd.s32 s3, s2  }
0x5: {  	s2 =	sadd.s32 s2, s18  }
0x6: {  	[smem:$0x3FC5] =	sst s2  }
0x7: {  	_ = 	snop  }
0x8: {  	s2 =	sld [smem:$0x3FD0];
	(tm) =	ssettm $0x1  }
0x9: {  	s19 =	sld [smem:$0x3FFB];
	_ =	sdelay $0x3  }
0xa: {  	_ =	strace s19  }
0xb: {  	s3 =	sld [smem:$0x3FFC];
	_ =	sdelay $0x3  }
0xc: {  	_ =	strace s3  }
0xd: {  	s3 =	sld [smem:$0x3FFD];
	_ =	sdelay $0x3  }
0xe: {  	_ =	strace s3  }
0xf: {  	_ =	strace $0x8FFFFFFF  }
0x10: {  	s20 =	sld [smem:$0x3FDB];
	_ =	sdelay $0x1  }
0x11: {  	s4 =	simm.s32 $_scs_section_size  }
0x12: {  	s5 =	simm.s32 $_size__tile_overlayer_lowered;
	s6 =	simm.s32 $_tile_overlayer_lowered  }
0x13: {  	s23 =	simm.s32 $0x1BFF;
	s22 =	sshll.u32 s6, $0x1;
	s3 =	sadd.s32 s4, s20  }
0x14: {  	s7 =	simm.s32 $0x0;
	s21 =	sshll.u32 s5, $0x1;
	s5 =	sadd.s32 s22, s3  }
0x15: {  	[timem:s7], [sflag:s23] =	dma.local [hbm:s5], s21  }
0x16: {  	_ =	swait.ge [sflag:s23], s21  }
0x17: {  	s4 =	ssub.s32 $0x0, s21;
	[sflag:s23] =	ssyncset.done $0x0  }
0x18: {  	[sflag:s23] =	ssyncadd.s32 s4;
	_ =	sdelay $0x1  }
0x19: {  	s24 =	simm.s32 $0x1B8B  }
0x1a: {  	_ =	swait.ge [sflag:s24], $0x1  }
0x1b: {  	[sflag:s24] =	ssyncset.done $0x0  }
0x1c: {  	s26 =	simm.s32 $0x1B8E;
	s25 =	sld [smem:$0x3FFE];
	[sflag:s24] =	ssyncadd.s32 $0xFFFFFFFF  }
0x1d: {  	s27 =	simm.s32 $execute0_lowered;
	[smem:$0x3FD2] =	sst s26  }
0x1e: {  	s5 =	sshll.u32 s27, $0x1;
	_ =	strace $0x80000049;
	[dreg:$0x1] =	wrdreg $0xFFFFFFFF  }
0x1f: {  	s28 =	simm.s32 $_size_execute0_lowered;
	s3 =	sadd.s32 s3, s5;
	[dreg:$0x0] =	wrdreg $0x0  }
0x20: {  	s5 =	sshll.u32 s28, $0x1;
	[dreg:$0x2] =	wrdreg s3  }
0x21: {  	[dreg:$0x3] =	wrdreg s5  }
0x22: {  	[dreg:$0x4] =	wrdreg $0xC0  }
0x23: {  	_ =	task [dreg:s7], $0x5FFFF  }
0x24: {  	[dreg:$0x1] =	wrdreg $0xFFFFFFFF  }
0x25: {  	[dreg:$0x0] =	wrdreg $0x60  }
0x26: {  	[dreg:$0x2] =	wrdreg s25  }
0x27: {  	[dreg:$0x3] =	wrdreg s2  }
0x28: {  	[dreg:$0x4] =	wrdreg $0x9  }
0x29: {  	_ =	task.clear_ibuf [dreg:s7], $0x5FFFF;
	_ =	strace $0x90000049  }
0x2a: {  	s29 =	simm.s32 $0x9;
	_ =	strace $0x8000004B  }
0x2b: {  	_ =	swait.ge [sflag:s29], $0x1  }
0x2c: {  	[sflag:s29] =	ssyncadd.s32 $0xFFFFFFFF  }
0x2d: {  	_ =	strace $0x9000004B  }
0x2e: {  	_ =	sfence  }
0x2f: {  	s30 =	sld [smem:$0x0];
	_ =	sdelay $0x2  }
0x30: {  	s31 =	sshll.u32 s1, $0xD;
	s1 =	sshrl.u32 s1, $0x2  }
0x31: {  	s3 =	sand.u32 $0x4000, s31;
	s1 =	sadd.s32 s1, s30  }
0x32: {  	s0 =	sor.u32 s3, s0;
	s1 =	sshll.u32 s1, $0x11  }
0x33: {  	s0 =	sor.u32 s1, s0  }
0x34: {  	s0 =	sadd.s32 $0x8F2B, s0  }
0x35: {  	[sflag:s0] =	ssyncadd.remote.s32 $0x1  }
0x36: {  	_ =	sfence.sel $0xFFFF  }
0x37: {  	[dreg:$0x0] =	wrdreg $0xFFFFFFFF;
	(pc) =	sbr.abs _section_cstart, $3  }
0x38: {  	[dreg:$0x1] =	wrdreg $0xFFFFFFFF  }
0x39: {  	_ =	task.clear_ibuf [dreg:s7], $0x2FFFF;
	_ =	strace $0x9FFFFFFF  }
0x3a: {  	(tm) =	ssettm $0x7FFFFFFF  }
0x3b: {  	_ =	shalt  }
tec
execute0_lowered:
.L_overlay_start_1:
0x0: {  	(tag) =	ssettag $0x1  }
0x1: {  	s0 =	srdreg.scid  }
0x2: {  	s1 =	sshll.u32 s0, $0x4  }
0x3: {  	s0 =	stileid.u32;
	s1 =	sand.u32 $0x10, s1  }
0x4: {  	s1 =	sor.u32 s0, s1  }
0x5: {  	s6 =	rddreg [dreg:$0x0];
	s4 =	simm.s32 $0x1;
	s2 =	sshll.u32 s1, $0x7  }
0x6: {  	s7 =	simm.s32 $0x2;
	s12 =	simm.s32 $0x0;
	s1 =	ssub.s32 $0x1000, s2  }
0x7: {  	s8 =	simm.s32 $0x8000;
	s13 =	simm.s32 $0x0;
	s3 =	sand.u32 $0xF80, s1  }
0x8: {  	s9 =	simm.s32 $0x0;
	s5 =	sshrl.u32 s1, $0xC;
	p0 =	sne.s32 s3, $0x0  }
.Ltmp0:
0x9: {  	s1 =	rddreg [dreg:$0x2];
	s4 =	simm.s32 @!p0 $0x0;
	(pc) =	sbr.rel .LBB1_1-.Ltmp0, $4  }
0xa: {  	s11 =	simm.s32 $0x0;
	s3 =	rddreg [dreg:$0x1];
	s5 =	sadd.s32 s4, s5  }
0xb: {  	_ =	strace $0x8000004A;
	s4 =	simm.s32 $0x1;
	s5 =	smul.u32 $0xC8, s5  }
0xc: {  	s6 =	sadd.s32 $0xC00, s6;
	s10 =	smov.u32 s2;
	[sflag:s4] =	ssyncpa.u1 $0x0  }
0xd: {  	p0 =	por $0x0, $0x0;
	[sflag:s7] =	ssyncpa.u1 $0x0;
	s7 =	sor.u32 $0x1, s5  }
.LBB1_4:
0xe: {  	s16 =	sshll.u32 s13, $0x3;
	s17 =	sand.u32 $0x78, s13  }
0xf: {  	s30 =	sand.u32 $0x3E00, s13;
	s12 =	sshll.u32 s12, $0xE;
	s16 =	sand.u32 $0xC00, s16  }
0x10: {  	s31 =	sand.u32 $0x7, s13;
	s16 =	sor.u32 s17, s16;
	s17 =	sadd.s32 s3, s30  }
0x11: {  	s13 =	sshll.u32 s31, $0x12;
	s16 =	sshrl.u32 s16, $0x3;
	s12 =	sadd.s32 s12, s17  }
0x12: {  	[tilespmem:s15+$0x0 ss:$0x81] =	vst.msk $0xffff, v0;
	s13 =	sor.u32 $0x400, s13;
	s12 =	sadd.s32 s16, s12  }
0x13: {  	[hbm4b:s12+s13] =	stream.strided.scatter [tilespmem:s14], [sflag:$0x2], $0x1000, s8, s13, $0x20;
	[tilespmem:$0x4040] =	vst v63  }
.LBB1_5:
0x14: {  	s14 =	sadd.s32 $0x1, s9  }
0x15: {  	s12 =	sadd.s32 $0x1000, s10;
	s16 =	smov.u32 s10;
	p2 =	sgt.s32 s14, $0xC7  }
0x16: {  	s16 =	smov.u32 @p2 s12  }
0x17: {  	s14 =	simm.s32 @p2 $0x0;
	p2 =	sgt.s32 s16, $0xFFF  }
0x18: {  	s16 =	smov.u32 @p2 s2;
	p2 =	sne.s32 s11, s7  }
.Ltmp1:
0x19: {  	p1 =	slt.u32 s11, $0x2;
	(pc) =	sbr.rel @!p2 .LBB1_6-.Ltmp1, $4  }
0x1a: {  	s15 =	simm.s32 @!p1 $0x2  }
0x1b: {  	s13 =	smov.u32 s10;
	p0 =	por !p0, !p0;
	_ =	swait.ge @!p1 [sflag:s15], $0x1000  }
0x1c: {  	s12 =	smov.u32 s9;
	[sflag:s15] =	ssyncset.done @!p1 $0x0;
	s9 =	smov.u32 s14  }
0x1d: {  	s11 =	sadd.s32 $0x1, s11;
	[sflag:s15] =	ssyncadd.s32 @!p1 $0xFFFFF000;
	s10 =	smov.u32 s16  }
.LBB1_1:
0x1e: {  	p1 =	sge.u32 s11, s5  }
0x1f: {  	s14 =	sand.u32 @!p1 $0x1FFFFFF, s9  }
0x20: {  	s15 =	smulhi.u32 @!p1 $0x147AE15, s14;
	_ =	sdelay $0x1  }
0x21: {  	s15 =	smul.u32 @!p1 $0xC8, s15  }
0x22: {  	s16 =	sxor.u32 @!p1 $0xFFFFFFFF, s11;
	s17 =	smul.u32 @!p1 $0xC80, s10  }
0x23: {  	s31 =	sadd.s32 $0xFFFFFFFF, s11;
	s16 =	sshll.u32 @!p1 s16, $0xC;
	s14 =	ssub.s32 @!p1 s14, s15  }
0x24: {  	s15 =	sand.u32 @!p1 $0x1000, s16;
	s16 =	sadd.s32 @!p1 s6, s17;
	s14 =	sshll.u32 @!p1 s14, $0x4  }
0x25: {  	s17 =	simm.s32 @!p1 $0x6400;
	s14 =	sadd.s32 @!p1 s14, s16;
	s16 =	simm.s32 @!p1 $0x20  }
0x26: {  	[tilespmem:s15], [sflag:$0x1] =	stream.strided.gather @!p1 [hbm4b:s14+s16], $0x1000, s17, s16, $0x38;
	[tilespmem:$0x4040] =	vst v63  }
0x27: {  	p1 =	sge.u32 s31, s5  }
.Ltmp2:
0x28: {  	_ = 	snop;
	(pc) =	sbr.rel @p1 .LBB1_5-.Ltmp2, $1  }
0x29: {  	_ =	sdelay $0x3  }
0x2a: {  	s14 =	simm.s32 $0x1  }
0x2b: {  	_ =	swait.ge [sflag:s4], $0x1000;
	s14 =	simm.s32 @!p0 $0x0  }
0x2c: {  	[sflag:s4] =	ssyncset.done $0x0;
	s15 =	sshll.u32 s14, $0xC  }
0x2d: {  	[sflag:s4] =	ssyncadd.s32 $0xFFFFF000;
	s18 =	sor.u32 $0x10, s15  }
0x2e: {  	s14 =	smul.u32 $0x4080, s14;
	v1 =	vld [tilespmem:s18+$0x0]  }
0x2f: {  	s30 =	sand.u32 $0x1, s11;
	v0 =	vld [tilespmem:s18+$0xFFFFFFF0]  }
0x30: {  	s15 =	smul.u32 $0x4080, s30;
	s14 =	sshrl.u32 s14, $0x2  }
0x31: {  	s16 =	sor.u32 $0x2000, s14  }
0x32: {  	s31 =	sshrl.u32 s15, $0x2;
	s15 =	sadd.s32 $0x0, s16  }
0x33: {  	s17 =	simm.s32 $0x4;
	s18 =	sadd.s32 $0x20, s18;
	s14 =	sor.u32 $0x2000, s31;
	[tilespmem:s15+$0x810 ss:$0x81] =	vst.msk $0xffff, v1  }
.LBB1_3:
0x34: {  	v1 =	vld [tilespmem:s18+$0x0];
	p1 =	sne.s32 s17, $0x1FC;
	[tilespmem:s15+$0x0 ss:$0x81] =	vst.msk $0xffff, v0;
	s15 =	smov.u32 s17;
	s17 =	sadd.s32 $0x4, s17  }
.Ltmp3:
0x35: {  	v0 =	vld [tilespmem:s18+$0xFFFFFFF0];
	(pc) =	sbr.rel @p1 .LBB1_3-.Ltmp3, $4  }
0x36: {  	_ = 	snop  }
0x37: {  	s15 =	sshra.s32 s15, $0x2  }
0x38: {  	s15 =	sadd.s32 s15, s16  }
0x39: {  	s18 =	sadd.s32 $0x20, s18;
	[tilespmem:s15+$0x810 ss:$0x81] =	vst.msk $0xffff, v1  }
.Ltmp4:
0x3a: {  	_ = 	snop;
	(pc) =	sbr.rel .LBB1_4-.Ltmp4, $1  }
0x3b: {  	_ =	sdelay $0x3  }
.LBB1_6:
0x3c: {  	_ =	sfence.sel $0x180000  }
0x3d: {  	s2 =	simm.s32 $0x1;
	[bflag:$0x0] =	sbarrier.arrive $0xFFFF  }
0x3e: {  	s31 =	simm.s32 $0x2;
	[sflag:s2] =	ssyncpa.u1 $0x1  }
0x3f: {  	[sflag:s31] =	ssyncpa.u1 $0x1  }
0x40: {  	p0 =	sne.s32 s0, $0x0;
	_ =	strace $0x9000004A  }
0x41: {  	s0 =	sadd.s32 @!p0 $0x100000, s1;
	[bflag:$0x2] =	sbarrier.arrive $0xFFFF  }
0x42: {  	[sflag:s0] =	ssyncadd.tile.s32 @!p0 $0x1;
	_ =	shalt  }
.Lfunc_end1:
_tile_overlayer_lowered:
.L_overlay_start_2:
0x43: {  	(tag) =	ssettag $0x2  }
0x44: {  	s0 =	rddreg [dreg:$0x0];
	s2 =	stileid.u32  }
0x45: {  	s1 =	rddreg [dreg:$0x1];
	p0 =	sne.s32 s2, $0x0  }
0x46: {  	s3 =	rddreg [dreg:$0x2];
	[bflag:$0x3] =	sbarrier.arrive $0xFFFF;
	s2 =	simm.s32 @!p0 $0x1C01  }
0x47: {  	[timem:s3], [sflag:s2] =	dma.local @!p0 [hbm:s0], s1  }
0x48: {  	s0 =	simm.s32 @!p0 $0x1  }
0x49: {  	_ =	swait.ge @!p0 [sflag:s0], s1  }
0x4a: {  	s1 =	ssub.s32 @!p0 $0x0, s1;
	[sflag:s0] =	ssyncset.done @!p0 $0x0  }
0x4b: {  	[sflag:s0] =	ssyncadd.s32 @!p0 s1  }
0x4c: {  	[bflag:$0x3] =	sbarrier.arrive $0xFFFF  }
0x4d: {  	_ =	shalt  }

</sc_bundles>
